<compile_context>
chip_gen: v7x
topology: tpu7x:2x2x1
jax: 0.10.2.dev20260603
libtpu: 0.0.44.dev20260713+nightly
codegen_flags: <defaults>
</compile_context>

<pallas_src>
import functools

import jax
import jax.numpy as jnp
from jax import lax
from jax.experimental import pallas as pl
from jax.experimental.pallas import tpu as pltpu
from jax.experimental.pallas import tpu_sc as plsc

_NC = 2
_NS = 16
_LANES = 16


def kernel(tokens, word_table, learned_embedding):
    B, L = tokens.shape
    V, D = word_table.shape
    NVT = learned_embedding.shape[0]
    P = NVT + 3
    T = P + (L - 1)
    G = L - 1

    NW = _NC * _NS
    CH = 128
    NCH = B // CH
    TSTRIDE = NW // NCH
    NK = (G + TSTRIDE - 1) // TSTRIDE
    NBUF = 6
    LAG = NBUF // 2
    NSLOT = NBUF * ((NK + LAG + NBUF - 1) // NBUF)

    mesh = plsc.VectorSubcoreMesh(
        core_axis_name="c", subcore_axis_name="s",
        num_cores=_NC, num_subcores=_NS)

    @functools.partial(
        pl.kernel,
        out_type=jax.ShapeDtypeStruct((T, B, D), jnp.float32),
        mesh=mesh,
        scratch_types=[
            pltpu.VMEM((NK, CH), jnp.int32),
            [pltpu.VMEM((CH, D), jnp.float32) for _ in range(NBUF)],
            pltpu.SemaphoreType.DMA,
            [pltpu.SemaphoreType.DMA for _ in range(NBUF)],
            [pltpu.SemaphoreType.DMA for _ in range(NBUF)],
        ],
    )
    def sc_kernel(tokt_hbm, table_hbm, learned_hbm, out_hbm,
                  idxall, bufs, isem, gsems, wsems):
        wid = lax.axis_index("s") * _NC + lax.axis_index("c")
        cb = (wid % NCH) * CH
        tq = wid // NCH

        def t_of(k):
            return tq + TSTRIDE * k

        def i_wait(k):
            pltpu.make_async_copy(tokt_hbm.at[0].at[pl.ds(cb, CH)],
                                  idxall.at[k], isem).wait()

        def issue(k, buf, gsem):
            i_wait(k)
            pltpu.async_copy(table_hbm.at[idxall.at[k]], buf, gsem)

        def g_wait(k, buf, gsem):
            pltpu.make_async_copy(table_hbm.at[idxall.at[k]],
                                  buf, gsem).wait()

        def write(k, buf, wsem):
            pltpu.async_copy(buf, out_hbm.at[P + t_of(k)].at[pl.ds(cb, CH)],
                             wsem)

        def w_wait(k, buf, wsem):
            pltpu.make_async_copy(buf,
                                  out_hbm.at[P + t_of(k)].at[pl.ds(cb, CH)],
                                  wsem).wait()

        for k in range(LAG):
            j = jnp.clip(t_of(k) + 1, 0, L - 1)
            pltpu.async_copy(tokt_hbm.at[j].at[pl.ds(cb, CH)],
                             idxall.at[k], isem)
        for k in range(LAG):
            issue(k, bufs[k], gsems[k])
        for k in range(LAG, NK):
            j = jnp.clip(t_of(k) + 1, 0, L - 1)
            pltpu.async_copy(tokt_hbm.at[j].at[pl.ds(cb, CH)],
                             idxall.at[k], isem)

        def body(kk, carry):
            for p in range(NBUF):
                k = NBUF * kk + p
                pn = (p + LAG) % NBUF

                @pl.when((k >= LAG) & (t_of(jnp.maximum(k - LAG, 0)) < G))
                def _():
                    w_wait(k - LAG, bufs[pn], wsems[pn])

                @pl.when((k + LAG < NK) & (t_of(k + LAG) < G))
                def _():
                    issue(k + LAG, bufs[pn], gsems[pn])

                @pl.when(t_of(k) < G)
                def _():
                    g_wait(k, bufs[p], gsems[p])
                    write(k, bufs[p], wsems[p])
            return carry

        lax.fori_loop(0, NSLOT // NBUF, body, 0)

        @pl.when(t_of(NK - 1) >= G)
        def _():
            i_wait(NK - 1)

    tokens_t = tokens.T
    out = sc_kernel(tokens_t, word_table, learned_embedding)

    learned_block = jnp.concatenate(
        [word_table[1:2], word_table[2:3], learned_embedding,
         word_table[3:4]], axis=0)
    lb = jnp.broadcast_to(learned_block[:, None, :], (P, B, D))
    full = lax.dynamic_update_slice(out, lb, (0, 0, 0))
    return jnp.transpose(full, (1, 0, 2))

# --- scband reference (transcript-rebuilt; emitter-appended) ---
"""Pipeline reference for scband-prompt-embedding-71116068487180 (READ-ONLY COPY).

The authoritative reference and input builder live on the scoring server;
editing this copy changes nothing except your own understanding.
"""

import jax, jax.numpy as jnp
import numpy as np

VOCAB = 100000
D = 128
B = 1024
L = 200
NVT = 20
START_ID = 1
INSTRUCT_ID = 2
QUERY_ID = 3


def setup_inputs(seed: int = 0) -> dict:
    key = jax.random.key(seed)
    k1, k2 = jax.random.split(key, 2)
    tokens = jax.random.randint(k1, (B, L), 0, VOCAB, dtype=jnp.int32)
    word_table = jax.random.normal(k2, (VOCAB, D), dtype=jnp.float32) * 0.02
    # learned prompt embedding initialized from the first NVT token rows of the table
    learned_embedding = jnp.take(word_table, jnp.arange(NVT), axis=0)
    return {"tokens": tokens, "word_table": word_table, "learned_embedding": learned_embedding}


def reference(tokens, word_table, learned_embedding):
    bsz = tokens.shape[0]
    # main embedding lookup
    input_embedding = jnp.take(word_table, tokens, axis=0)  # [B, L, D]
    # special token embeddings (detached in the torch module)
    sp = jax.lax.stop_gradient(
        jnp.take(word_table, jnp.array([START_ID, INSTRUCT_ID, QUERY_ID], dtype=jnp.int32), axis=0)
    )  # [3, D]
    start_embeds = jnp.broadcast_to(sp[0][None, None, :], (bsz, 1, D))
    instruct_embeds = jnp.broadcast_to(sp[1][None, None, :], (bsz, 1, D))
    query_embeds = jnp.broadcast_to(sp[2][None, None, :], (bsz, 1, D))
    learned_embeds = jnp.broadcast_to(learned_embedding[None, :, :], (bsz, NVT, D))
    learned_block = jnp.concatenate([start_embeds, instruct_embeds, learned_embeds, query_embeds], axis=1)
    concat = jnp.concatenate([learned_block, input_embedding[:, 1:, :]], axis=1)
    return concat

if __name__ == "__main__":
    import jax
    _d = setup_inputs()
    print(jax.jit(kernel)(*tuple(_d.values())))

</pallas_src>

<mosaic_0001>
#map = affine_map<(d0, d1) -> (0, 0)>
#map1 = affine_map<(d0, d1) -> (0, 0, 0)>
module attributes {stable_mosaic.version = 14 : i64} {
  func.func @sc_kernel(%arg0: i32, %arg1: i32, %arg2: memref<200x1024xi32, #tpu.memory_space<hbm>>, %arg3: memref<100000x128xf32, #tpu.memory_space<hbm>>, %arg4: memref<20x128xf32, #tpu.memory_space<hbm>>, %arg5: memref<222x1024x128xf32, #tpu.memory_space<hbm>>, %arg6: memref<50x128xi32, #tpu.memory_space<vmem>>, %arg7: memref<128x128xf32, #tpu.memory_space<vmem>>, %arg8: memref<128x128xf32, #tpu.memory_space<vmem>>, %arg9: memref<128x128xf32, #tpu.memory_space<vmem>>, %arg10: memref<128x128xf32, #tpu.memory_space<vmem>>, %arg11: memref<128x128xf32, #tpu.memory_space<vmem>>, %arg12: memref<128x128xf32, #tpu.memory_space<vmem>>, %arg13: memref<!tpu.dma_semaphore, #tpu.memory_space<semaphore_mem>>, %arg14: memref<!tpu.dma_semaphore, #tpu.memory_space<semaphore_mem>>, %arg15: memref<!tpu.dma_semaphore, #tpu.memory_space<semaphore_mem>>, %arg16: memref<!tpu.dma_semaphore, #tpu.memory_space<semaphore_mem>>, %arg17: memref<!tpu.dma_semaphore, #tpu.memory_space<semaphore_mem>>, %arg18: memref<!tpu.dma_semaphore, #tpu.memory_space<semaphore_mem>>, %arg19: memref<!tpu.dma_semaphore, #tpu.memory_space<semaphore_mem>>, %arg20: memref<!tpu.dma_semaphore, #tpu.memory_space<semaphore_mem>>, %arg21: memref<!tpu.dma_semaphore, #tpu.memory_space<semaphore_mem>>, %arg22: memref<!tpu.dma_semaphore, #tpu.memory_space<semaphore_mem>>, %arg23: memref<!tpu.dma_semaphore, #tpu.memory_space<semaphore_mem>>, %arg24: memref<!tpu.dma_semaphore, #tpu.memory_space<semaphore_mem>>, %arg25: memref<!tpu.dma_semaphore, #tpu.memory_space<semaphore_mem>>) attributes {dimension_semantics = [#tpu.dimension_semantics<core_parallel>, #tpu.dimension_semantics<subcore_parallel>], iteration_bounds = array<i64: 2, 16>, scalar_prefetch = 0 : i64, scratch_operands = 20 : i64, tpu.core_type = #tpu.core_type<sc_vector_subcore>, window_params = [{transform_indices = #map}, {transform_indices = #map}, {transform_indices = #map}, {transform_indices = #map1}]} {
    %mul3A = arith.constant 2 : i32
    %mul3A_0 = arith.muli %arg1, %mul3A : i32
    %add3A = arith.addi %mul3A_0, %arg0 : i32
    %jit3A = arith.constant 8 : i32
    %eq3A = arith.constant 0 : i32
    %eq3A_1 = arith.cmpi eq, %jit3A, %eq3A : i32
    %jit3A_2 = arith.constant 1 : i32
    %select_n3A = arith.select %eq3A_1, %jit3A_2, %jit3A : i32
    %rem3A = arith.remsi %add3A, %select_n3A : i32
    %ne3A = arith.constant 0 : i32
    %ne3A_3 = arith.cmpi ne, %rem3A, %ne3A : i32
    %lt3A = arith.constant 0 : i32
    %lt3A_4 = arith.cmpi slt, %rem3A, %lt3A : i32
    %lt3A_5 = arith.constant 0 : i32
    %lt3A_6 = arith.cmpi slt, %select_n3A, %lt3A_5 : i32
    %ne3A_7 = arith.xori %lt3A_4, %lt3A_6 : i1
    %and3A = arith.andi %ne3A_7, %ne3A_3 : i1
    %add3A_8 = arith.addi %rem3A, %select_n3A : i32
    %select_n3A_9 = arith.select %and3A, %add3A_8, %rem3A : i32
    %mul3A_10 = arith.constant 128 : i32
    %mul3A_11 = arith.muli %select_n3A_9, %mul3A_10 : i32
    %jit3A_12 = arith.constant 8 : i32
    %div3A = arith.divsi %add3A, %jit3A_12 : i32
    %sign3A = arith.constant 0 : i32
    %sign3A_13 = arith.cmpi sgt, %add3A, %sign3A : i32
    %sign3A_14 = arith.extui %sign3A_13 : i1 to i32
    %sign3A_15 = arith.constant 0 : i32
    %sign3A_16 = arith.cmpi slt, %add3A, %sign3A_15 : i32
    %sign3A_17 = arith.extui %sign3A_16 : i1 to i32
    %sign3A_18 = arith.subi %sign3A_14, %sign3A_17 : i32
    %sign3A_19 = arith.constant 0 : i32
    %sign3A_20 = arith.cmpi sgt, %jit3A_12, %sign3A_19 : i32
    %sign3A_21 = arith.extui %sign3A_20 : i1 to i32
    %sign3A_22 = arith.constant 0 : i32
    %sign3A_23 = arith.cmpi slt, %jit3A_12, %sign3A_22 : i32
    %sign3A_24 = arith.extui %sign3A_23 : i1 to i32
    %sign3A_25 = arith.subi %sign3A_21, %sign3A_24 : i32
    %ne3A_26 = arith.cmpi ne, %sign3A_18, %sign3A_25 : i32
    %rem3A_27 = arith.remsi %add3A, %jit3A_12 : i32
    %ne3A_28 = arith.constant 0 : i32
    %ne3A_29 = arith.cmpi ne, %rem3A_27, %ne3A_28 : i32
    %and3A_30 = arith.andi %ne3A_26, %ne3A_29 : i1
    %sub3A = arith.constant 1 : i32
    %sub3A_31 = arith.subi %div3A, %sub3A : i32
    %select_n3A_32 = arith.select %and3A_30, %sub3A_31, %div3A : i32
    %add3A_33 = arith.constant 0 : i32
    %add3A_34 = arith.addi %select_n3A_32, %add3A_33 : i32
    %add3A_35 = arith.constant 1 : i32
    %add3A_36 = arith.addi %add3A_34, %add3A_35 : i32
    %jit3A_37 = arith.constant 0 : i32
    %jit3A_38 = arith.constant 199 : i32
    %max3A = arith.maxsi %jit3A_37, %add3A_36 : i32
    %min3A = arith.minsi %jit3A_38, %max3A : i32
    %dma_start3A = arith.constant 0 : i32
    %dma_start3A_39 = arith.constant 0 : i32
    %dma_start3A_40 = tpu.memref_slice %arg6[%dma_start3A, %dma_start3A_39] : memref<50x128xi32, #tpu.memory_space<vmem>> -> memref<1x128xi32, #tpu.memory_space<vmem>>
    %dma_start3A_41 = tpu.memref_squeeze %dma_start3A_40 : memref<1x128xi32, #tpu.memory_space<vmem>> -> memref<128xi32, #tpu.memory_space<vmem>>
    %dma_start3A_42 = arith.constant 0 : i32
    %dma_start3A_43 = tpu.memref_slice %arg2[%min3A, %dma_start3A_42] : memref<200x1024xi32, #tpu.memory_space<hbm>> -> memref<1x1024xi32, #tpu.memory_space<hbm>>
    %dma_start3A_44 = tpu.memref_squeeze %dma_start3A_43 : memref<1x1024xi32, #tpu.memory_space<hbm>> -> memref<1024xi32, #tpu.memory_space<hbm>>
    %dma_start3A_45 = tpu.memref_slice %dma_start3A_44[%mul3A_11] : memref<1024xi32, #tpu.memory_space<hbm>> -> memref<128xi32, #tpu.memory_space<hbm>>
    %dma_start3A_46 = arith.constant 0 : i32
    %dma_start3A_47 = tpu.memref_slice %arg6[%dma_start3A, %dma_start3A_46] : memref<50x128xi32, #tpu.memory_space<vmem>> -> memref<1x128xi32, #tpu.memory_space<vmem>>
    %dma_start3A_48 = tpu.memref_squeeze %dma_start3A_47 : memref<1x128xi32, #tpu.memory_space<vmem>> -> memref<128xi32, #tpu.memory_space<vmem>>
    %dma_start3A_49 = arith.constant 0 : i32
    %dma_start3A_50 = tpu.memref_slice %arg2[%min3A, %dma_start3A_49] : memref<200x1024xi32, #tpu.memory_space<hbm>> -> memref<1x1024xi32, #tpu.memory_space<hbm>>
    %dma_start3A_51 = tpu.memref_squeeze %dma_start3A_50 : memref<1x1024xi32, #tpu.memory_space<hbm>> -> memref<1024xi32, #tpu.memory_space<hbm>>
    %dma_start3A_52 = tpu.memref_slice %dma_start3A_51[%mul3A_11] : memref<1024xi32, #tpu.memory_space<hbm>> -> memref<128xi32, #tpu.memory_space<hbm>>
    tpu.enqueue_dma source(%dma_start3A_52 : memref<128xi32, #tpu.memory_space<hbm>>) target(%dma_start3A_48 : memref<128xi32, #tpu.memory_space<vmem>>) target_semaphore(%arg13 : memref<!tpu.dma_semaphore, #tpu.memory_space<semaphore_mem>>)
    %add3A_53 = arith.constant 4 : i32
    %add3A_54 = arith.addi %select_n3A_32, %add3A_53 : i32
    %add3A_55 = arith.constant 1 : i32
    %add3A_56 = arith.addi %add3A_54, %add3A_55 : i32
    %jit3A_57 = arith.constant 0 : i32
    %jit3A_58 = arith.constant 199 : i32
    %max3A_59 = arith.maxsi %jit3A_57, %add3A_56 : i32
    %min3A_60 = arith.minsi %jit3A_58, %max3A_59 : i32
    %dma_start3A_61 = arith.constant 1 : i32
    %dma_start3A_62 = arith.constant 0 : i32
    %dma_start3A_63 = tpu.memref_slice %arg6[%dma_start3A_61, %dma_start3A_62] : memref<50x128xi32, #tpu.memory_space<vmem>> -> memref<1x128xi32, #tpu.memory_space<vmem>>
    %dma_start3A_64 = tpu.memref_squeeze %dma_start3A_63 : memref<1x128xi32, #tpu.memory_space<vmem>> -> memref<128xi32, #tpu.memory_space<vmem>>
    %dma_start3A_65 = arith.constant 0 : i32
    %dma_start3A_66 = tpu.memref_slice %arg2[%min3A_60, %dma_start3A_65] : memref<200x1024xi32, #tpu.memory_space<hbm>> -> memref<1x1024xi32, #tpu.memory_space<hbm>>
    %dma_start3A_67 = tpu.memref_squeeze %dma_start3A_66 : memref<1x1024xi32, #tpu.memory_space<hbm>> -> memref<1024xi32, #tpu.memory_space<hbm>>
    %dma_start3A_68 = tpu.memref_slice %dma_start3A_67[%mul3A_11] : memref<1024xi32, #tpu.memory_space<hbm>> -> memref<128xi32, #tpu.memory_space<hbm>>
    %dma_start3A_69 = arith.constant 0 : i32
    %dma_start3A_70 = tpu.memref_slice %arg6[%dma_start3A_61, %dma_start3A_69] : memref<50x128xi32, #tpu.memory_space<vmem>> -> memref<1x128xi32, #tpu.memory_space<vmem>>
    %dma_start3A_71 = tpu.memref_squeeze %dma_start3A_70 : memref<1x128xi32, #tpu.memory_space<vmem>> -> memref<128xi32, #tpu.memory_space<vmem>>
    %dma_start3A_72 = arith.constant 0 : i32
    %dma_start3A_73 = tpu.memref_slice %arg2[%min3A_60, %dma_start3A_72] : memref<200x1024xi32, #tpu.memory_space<hbm>> -> memref<1x1024xi32, #tpu.memory_space<hbm>>
    %dma_start3A_74 = tpu.memref_squeeze %dma_start3A_73 : memref<1x1024xi32, #tpu.memory_space<hbm>> -> memref<1024xi32, #tpu.memory_space<hbm>>
    %dma_start3A_75 = tpu.memref_slice %dma_start3A_74[%mul3A_11] : memref<1024xi32, #tpu.memory_space<hbm>> -> memref<128xi32, #tpu.memory_space<hbm>>
    tpu.enqueue_dma source(%dma_start3A_75 : memref<128xi32, #tpu.memory_space<hbm>>) target(%dma_start3A_71 : memref<128xi32, #tpu.memory_space<vmem>>) target_semaphore(%arg13 : memref<!tpu.dma_semaphore, #tpu.memory_space<semaphore_mem>>)
    %add3A_76 = arith.constant 8 : i32
    %add3A_77 = arith.addi %select_n3A_32, %add3A_76 : i32
    %add3A_78 = arith.constant 1 : i32
    %add3A_79 = arith.addi %add3A_77, %add3A_78 : i32
    %jit3A_80 = arith.constant 0 : i32
    %jit3A_81 = arith.constant 199 : i32
    %max3A_82 = arith.maxsi %jit3A_80, %add3A_79 : i32
    %min3A_83 = arith.minsi %jit3A_81, %max3A_82 : i32
    %dma_start3A_84 = arith.constant 2 : i32
    %dma_start3A_85 = arith.constant 0 : i32
    %dma_start3A_86 = tpu.memref_slice %arg6[%dma_start3A_84, %dma_start3A_85] : memref<50x128xi32, #tpu.memory_space<vmem>> -> memref<1x128xi32, #tpu.memory_space<vmem>>
    %dma_start3A_87 = tpu.memref_squeeze %dma_start3A_86 : memref<1x128xi32, #tpu.memory_space<vmem>> -> memref<128xi32, #tpu.memory_space<vmem>>
    %dma_start3A_88 = arith.constant 0 : i32
    %dma_start3A_89 = tpu.memref_slice %arg2[%min3A_83, %dma_start3A_88] : memref<200x1024xi32, #tpu.memory_space<hbm>> -> memref<1x1024xi32, #tpu.memory_space<hbm>>
    %dma_start3A_90 = tpu.memref_squeeze %dma_start3A_89 : memref<1x1024xi32, #tpu.memory_space<hbm>> -> memref<1024xi32, #tpu.memory_space<hbm>>
    %dma_start3A_91 = tpu.memref_slice %dma_start3A_90[%mul3A_11] : memref<1024xi32, #tpu.memory_space<hbm>> -> memref<128xi32, #tpu.memory_space<hbm>>
    %dma_start3A_92 = arith.constant 0 : i32
    %dma_start3A_93 = tpu.memref_slice %arg6[%dma_start3A_84, %dma_start3A_92] : memref<50x128xi32, #tpu.memory_space<vmem>> -> memref<1x128xi32, #tpu.memory_space<vmem>>
    %dma_start3A_94 = tpu.memref_squeeze %dma_start3A_93 : memref<1x128xi32, #tpu.memory_space<vmem>> -> memref<128xi32, #tpu.memory_space<vmem>>
    %dma_start3A_95 = arith.constant 0 : i32
    %dma_start3A_96 = tpu.memref_slice %arg2[%min3A_83, %dma_start3A_95] : memref<200x1024xi32, #tpu.memory_space<hbm>> -> memref<1x1024xi32, #tpu.memory_space<hbm>>
    %dma_start3A_97 = tpu.memref_squeeze %dma_start3A_96 : memref<1x1024xi32, #tpu.memory_space<hbm>> -> memref<1024xi32, #tpu.memory_space<hbm>>
    %dma_start3A_98 = tpu.memref_slice %dma_start3A_97[%mul3A_11] : memref<1024xi32, #tpu.memory_space<hbm>> -> memref<128xi32, #tpu.memory_space<hbm>>
    tpu.enqueue_dma source(%dma_start3A_98 : memref<128xi32, #tpu.memory_space<hbm>>) target(%dma_start3A_94 : memref<128xi32, #tpu.memory_space<vmem>>) target_semaphore(%arg13 : memref<!tpu.dma_semaphore, #tpu.memory_space<semaphore_mem>>)
    %dma_wait3A = arith.constant 0 : i32
    %dma_wait3A_99 = arith.constant 0 : i32
    %dma_wait3A_100 = arith.constant 0 : i32
    %dma_wait3A_101 = tpu.memref_slice %arg6[%dma_wait3A_99, %dma_wait3A_100] : memref<50x128xi32, #tpu.memory_space<vmem>> -> memref<1x128xi32, #tpu.memory_space<vmem>>
    %dma_wait3A_102 = tpu.memref_squeeze %dma_wait3A_101 : memref<1x128xi32, #tpu.memory_space<vmem>> -> memref<128xi32, #tpu.memory_space<vmem>>
    %dma_wait3A_103 = arith.constant 0 : i32
    %dma_wait3A_104 = tpu.memref_slice %arg2[%dma_wait3A, %dma_wait3A_103] : memref<200x1024xi32, #tpu.memory_space<hbm>> -> memref<1x1024xi32, #tpu.memory_space<hbm>>
    %dma_wait3A_105 = tpu.memref_squeeze %dma_wait3A_104 : memref<1x1024xi32, #tpu.memory_space<hbm>> -> memref<1024xi32, #tpu.memory_space<hbm>>
    %dma_wait3A_106 = tpu.memref_slice %dma_wait3A_105[%mul3A_11] : memref<1024xi32, #tpu.memory_space<hbm>> -> memref<128xi32, #tpu.memory_space<hbm>>
    %dma_wait3A_107 = arith.constant 0 : i32
    %dma_wait3A_108 = tpu.memref_slice %arg6[%dma_wait3A_99, %dma_wait3A_107] : memref<50x128xi32, #tpu.memory_space<vmem>> -> memref<1x128xi32, #tpu.memory_space<vmem>>
    %dma_wait3A_109 = tpu.memref_squeeze %dma_wait3A_108 : memref<1x128xi32, #tpu.memory_space<vmem>> -> memref<128xi32, #tpu.memory_space<vmem>>
    %dma_wait3A_110 = arith.constant 0 : i32
    %dma_wait3A_111 = tpu.memref_slice %arg2[%dma_wait3A, %dma_wait3A_110] : memref<200x1024xi32, #tpu.memory_space<hbm>> -> memref<1x1024xi32, #tpu.memory_space<hbm>>
    %dma_wait3A_112 = tpu.memref_squeeze %dma_wait3A_111 : memref<1x1024xi32, #tpu.memory_space<hbm>> -> memref<1024xi32, #tpu.memory_space<hbm>>
    %dma_wait3A_113 = tpu.memref_slice %dma_wait3A_112[%mul3A_11] : memref<1024xi32, #tpu.memory_space<hbm>> -> memref<128xi32, #tpu.memory_space<hbm>>
    tpu.wait_dma2 semaphore(%arg13 : memref<!tpu.dma_semaphore, #tpu.memory_space<semaphore_mem>>) src(%dma_wait3A_113 : memref<128xi32, #tpu.memory_space<hbm>>) dst(%dma_wait3A_109 : memref<128xi32, #tpu.memory_space<vmem>>)
    %dma_start3A_114 = arith.constant 0 : i32
    %dma_start3A_115 = arith.constant 0 : i32
    %dma_start3A_116 = tpu.memref_slice %arg6[%dma_start3A_114, %dma_start3A_115] : memref<50x128xi32, #tpu.memory_space<vmem>> -> memref<1x128xi32, #tpu.memory_space<vmem>>
    %dma_start3A_117 = tpu.memref_squeeze %dma_start3A_116 : memref<1x128xi32, #tpu.memory_space<vmem>> -> memref<128xi32, #tpu.memory_space<vmem>>
    %dma_start3A_118 = arith.constant 0 : i32
    %dma_start3A_119 = arith.constant 0 : i32
    %dma_start3A_120 = tpu.memref_slice %arg3[%dma_start3A_118, %dma_start3A_119] : memref<100000x128xf32, #tpu.memory_space<hbm>> -> memref<100000x128xf32, #tpu.memory_space<hbm>>
    tpu.enqueue_indirect_dma source(%dma_start3A_120 : memref<100000x128xf32, #tpu.memory_space<hbm>>) target(%arg7 : memref<128x128xf32, #tpu.memory_space<vmem>>) offsets(%dma_start3A_117 : memref<128xi32, #tpu.memory_space<vmem>>) semaphore(%arg14 : memref<!tpu.dma_semaphore, #tpu.memory_space<semaphore_mem>>)
    %dma_wait3A_121 = arith.constant 0 : i32
    %dma_wait3A_122 = arith.constant 1 : i32
    %dma_wait3A_123 = arith.constant 0 : i32
    %dma_wait3A_124 = tpu.memref_slice %arg6[%dma_wait3A_122, %dma_wait3A_123] : memref<50x128xi32, #tpu.memory_space<vmem>> -> memref<1x128xi32, #tpu.memory_space<vmem>>
    %dma_wait3A_125 = tpu.memref_squeeze %dma_wait3A_124 : memref<1x128xi32, #tpu.memory_space<vmem>> -> memref<128xi32, #tpu.memory_space<vmem>>
    %dma_wait3A_126 = arith.constant 0 : i32
    %dma_wait3A_127 = tpu.memref_slice %arg2[%dma_wait3A_121, %dma_wait3A_126] : memref<200x1024xi32, #tpu.memory_space<hbm>> -> memref<1x1024xi32, #tpu.memory_space<hbm>>
    %dma_wait3A_128 = tpu.memref_squeeze %dma_wait3A_127 : memref<1x1024xi32, #tpu.memory_space<hbm>> -> memref<1024xi32, #tpu.memory_space<hbm>>
    %dma_wait3A_129 = tpu.memref_slice %dma_wait3A_128[%mul3A_11] : memref<1024xi32, #tpu.memory_space<hbm>> -> memref<128xi32, #tpu.memory_space<hbm>>
    %dma_wait3A_130 = arith.constant 0 : i32
    %dma_wait3A_131 = tpu.memref_slice %arg6[%dma_wait3A_122, %dma_wait3A_130] : memref<50x128xi32, #tpu.memory_space<vmem>> -> memref<1x128xi32, #tpu.memory_space<vmem>>
    %dma_wait3A_132 = tpu.memref_squeeze %dma_wait3A_131 : memref<1x128xi32, #tpu.memory_space<vmem>> -> memref<128xi32, #tpu.memory_space<vmem>>
    %dma_wait3A_133 = arith.constant 0 : i32
    %dma_wait3A_134 = tpu.memref_slice %arg2[%dma_wait3A_121, %dma_wait3A_133] : memref<200x1024xi32, #tpu.memory_space<hbm>> -> memref<1x1024xi32, #tpu.memory_space<hbm>>
    %dma_wait3A_135 = tpu.memref_squeeze %dma_wait3A_134 : memref<1x1024xi32, #tpu.memory_space<hbm>> -> memref<1024xi32, #tpu.memory_space<hbm>>
    %dma_wait3A_136 = tpu.memref_slice %dma_wait3A_135[%mul3A_11] : memref<1024xi32, #tpu.memory_space<hbm>> -> memref<128xi32, #tpu.memory_space<hbm>>
    tpu.wait_dma2 semaphore(%arg13 : memref<!tpu.dma_semaphore, #tpu.memory_space<semaphore_mem>>) src(%dma_wait3A_136 : memref<128xi32, #tpu.memory_space<hbm>>) dst(%dma_wait3A_132 : memref<128xi32, #tpu.memory_space<vmem>>)
    %dma_start3A_137 = arith.constant 1 : i32
    %dma_start3A_138 = arith.constant 0 : i32
    %dma_start3A_139 = tpu.memref_slice %arg6[%dma_start3A_137, %dma_start3A_138] : memref<50x128xi32, #tpu.memory_space<vmem>> -> memref<1x128xi32, #tpu.memory_space<vmem>>
    %dma_start3A_140 = tpu.memref_squeeze %dma_start3A_139 : memref<1x128xi32, #tpu.memory_space<vmem>> -> memref<128xi32, #tpu.memory_space<vmem>>
    %dma_start3A_141 = arith.constant 0 : i32
    %dma_start3A_142 = arith.constant 0 : i32
    %dma_start3A_143 = tpu.memref_slice %arg3[%dma_start3A_141, %dma_start3A_142] : memref<100000x128xf32, #tpu.memory_space<hbm>> -> memref<100000x128xf32, #tpu.memory_space<hbm>>
    tpu.enqueue_indirect_dma source(%dma_start3A_143 : memref<100000x128xf32, #tpu.memory_space<hbm>>) target(%arg8 : memref<128x128xf32, #tpu.memory_space<vmem>>) offsets(%dma_start3A_140 : memref<128xi32, #tpu.memory_space<vmem>>) semaphore(%arg15 : memref<!tpu.dma_semaphore, #tpu.memory_space<semaphore_mem>>)
    %dma_wait3A_144 = arith.constant 0 : i32
    %dma_wait3A_145 = arith.constant 2 : i32
    %dma_wait3A_146 = arith.constant 0 : i32
    %dma_wait3A_147 = tpu.memref_slice %arg6[%dma_wait3A_145, %dma_wait3A_146] : memref<50x128xi32, #tpu.memory_space<vmem>> -> memref<1x128xi32, #tpu.memory_space<vmem>>
    %dma_wait3A_148 = tpu.memref_squeeze %dma_wait3A_147 : memref<1x128xi32, #tpu.memory_space<vmem>> -> memref<128xi32, #tpu.memory_space<vmem>>
    %dma_wait3A_149 = arith.constant 0 : i32
    %dma_wait3A_150 = tpu.memref_slice %arg2[%dma_wait3A_144, %dma_wait3A_149] : memref<200x1024xi32, #tpu.memory_space<hbm>> -> memref<1x1024xi32, #tpu.memory_space<hbm>>
    %dma_wait3A_151 = tpu.memref_squeeze %dma_wait3A_150 : memref<1x1024xi32, #tpu.memory_space<hbm>> -> memref<1024xi32, #tpu.memory_space<hbm>>
    %dma_wait3A_152 = tpu.memref_slice %dma_wait3A_151[%mul3A_11] : memref<1024xi32, #tpu.memory_space<hbm>> -> memref<128xi32, #tpu.memory_space<hbm>>
    %dma_wait3A_153 = arith.constant 0 : i32
    %dma_wait3A_154 = tpu.memref_slice %arg6[%dma_wait3A_145, %dma_wait3A_153] : memref<50x128xi32, #tpu.memory_space<vmem>> -> memref<1x128xi32, #tpu.memory_space<vmem>>
    %dma_wait3A_155 = tpu.memref_squeeze %dma_wait3A_154 : memref<1x128xi32, #tpu.memory_space<vmem>> -> memref<128xi32, #tpu.memory_space<vmem>>
    %dma_wait3A_156 = arith.constant 0 : i32
    %dma_wait3A_157 = tpu.memref_slice %arg2[%dma_wait3A_144, %dma_wait3A_156] : memref<200x1024xi32, #tpu.memory_space<hbm>> -> memref<1x1024xi32, #tpu.memory_space<hbm>>
    %dma_wait3A_158 = tpu.memref_squeeze %dma_wait3A_157 : memref<1x1024xi32, #tpu.memory_space<hbm>> -> memref<1024xi32, #tpu.memory_space<hbm>>
    %dma_wait3A_159 = tpu.memref_slice %dma_wait3A_158[%mul3A_11] : memref<1024xi32, #tpu.memory_space<hbm>> -> memref<128xi32, #tpu.memory_space<hbm>>
    tpu.wait_dma2 semaphore(%arg13 : memref<!tpu.dma_semaphore, #tpu.memory_space<semaphore_mem>>) src(%dma_wait3A_159 : memref<128xi32, #tpu.memory_space<hbm>>) dst(%dma_wait3A_155 : memref<128xi32, #tpu.memory_space<vmem>>)
    %dma_start3A_160 = arith.constant 2 : i32
    %dma_start3A_161 = arith.constant 0 : i32
    %dma_start3A_162 = tpu.memref_slice %arg6[%dma_start3A_160, %dma_start3A_161] : memref<50x128xi32, #tpu.memory_space<vmem>> -> memref<1x128xi32, #tpu.memory_space<vmem>>
    %dma_start3A_163 = tpu.memref_squeeze %dma_start3A_162 : memref<1x128xi32, #tpu.memory_space<vmem>> -> memref<128xi32, #tpu.memory_space<vmem>>
    %dma_start3A_164 = arith.constant 0 : i32
    %dma_start3A_165 = arith.constant 0 : i32
    %dma_start3A_166 = tpu.memref_slice %arg3[%dma_start3A_164, %dma_start3A_165] : memref<100000x128xf32, #tpu.memory_space<hbm>> -> memref<100000x128xf32, #tpu.memory_space<hbm>>
    tpu.enqueue_indirect_dma source(%dma_start3A_166 : memref<100000x128xf32, #tpu.memory_space<hbm>>) target(%arg9 : memref<128x128xf32, #tpu.memory_space<vmem>>) offsets(%dma_start3A_163 : memref<128xi32, #tpu.memory_space<vmem>>) semaphore(%arg16 : memref<!tpu.dma_semaphore, #tpu.memory_space<semaphore_mem>>)
    %add3A_167 = arith.constant 12 : i32
    %add3A_168 = arith.addi %select_n3A_32, %add3A_167 : i32
    %add3A_169 = arith.constant 1 : i32
    %add3A_170 = arith.addi %add3A_168, %add3A_169 : i32
    %jit3A_171 = arith.constant 0 : i32
    %jit3A_172 = arith.constant 199 : i32
    %max3A_173 = arith.maxsi %jit3A_171, %add3A_170 : i32
    %min3A_174 = arith.minsi %jit3A_172, %max3A_173 : i32
    %dma_start3A_175 = arith.constant 3 : i32
    %dma_start3A_176 = arith.constant 0 : i32
    %dma_start3A_177 = tpu.memref_slice %arg6[%dma_start3A_175, %dma_start3A_176] : memref<50x128xi32, #tpu.memory_space<vmem>> -> memref<1x128xi32, #tpu.memory_space<vmem>>
    %dma_start3A_178 = tpu.memref_squeeze %dma_start3A_177 : memref<1x128xi32, #tpu.memory_space<vmem>> -> memref<128xi32, #tpu.memory_space<vmem>>
    %dma_start3A_179 = arith.constant 0 : i32
    %dma_start3A_180 = tpu.memref_slice %arg2[%min3A_174, %dma_start3A_179] : memref<200x1024xi32, #tpu.memory_space<hbm>> -> memref<1x1024xi32, #tpu.memory_space<hbm>>
    %dma_start3A_181 = tpu.memref_squeeze %dma_start3A_180 : memref<1x1024xi32, #tpu.memory_space<hbm>> -> memref<1024xi32, #tpu.memory_space<hbm>>
    %dma_start3A_182 = tpu.memref_slice %dma_start3A_181[%mul3A_11] : memref<1024xi32, #tpu.memory_space<hbm>> -> memref<128xi32, #tpu.memory_space<hbm>>
    %dma_start3A_183 = arith.constant 0 : i32
    %dma_start3A_184 = tpu.memref_slice %arg6[%dma_start3A_175, %dma_start3A_183] : memref<50x128xi32, #tpu.memory_space<vmem>> -> memref<1x128xi32, #tpu.memory_space<vmem>>
    %dma_start3A_185 = tpu.memref_squeeze %dma_start3A_184 : memref<1x128xi32, #tpu.memory_space<vmem>> -> memref<128xi32, #tpu.memory_space<vmem>>
    %dma_start3A_186 = arith.constant 0 : i32
    %dma_start3A_187 = tpu.memref_slice %arg2[%min3A_174, %dma_start3A_186] : memref<200x1024xi32, #tpu.memory_space<hbm>> -> memref<1x1024xi32, #tpu.memory_space<hbm>>
    %dma_start3A_188 = tpu.memref_squeeze %dma_start3A_187 : memref<1x1024xi32, #tpu.memory_space<hbm>> -> memref<1024xi32, #tpu.memory_space<hbm>>
    %dma_start3A_189 = tpu.memref_slice %dma_start3A_188[%mul3A_11] : memref<1024xi32, #tpu.memory_space<hbm>> -> memref<128xi32, #tpu.memory_space<hbm>>
    tpu.enqueue_dma source(%dma_start3A_189 : memref<128xi32, #tpu.memory_space<hbm>>) target(%dma_start3A_185 : memref<128xi32, #tpu.memory_space<vmem>>) target_semaphore(%arg13 : memref<!tpu.dma_semaphore, #tpu.memory_space<semaphore_mem>>)
    %add3A_190 = arith.constant 16 : i32
    %add3A_191 = arith.addi %select_n3A_32, %add3A_190 : i32
    %add3A_192 = arith.constant 1 : i32
    %add3A_193 = arith.addi %add3A_191, %add3A_192 : i32
    %jit3A_194 = arith.constant 0 : i32
    %jit3A_195 = arith.constant 199 : i32
    %max3A_196 = arith.maxsi %jit3A_194, %add3A_193 : i32
    %min3A_197 = arith.minsi %jit3A_195, %max3A_196 : i32
    %dma_start3A_198 = arith.constant 4 : i32
    %dma_start3A_199 = arith.constant 0 : i32
    %dma_start3A_200 = tpu.memref_slice %arg6[%dma_start3A_198, %dma_start3A_199] : memref<50x128xi32, #tpu.memory_space<vmem>> -> memref<1x128xi32, #tpu.memory_space<vmem>>
    %dma_start3A_201 = tpu.memref_squeeze %dma_start3A_200 : memref<1x128xi32, #tpu.memory_space<vmem>> -> memref<128xi32, #tpu.memory_space<vmem>>
    %dma_start3A_202 = arith.constant 0 : i32
    %dma_start3A_203 = tpu.memref_slice %arg2[%min3A_197, %dma_start3A_202] : memref<200x1024xi32, #tpu.memory_space<hbm>> -> memref<1x1024xi32, #tpu.memory_space<hbm>>
    %dma_start3A_204 = tpu.memref_squeeze %dma_start3A_203 : memref<1x1024xi32, #tpu.memory_space<hbm>> -> memref<1024xi32, #tpu.memory_space<hbm>>
    %dma_start3A_205 = tpu.memref_slice %dma_start3A_204[%mul3A_11] : memref<1024xi32, #tpu.memory_space<hbm>> -> memref<128xi32, #tpu.memory_space<hbm>>
    %dma_start3A_206 = arith.constant 0 : i32
    %dma_start3A_207 = tpu.memref_slice %arg6[%dma_start3A_198, %dma_start3A_206] : memref<50x128xi32, #tpu.memory_space<vmem>> -> memref<1x128xi32, #tpu.memory_space<vmem>>
    %dma_start3A_208 = tpu.memref_squeeze %dma_start3A_207 : memref<1x128xi32, #tpu.memory_space<vmem>> -> memref<128xi32, #tpu.memory_space<vmem>>
    %dma_start3A_209 = arith.constant 0 : i32
    %dma_start3A_210 = tpu.memref_slice %arg2[%min3A_197, %dma_start3A_209] : memref<200x1024xi32, #tpu.memory_space<hbm>> -> memref<1x1024xi32, #tpu.memory_space<hbm>>
    %dma_start3A_211 = tpu.memref_squeeze %dma_start3A_210 : memref<1x1024xi32, #tpu.memory_space<hbm>> -> memref<1024xi32, #tpu.memory_space<hbm>>
    %dma_start3A_212 = tpu.memref_slice %dma_start3A_211[%mul3A_11] : memref<1024xi32, #tpu.memory_space<hbm>> -> memref<128xi32, #tpu.memory_space<hbm>>
    tpu.enqueue_dma source(%dma_start3A_212 : memref<128xi32, #tpu.memory_space<hbm>>) target(%dma_start3A_208 : memref<128xi32, #tpu.memory_space<vmem>>) target_semaphore(%arg13 : memref<!tpu.dma_semaphore, #tpu.memory_space<semaphore_mem>>)
    %add3A_213 = arith.constant 20 : i32
    %add3A_214 = arith.addi %select_n3A_32, %add3A_213 : i32
    %add3A_215 = arith.constant 1 : i32
    %add3A_216 = arith.addi %add3A_214, %add3A_215 : i32
    %jit3A_217 = arith.constant 0 : i32
    %jit3A_218 = arith.constant 199 : i32
    %max3A_219 = arith.maxsi %jit3A_217, %add3A_216 : i32
    %min3A_220 = arith.minsi %jit3A_218, %max3A_219 : i32
    %dma_start3A_221 = arith.constant 5 : i32
    %dma_start3A_222 = arith.constant 0 : i32
    %dma_start3A_223 = tpu.memref_slice %arg6[%dma_start3A_221, %dma_start3A_222] : memref<50x128xi32, #tpu.memory_space<vmem>> -> memref<1x128xi32, #tpu.memory_space<vmem>>
    %dma_start3A_224 = tpu.memref_squeeze %dma_start3A_223 : memref<1x128xi32, #tpu.memory_space<vmem>> -> memref<128xi32, #tpu.memory_space<vmem>>
    %dma_start3A_225 = arith.constant 0 : i32
    %dma_start3A_226 = tpu.memref_slice %arg2[%min3A_220, %dma_start3A_225] : memref<200x1024xi32, #tpu.memory_space<hbm>> -> memref<1x1024xi32, #tpu.memory_space<hbm>>
    %dma_start3A_227 = tpu.memref_squeeze %dma_start3A_226 : memref<1x1024xi32, #tpu.memory_space<hbm>> -> memref<1024xi32, #tpu.memory_space<hbm>>
    %dma_start3A_228 = tpu.memref_slice %dma_start3A_227[%mul3A_11] : memref<1024xi32, #tpu.memory_space<hbm>> -> memref<128xi32, #tpu.memory_space<hbm>>
    %dma_start3A_229 = arith.constant 0 : i32
    %dma_start3A_230 = tpu.memref_slice %arg6[%dma_start3A_221, %dma_start3A_229] : memref<50x128xi32, #tpu.memory_space<vmem>> -> memref<1x128xi32, #tpu.memory_space<vmem>>
    %dma_start3A_231 = tpu.memref_squeeze %dma_start3A_230 : memref<1x128xi32, #tpu.memory_space<vmem>> -> memref<128xi32, #tpu.memory_space<vmem>>
    %dma_start3A_232 = arith.constant 0 : i32
    %dma_start3A_233 = tpu.memref_slice %arg2[%min3A_220, %dma_start3A_232] : memref<200x1024xi32, #tpu.memory_space<hbm>> -> memref<1x1024xi32, #tpu.memory_space<hbm>>
    %dma_start3A_234 = tpu.memref_squeeze %dma_start3A_233 : memref<1x1024xi32, #tpu.memory_space<hbm>> -> memref<1024xi32, #tpu.memory_space<hbm>>
    %dma_start3A_235 = tpu.memref_slice %dma_start3A_234[%mul3A_11] : memref<1024xi32, #tpu.memory_space<hbm>> -> memref<128xi32, #tpu.memory_space<hbm>>
    tpu.enqueue_dma source(%dma_start3A_235 : memref<128xi32, #tpu.memory_space<hbm>>) target(%dma_start3A_231 : memref<128xi32, #tpu.memory_space<vmem>>) target_semaphore(%arg13 : memref<!tpu.dma_semaphore, #tpu.memory_space<semaphore_mem>>)
    %add3A_236 = arith.constant 24 : i32
    %add3A_237 = arith.addi %select_n3A_32, %add3A_236 : i32
    %add3A_238 = arith.constant 1 : i32
    %add3A_239 = arith.addi %add3A_237, %add3A_238 : i32
    %jit3A_240 = arith.constant 0 : i32
    %jit3A_241 = arith.constant 199 : i32
    %max3A_242 = arith.maxsi %jit3A_240, %add3A_239 : i32
    %min3A_243 = arith.minsi %jit3A_241, %max3A_242 : i32
    %dma_start3A_244 = arith.constant 6 : i32
    %dma_start3A_245 = arith.constant 0 : i32
    %dma_start3A_246 = tpu.memref_slice %arg6[%dma_start3A_244, %dma_start3A_245] : memref<50x128xi32, #tpu.memory_space<vmem>> -> memref<1x128xi32, #tpu.memory_space<vmem>>
    %dma_start3A_247 = tpu.memref_squeeze %dma_start3A_246 : memref<1x128xi32, #tpu.memory_space<vmem>> -> memref<128xi32, #tpu.memory_space<vmem>>
    %dma_start3A_248 = arith.constant 0 : i32
    %dma_start3A_249 = tpu.memref_slice %arg2[%min3A_243, %dma_start3A_248] : memref<200x1024xi32, #tpu.memory_space<hbm>> -> memref<1x1024xi32, #tpu.memory_space<hbm>>
    %dma_start3A_250 = tpu.memref_squeeze %dma_start3A_249 : memref<1x1024xi32, #tpu.memory_space<hbm>> -> memref<1024xi32, #tpu.memory_space<hbm>>
    %dma_start3A_251 = tpu.memref_slice %dma_start3A_250[%mul3A_11] : memref<1024xi32, #tpu.memory_space<hbm>> -> memref<128xi32, #tpu.memory_space<hbm>>
    %dma_start3A_252 = arith.constant 0 : i32
    %dma_start3A_253 = tpu.memref_slice %arg6[%dma_start3A_244, %dma_start3A_252] : memref<50x128xi32, #tpu.memory_space<vmem>> -> memref<1x128xi32, #tpu.memory_space<vmem>>
    %dma_start3A_254 = tpu.memref_squeeze %dma_start3A_253 : memref<1x128xi32, #tpu.memory_space<vmem>> -> memref<128xi32, #tpu.memory_space<vmem>>
    %dma_start3A_255 = arith.constant 0 : i32
    %dma_start3A_256 = tpu.memref_slice %arg2[%min3A_243, %dma_start3A_255] : memref<200x1024xi32, #tpu.memory_space<hbm>> -> memref<1x1024xi32, #tpu.memory_space<hbm>>
    %dma_start3A_257 = tpu.memref_squeeze %dma_start3A_256 : memref<1x1024xi32, #tpu.memory_space<hbm>> -> memref<1024xi32, #tpu.memory_space<hbm>>
    %dma_start3A_258 = tpu.memref_slice %dma_start3A_257[%mul3A_11] : memref<1024xi32, #tpu.memory_space<hbm>> -> memref<128xi32, #tpu.memory_space<hbm>>
    tpu.enqueue_dma source(%dma_start3A_258 : memref<128xi32, #tpu.memory_space<hbm>>) target(%dma_start3A_254 : memref<128xi32, #tpu.memory_space<vmem>>) target_semaphore(%arg13 : memref<!tpu.dma_semaphore, #tpu.memory_space<semaphore_mem>>)
    %add3A_259 = arith.constant 28 : i32
    %add3A_260 = arith.addi %select_n3A_32, %add3A_259 : i32
    %add3A_261 = arith.constant 1 : i32
    %add3A_262 = arith.addi %add3A_260, %add3A_261 : i32
    %jit3A_263 = arith.constant 0 : i32
    %jit3A_264 = arith.constant 199 : i32
    %max3A_265 = arith.maxsi %jit3A_263, %add3A_262 : i32
    %min3A_266 = arith.minsi %jit3A_264, %max3A_265 : i32
    %dma_start3A_267 = arith.constant 7 : i32
    %dma_start3A_268 = arith.constant 0 : i32
    %dma_start3A_269 = tpu.memref_slice %arg6[%dma_start3A_267, %dma_start3A_268] : memref<50x128xi32, #tpu.memory_space<vmem>> -> memref<1x128xi32, #tpu.memory_space<vmem>>
    %dma_start3A_270 = tpu.memref_squeeze %dma_start3A_269 : memref<1x128xi32, #tpu.memory_space<vmem>> -> memref<128xi32, #tpu.memory_space<vmem>>
    %dma_start3A_271 = arith.constant 0 : i32
    %dma_start3A_272 = tpu.memref_slice %arg2[%min3A_266, %dma_start3A_271] : memref<200x1024xi32, #tpu.memory_space<hbm>> -> memref<1x1024xi32, #tpu.memory_space<hbm>>
    %dma_start3A_273 = tpu.memref_squeeze %dma_start3A_272 : memref<1x1024xi32, #tpu.memory_space<hbm>> -> memref<1024xi32, #tpu.memory_space<hbm>>
    %dma_start3A_274 = tpu.memref_slice %dma_start3A_273[%mul3A_11] : memref<1024xi32, #tpu.memory_space<hbm>> -> memref<128xi32, #tpu.memory_space<hbm>>
    %dma_start3A_275 = arith.constant 0 : i32
    %dma_start3A_276 = tpu.memref_slice %arg6[%dma_start3A_267, %dma_start3A_275] : memref<50x128xi32, #tpu.memory_space<vmem>> -> memref<1x128xi32, #tpu.memory_space<vmem>>
    %dma_start3A_277 = tpu.memref_squeeze %dma_start3A_276 : memref<1x128xi32, #tpu.memory_space<vmem>> -> memref<128xi32, #tpu.memory_space<vmem>>
    %dma_start3A_278 = arith.constant 0 : i32
    %dma_start3A_279 = tpu.memref_slice %arg2[%min3A_266, %dma_start3A_278] : memref<200x1024xi32, #tpu.memory_space<hbm>> -> memref<1x1024xi32, #tpu.memory_space<hbm>>
    %dma_start3A_280 = tpu.memref_squeeze %dma_start3A_279 : memref<1x1024xi32, #tpu.memory_space<hbm>> -> memref<1024xi32, #tpu.memory_space<hbm>>
    %dma_start3A_281 = tpu.memref_slice %dma_start3A_280[%mul3A_11] : memref<1024xi32, #tpu.memory_space<hbm>> -> memref<128xi32, #tpu.memory_space<hbm>>
    tpu.enqueue_dma source(%dma_start3A_281 : memref<128xi32, #tpu.memory_space<hbm>>) target(%dma_start3A_277 : memref<128xi32, #tpu.memory_space<vmem>>) target_semaphore(%arg13 : memref<!tpu.dma_semaphore, #tpu.memory_space<semaphore_mem>>)
    %add3A_282 = arith.constant 32 : i32
    %add3A_283 = arith.addi %select_n3A_32, %add3A_282 : i32
    %add3A_284 = arith.constant 1 : i32
    %add3A_285 = arith.addi %add3A_283, %add3A_284 : i32
    %jit3A_286 = arith.constant 0 : i32
    %jit3A_287 = arith.constant 199 : i32
    %max3A_288 = arith.maxsi %jit3A_286, %add3A_285 : i32
    %min3A_289 = arith.minsi %jit3A_287, %max3A_288 : i32
    %dma_start3A_290 = arith.constant 8 : i32
    %dma_start3A_291 = arith.constant 0 : i32
    %dma_start3A_292 = tpu.memref_slice %arg6[%dma_start3A_290, %dma_start3A_291] : memref<50x128xi32, #tpu.memory_space<vmem>> -> memref<1x128xi32, #tpu.memory_space<vmem>>
    %dma_start3A_293 = tpu.memref_squeeze %dma_start3A_292 : memref<1x128xi32, #tpu.memory_space<vmem>> -> memref<128xi32, #tpu.memory_space<vmem>>
    %dma_start3A_294 = arith.constant 0 : i32
    %dma_start3A_295 = tpu.memref_slice %arg2[%min3A_289, %dma_start3A_294] : memref<200x1024xi32, #tpu.memory_space<hbm>> -> memref<1x1024xi32, #tpu.memory_space<hbm>>
    %dma_start3A_296 = tpu.memref_squeeze %dma_start3A_295 : memref<1x1024xi32, #tpu.memory_space<hbm>> -> memref<1024xi32, #tpu.memory_space<hbm>>
    %dma_start3A_297 = tpu.memref_slice %dma_start3A_296[%mul3A_11] : memref<1024xi32, #tpu.memory_space<hbm>> -> memref<128xi32, #tpu.memory_space<hbm>>
    %dma_start3A_298 = arith.constant 0 : i32
    %dma_start3A_299 = tpu.memref_slice %arg6[%dma_start3A_290, %dma_start3A_298] : memref<50x128xi32, #tpu.memory_space<vmem>> -> memref<1x128xi32, #tpu.memory_space<vmem>>
    %dma_start3A_300 = tpu.memref_squeeze %dma_start3A_299 : memref<1x128xi32, #tpu.memory_space<vmem>> -> memref<128xi32, #tpu.memory_space<vmem>>
    %dma_start3A_301 = arith.constant 0 : i32
    %dma_start3A_302 = tpu.memref_slice %arg2[%min3A_289, %dma_start3A_301] : memref<200x1024xi32, #tpu.memory_space<hbm>> -> memref<1x1024xi32, #tpu.memory_space<hbm>>
    %dma_start3A_303 = tpu.memref_squeeze %dma_start3A_302 : memref<1x1024xi32, #tpu.memory_space<hbm>> -> memref<1024xi32, #tpu.memory_space<hbm>>
    %dma_start3A_304 = tpu.memref_slice %dma_start3A_303[%mul3A_11] : memref<1024xi32, #tpu.memory_space<hbm>> -> memref<128xi32, #tpu.memory_space<hbm>>
    tpu.enqueue_dma source(%dma_start3A_304 : memref<128xi32, #tpu.memory_space<hbm>>) target(%dma_start3A_300 : memref<128xi32, #tpu.memory_space<vmem>>) target_semaphore(%arg13 : memref<!tpu.dma_semaphore, #tpu.memory_space<semaphore_mem>>)
    %add3A_305 = arith.constant 36 : i32
    %add3A_306 = arith.addi %select_n3A_32, %add3A_305 : i32
    %add3A_307 = arith.constant 1 : i32
    %add3A_308 = arith.addi %add3A_306, %add3A_307 : i32
    %jit3A_309 = arith.constant 0 : i32
    %jit3A_310 = arith.constant 199 : i32
    %max3A_311 = arith.maxsi %jit3A_309, %add3A_308 : i32
    %min3A_312 = arith.minsi %jit3A_310, %max3A_311 : i32
    %dma_start3A_313 = arith.constant 9 : i32
    %dma_start3A_314 = arith.constant 0 : i32
    %dma_start3A_315 = tpu.memref_slice %arg6[%dma_start3A_313, %dma_start3A_314] : memref<50x128xi32, #tpu.memory_space<vmem>> -> memref<1x128xi32, #tpu.memory_space<vmem>>
    %dma_start3A_316 = tpu.memref_squeeze %dma_start3A_315 : memref<1x128xi32, #tpu.memory_space<vmem>> -> memref<128xi32, #tpu.memory_space<vmem>>
    %dma_start3A_317 = arith.constant 0 : i32
    %dma_start3A_318 = tpu.memref_slice %arg2[%min3A_312, %dma_start3A_317] : memref<200x1024xi32, #tpu.memory_space<hbm>> -> memref<1x1024xi32, #tpu.memory_space<hbm>>
    %dma_start3A_319 = tpu.memref_squeeze %dma_start3A_318 : memref<1x1024xi32, #tpu.memory_space<hbm>> -> memref<1024xi32, #tpu.memory_space<hbm>>
    %dma_start3A_320 = tpu.memref_slice %dma_start3A_319[%mul3A_11] : memref<1024xi32, #tpu.memory_space<hbm>> -> memref<128xi32, #tpu.memory_space<hbm>>
    %dma_start3A_321 = arith.constant 0 : i32
    %dma_start3A_322 = tpu.memref_slice %arg6[%dma_start3A_313, %dma_start3A_321] : memref<50x128xi32, #tpu.memory_space<vmem>> -> memref<1x128xi32, #tpu.memory_space<vmem>>
    %dma_start3A_323 = tpu.memref_squeeze %dma_start3A_322 : memref<1x128xi32, #tpu.memory_space<vmem>> -> memref<128xi32, #tpu.memory_space<vmem>>
    %dma_start3A_324 = arith.constant 0 : i32
    %dma_start3A_325 = tpu.memref_slice %arg2[%min3A_312, %dma_start3A_324] : memref<200x1024xi32, #tpu.memory_space<hbm>> -> memref<1x1024xi32, #tpu.memory_space<hbm>>
    %dma_start3A_326 = tpu.memref_squeeze %dma_start3A_325 : memref<1x1024xi32, #tpu.memory_space<hbm>> -> memref<1024xi32, #tpu.memory_space<hbm>>
    %dma_start3A_327 = tpu.memref_slice %dma_start3A_326[%mul3A_11] : memref<1024xi32, #tpu.memory_space<hbm>> -> memref<128xi32, #tpu.memory_space<hbm>>
    tpu.enqueue_dma source(%dma_start3A_327 : memref<128xi32, #tpu.memory_space<hbm>>) target(%dma_start3A_323 : memref<128xi32, #tpu.memory_space<vmem>>) target_semaphore(%arg13 : memref<!tpu.dma_semaphore, #tpu.memory_space<semaphore_mem>>)
    %add3A_328 = arith.constant 40 : i32
    %add3A_329 = arith.addi %select_n3A_32, %add3A_328 : i32
    %add3A_330 = arith.constant 1 : i32
    %add3A_331 = arith.addi %add3A_329, %add3A_330 : i32
    %jit3A_332 = arith.constant 0 : i32
    %jit3A_333 = arith.constant 199 : i32
    %max3A_334 = arith.maxsi %jit3A_332, %add3A_331 : i32
    %min3A_335 = arith.minsi %jit3A_333, %max3A_334 : i32
    %dma_start3A_336 = arith.constant 10 : i32
    %dma_start3A_337 = arith.constant 0 : i32
    %dma_start3A_338 = tpu.memref_slice %arg6[%dma_start3A_336, %dma_start3A_337] : memref<50x128xi32, #tpu.memory_space<vmem>> -> memref<1x128xi32, #tpu.memory_space<vmem>>
    %dma_start3A_339 = tpu.memref_squeeze %dma_start3A_338 : memref<1x128xi32, #tpu.memory_space<vmem>> -> memref<128xi32, #tpu.memory_space<vmem>>
    %dma_start3A_340 = arith.constant 0 : i32
    %dma_start3A_341 = tpu.memref_slice %arg2[%min3A_335, %dma_start3A_340] : memref<200x1024xi32, #tpu.memory_space<hbm>> -> memref<1x1024xi32, #tpu.memory_space<hbm>>
    %dma_start3A_342 = tpu.memref_squeeze %dma_start3A_341 : memref<1x1024xi32, #tpu.memory_space<hbm>> -> memref<1024xi32, #tpu.memory_space<hbm>>
    %dma_start3A_343 = tpu.memref_slice %dma_start3A_342[%mul3A_11] : memref<1024xi32, #tpu.memory_space<hbm>> -> memref<128xi32, #tpu.memory_space<hbm>>
    %dma_start3A_344 = arith.constant 0 : i32
    %dma_start3A_345 = tpu.memref_slice %arg6[%dma_start3A_336, %dma_start3A_344] : memref<50x128xi32, #tpu.memory_space<vmem>> -> memref<1x128xi32, #tpu.memory_space<vmem>>
    %dma_start3A_346 = tpu.memref_squeeze %dma_start3A_345 : memref<1x128xi32, #tpu.memory_space<vmem>> -> memref<128xi32, #tpu.memory_space<vmem>>
    %dma_start3A_347 = arith.constant 0 : i32
    %dma_start3A_348 = tpu.memref_slice %arg2[%min3A_335, %dma_start3A_347] : memref<200x1024xi32, #tpu.memory_space<hbm>> -> memref<1x1024xi32, #tpu.memory_space<hbm>>
    %dma_start3A_349 = tpu.memref_squeeze %dma_start3A_348 : memref<1x1024xi32, #tpu.memory_space<hbm>> -> memref<1024xi32, #tpu.memory_space<hbm>>
    %dma_start3A_350 = tpu.memref_slice %dma_start3A_349[%mul3A_11] : memref<1024xi32, #tpu.memory_space<hbm>> -> memref<128xi32, #tpu.memory_space<hbm>>
    tpu.enqueue_dma source(%dma_start3A_350 : memref<128xi32, #tpu.memory_space<hbm>>) target(%dma_start3A_346 : memref<128xi32, #tpu.memory_space<vmem>>) target_semaphore(%arg13 : memref<!tpu.dma_semaphore, #tpu.memory_space<semaphore_mem>>)
    %add3A_351 = arith.constant 44 : i32
    %add3A_352 = arith.addi %select_n3A_32, %add3A_351 : i32
    %add3A_353 = arith.constant 1 : i32
    %add3A_354 = arith.addi %add3A_352, %add3A_353 : i32
    %jit3A_355 = arith.constant 0 : i32
    %jit3A_356 = arith.constant 199 : i32
    %max3A_357 = arith.maxsi %jit3A_355, %add3A_354 : i32
    %min3A_358 = arith.minsi %jit3A_356, %max3A_357 : i32
    %dma_start3A_359 = arith.constant 11 : i32
    %dma_start3A_360 = arith.constant 0 : i32
    %dma_start3A_361 = tpu.memref_slice %arg6[%dma_start3A_359, %dma_start3A_360] : memref<50x128xi32, #tpu.memory_space<vmem>> -> memref<1x128xi32, #tpu.memory_space<vmem>>
    %dma_start3A_362 = tpu.memref_squeeze %dma_start3A_361 : memref<1x128xi32, #tpu.memory_space<vmem>> -> memref<128xi32, #tpu.memory_space<vmem>>
    %dma_start3A_363 = arith.constant 0 : i32
    %dma_start3A_364 = tpu.memref_slice %arg2[%min3A_358, %dma_start3A_363] : memref<200x1024xi32, #tpu.memory_space<hbm>> -> memref<1x1024xi32, #tpu.memory_space<hbm>>
    %dma_start3A_365 = tpu.memref_squeeze %dma_start3A_364 : memref<1x1024xi32, #tpu.memory_space<hbm>> -> memref<1024xi32, #tpu.memory_space<hbm>>
    %dma_start3A_366 = tpu.memref_slice %dma_start3A_365[%mul3A_11] : memref<1024xi32, #tpu.memory_space<hbm>> -> memref<128xi32, #tpu.memory_space<hbm>>
    %dma_start3A_367 = arith.constant 0 : i32
    %dma_start3A_368 = tpu.memref_slice %arg6[%dma_start3A_359, %dma_start3A_367] : memref<50x128xi32, #tpu.memory_space<vmem>> -> memref<1x128xi32, #tpu.memory_space<vmem>>
    %dma_start3A_369 = tpu.memref_squeeze %dma_start3A_368 : memref<1x128xi32, #tpu.memory_space<vmem>> -> memref<128xi32, #tpu.memory_space<vmem>>
    %dma_start3A_370 = arith.constant 0 : i32
    %dma_start3A_371 = tpu.memref_slice %arg2[%min3A_358, %dma_start3A_370] : memref<200x1024xi32, #tpu.memory_space<hbm>> -> memref<1x1024xi32, #tpu.memory_space<hbm>>
    %dma_start3A_372 = tpu.memref_squeeze %dma_start3A_371 : memref<1x1024xi32, #tpu.memory_space<hbm>> -> memref<1024xi32, #tpu.memory_space<hbm>>
    %dma_start3A_373 = tpu.memref_slice %dma_start3A_372[%mul3A_11] : memref<1024xi32, #tpu.memory_space<hbm>> -> memref<128xi32, #tpu.memory_space<hbm>>
    tpu.enqueue_dma source(%dma_start3A_373 : memref<128xi32, #tpu.memory_space<hbm>>) target(%dma_start3A_369 : memref<128xi32, #tpu.memory_space<vmem>>) target_semaphore(%arg13 : memref<!tpu.dma_semaphore, #tpu.memory_space<semaphore_mem>>)
    %add3A_374 = arith.constant 48 : i32
    %add3A_375 = arith.addi %select_n3A_32, %add3A_374 : i32
    %add3A_376 = arith.constant 1 : i32
    %add3A_377 = arith.addi %add3A_375, %add3A_376 : i32
    %jit3A_378 = arith.constant 0 : i32
    %jit3A_379 = arith.constant 199 : i32
    %max3A_380 = arith.maxsi %jit3A_378, %add3A_377 : i32
    %min3A_381 = arith.minsi %jit3A_379, %max3A_380 : i32
    %dma_start3A_382 = arith.constant 12 : i32
    %dma_start3A_383 = arith.constant 0 : i32
    %dma_start3A_384 = tpu.memref_slice %arg6[%dma_start3A_382, %dma_start3A_383] : memref<50x128xi32, #tpu.memory_space<vmem>> -> memref<1x128xi32, #tpu.memory_space<vmem>>
    %dma_start3A_385 = tpu.memref_squeeze %dma_start3A_384 : memref<1x128xi32, #tpu.memory_space<vmem>> -> memref<128xi32, #tpu.memory_space<vmem>>
    %dma_start3A_386 = arith.constant 0 : i32
    %dma_start3A_387 = tpu.memref_slice %arg2[%min3A_381, %dma_start3A_386] : memref<200x1024xi32, #tpu.memory_space<hbm>> -> memref<1x1024xi32, #tpu.memory_space<hbm>>
    %dma_start3A_388 = tpu.memref_squeeze %dma_start3A_387 : memref<1x1024xi32, #tpu.memory_space<hbm>> -> memref<1024xi32, #tpu.memory_space<hbm>>
    %dma_start3A_389 = tpu.memref_slice %dma_start3A_388[%mul3A_11] : memref<1024xi32, #tpu.memory_space<hbm>> -> memref<128xi32, #tpu.memory_space<hbm>>
    %dma_start3A_390 = arith.constant 0 : i32
    %dma_start3A_391 = tpu.memref_slice %arg6[%dma_start3A_382, %dma_start3A_390] : memref<50x128xi32, #tpu.memory_space<vmem>> -> memref<1x128xi32, #tpu.memory_space<vmem>>
    %dma_start3A_392 = tpu.memref_squeeze %dma_start3A_391 : memref<1x128xi32, #tpu.memory_space<vmem>> -> memref<128xi32, #tpu.memory_space<vmem>>
    %dma_start3A_393 = arith.constant 0 : i32
    %dma_start3A_394 = tpu.memref_slice %arg2[%min3A_381, %dma_start3A_393] : memref<200x1024xi32, #tpu.memory_space<hbm>> -> memref<1x1024xi32, #tpu.memory_space<hbm>>
    %dma_start3A_395 = tpu.memref_squeeze %dma_start3A_394 : memref<1x1024xi32, #tpu.memory_space<hbm>> -> memref<1024xi32, #tpu.memory_space<hbm>>
    %dma_start3A_396 = tpu.memref_slice %dma_start3A_395[%mul3A_11] : memref<1024xi32, #tpu.memory_space<hbm>> -> memref<128xi32, #tpu.memory_space<hbm>>
    tpu.enqueue_dma source(%dma_start3A_396 : memref<128xi32, #tpu.memory_space<hbm>>) target(%dma_start3A_392 : memref<128xi32, #tpu.memory_space<vmem>>) target_semaphore(%arg13 : memref<!tpu.dma_semaphore, #tpu.memory_space<semaphore_mem>>)
    %add3A_397 = arith.constant 52 : i32
    %add3A_398 = arith.addi %select_n3A_32, %add3A_397 : i32
    %add3A_399 = arith.constant 1 : i32
    %add3A_400 = arith.addi %add3A_398, %add3A_399 : i32
    %jit3A_401 = arith.constant 0 : i32
    %jit3A_402 = arith.constant 199 : i32
    %max3A_403 = arith.maxsi %jit3A_401, %add3A_400 : i32
    %min3A_404 = arith.minsi %jit3A_402, %max3A_403 : i32
    %dma_start3A_405 = arith.constant 13 : i32
    %dma_start3A_406 = arith.constant 0 : i32
    %dma_start3A_407 = tpu.memref_slice %arg6[%dma_start3A_405, %dma_start3A_406] : memref<50x128xi32, #tpu.memory_space<vmem>> -> memref<1x128xi32, #tpu.memory_space<vmem>>
    %dma_start3A_408 = tpu.memref_squeeze %dma_start3A_407 : memref<1x128xi32, #tpu.memory_space<vmem>> -> memref<128xi32, #tpu.memory_space<vmem>>
    %dma_start3A_409 = arith.constant 0 : i32
    %dma_start3A_410 = tpu.memref_slice %arg2[%min3A_404, %dma_start3A_409] : memref<200x1024xi32, #tpu.memory_space<hbm>> -> memref<1x1024xi32, #tpu.memory_space<hbm>>
    %dma_start3A_411 = tpu.memref_squeeze %dma_start3A_410 : memref<1x1024xi32, #tpu.memory_space<hbm>> -> memref<1024xi32, #tpu.memory_space<hbm>>
    %dma_start3A_412 = tpu.memref_slice %dma_start3A_411[%mul3A_11] : memref<1024xi32, #tpu.memory_space<hbm>> -> memref<128xi32, #tpu.memory_space<hbm>>
    %dma_start3A_413 = arith.constant 0 : i32
    %dma_start3A_414 = tpu.memref_slice %arg6[%dma_start3A_405, %dma_start3A_413] : memref<50x128xi32, #tpu.memory_space<vmem>> -> memref<1x128xi32, #tpu.memory_space<vmem>>
    %dma_start3A_415 = tpu.memref_squeeze %dma_start3A_414 : memref<1x128xi32, #tpu.memory_space<vmem>> -> memref<128xi32, #tpu.memory_space<vmem>>
    %dma_start3A_416 = arith.constant 0 : i32
    %dma_start3A_417 = tpu.memref_slice %arg2[%min3A_404, %dma_start3A_416] : memref<200x1024xi32, #tpu.memory_space<hbm>> -> memref<1x1024xi32, #tpu.memory_space<hbm>>
    %dma_start3A_418 = tpu.memref_squeeze %dma_start3A_417 : memref<1x1024xi32, #tpu.memory_space<hbm>> -> memref<1024xi32, #tpu.memory_space<hbm>>
    %dma_start3A_419 = tpu.memref_slice %dma_start3A_418[%mul3A_11] : memref<1024xi32, #tpu.memory_space<hbm>> -> memref<128xi32, #tpu.memory_space<hbm>>
    tpu.enqueue_dma source(%dma_start3A_419 : memref<128xi32, #tpu.memory_space<hbm>>) target(%dma_start3A_415 : memref<128xi32, #tpu.memory_space<vmem>>) target_semaphore(%arg13 : memref<!tpu.dma_semaphore, #tpu.memory_space<semaphore_mem>>)
    %add3A_420 = arith.constant 56 : i32
    %add3A_421 = arith.addi %select_n3A_32, %add3A_420 : i32
    %add3A_422 = arith.constant 1 : i32
    %add3A_423 = arith.addi %add3A_421, %add3A_422 : i32
    %jit3A_424 = arith.constant 0 : i32
    %jit3A_425 = arith.constant 199 : i32
    %max3A_426 = arith.maxsi %jit3A_424, %add3A_423 : i32
    %min3A_427 = arith.minsi %jit3A_425, %max3A_426 : i32
    %dma_start3A_428 = arith.constant 14 : i32
    %dma_start3A_429 = arith.constant 0 : i32
    %dma_start3A_430 = tpu.memref_slice %arg6[%dma_start3A_428, %dma_start3A_429] : memref<50x128xi32, #tpu.memory_space<vmem>> -> memref<1x128xi32, #tpu.memory_space<vmem>>
    %dma_start3A_431 = tpu.memref_squeeze %dma_start3A_430 : memref<1x128xi32, #tpu.memory_space<vmem>> -> memref<128xi32, #tpu.memory_space<vmem>>
    %dma_start3A_432 = arith.constant 0 : i32
    %dma_start3A_433 = tpu.memref_slice %arg2[%min3A_427, %dma_start3A_432] : memref<200x1024xi32, #tpu.memory_space<hbm>> -> memref<1x1024xi32, #tpu.memory_space<hbm>>
    %dma_start3A_434 = tpu.memref_squeeze %dma_start3A_433 : memref<1x1024xi32, #tpu.memory_space<hbm>> -> memref<1024xi32, #tpu.memory_space<hbm>>
    %dma_start3A_435 = tpu.memref_slice %dma_start3A_434[%mul3A_11] : memref<1024xi32, #tpu.memory_space<hbm>> -> memref<128xi32, #tpu.memory_space<hbm>>
    %dma_start3A_436 = arith.constant 0 : i32
    %dma_start3A_437 = tpu.memref_slice %arg6[%dma_start3A_428, %dma_start3A_436] : memref<50x128xi32, #tpu.memory_space<vmem>> -> memref<1x128xi32, #tpu.memory_space<vmem>>
    %dma_start3A_438 = tpu.memref_squeeze %dma_start3A_437 : memref<1x128xi32, #tpu.memory_space<vmem>> -> memref<128xi32, #tpu.memory_space<vmem>>
    %dma_start3A_439 = arith.constant 0 : i32
    %dma_start3A_440 = tpu.memref_slice %arg2[%min3A_427, %dma_start3A_439] : memref<200x1024xi32, #tpu.memory_space<hbm>> -> memref<1x1024xi32, #tpu.memory_space<hbm>>
    %dma_start3A_441 = tpu.memref_squeeze %dma_start3A_440 : memref<1x1024xi32, #tpu.memory_space<hbm>> -> memref<1024xi32, #tpu.memory_space<hbm>>
    %dma_start3A_442 = tpu.memref_slice %dma_start3A_441[%mul3A_11] : memref<1024xi32, #tpu.memory_space<hbm>> -> memref<128xi32, #tpu.memory_space<hbm>>
    tpu.enqueue_dma source(%dma_start3A_442 : memref<128xi32, #tpu.memory_space<hbm>>) target(%dma_start3A_438 : memref<128xi32, #tpu.memory_space<vmem>>) target_semaphore(%arg13 : memref<!tpu.dma_semaphore, #tpu.memory_space<semaphore_mem>>)
    %add3A_443 = arith.constant 60 : i32
    %add3A_444 = arith.addi %select_n3A_32, %add3A_443 : i32
    %add3A_445 = arith.constant 1 : i32
    %add3A_446 = arith.addi %add3A_444, %add3A_445 : i32
    %jit3A_447 = arith.constant 0 : i32
    %jit3A_448 = arith.constant 199 : i32
    %max3A_449 = arith.maxsi %jit3A_447, %add3A_446 : i32
    %min3A_450 = arith.minsi %jit3A_448, %max3A_449 : i32
    %dma_start3A_451 = arith.constant 15 : i32
    %dma_start3A_452 = arith.constant 0 : i32
    %dma_start3A_453 = tpu.memref_slice %arg6[%dma_start3A_451, %dma_start3A_452] : memref<50x128xi32, #tpu.memory_space<vmem>> -> memref<1x128xi32, #tpu.memory_space<vmem>>
    %dma_start3A_454 = tpu.memref_squeeze %dma_start3A_453 : memref<1x128xi32, #tpu.memory_space<vmem>> -> memref<128xi32, #tpu.memory_space<vmem>>
    %dma_start3A_455 = arith.constant 0 : i32
    %dma_start3A_456 = tpu.memref_slice %arg2[%min3A_450, %dma_start3A_455] : memref<200x1024xi32, #tpu.memory_space<hbm>> -> memref<1x1024xi32, #tpu.memory_space<hbm>>
    %dma_start3A_457 = tpu.memref_squeeze %dma_start3A_456 : memref<1x1024xi32, #tpu.memory_space<hbm>> -> memref<1024xi32, #tpu.memory_space<hbm>>
    %dma_start3A_458 = tpu.memref_slice %dma_start3A_457[%mul3A_11] : memref<1024xi32, #tpu.memory_space<hbm>> -> memref<128xi32, #tpu.memory_space<hbm>>
    %dma_start3A_459 = arith.constant 0 : i32
    %dma_start3A_460 = tpu.memref_slice %arg6[%dma_start3A_451, %dma_start3A_459] : memref<50x128xi32, #tpu.memory_space<vmem>> -> memref<1x128xi32, #tpu.memory_space<vmem>>
    %dma_start3A_461 = tpu.memref_squeeze %dma_start3A_460 : memref<1x128xi32, #tpu.memory_space<vmem>> -> memref<128xi32, #tpu.memory_space<vmem>>
    %dma_start3A_462 = arith.constant 0 : i32
    %dma_start3A_463 = tpu.memref_slice %arg2[%min3A_450, %dma_start3A_462] : memref<200x1024xi32, #tpu.memory_space<hbm>> -> memref<1x1024xi32, #tpu.memory_space<hbm>>
    %dma_start3A_464 = tpu.memref_squeeze %dma_start3A_463 : memref<1x1024xi32, #tpu.memory_space<hbm>> -> memref<1024xi32, #tpu.memory_space<hbm>>
    %dma_start3A_465 = tpu.memref_slice %dma_start3A_464[%mul3A_11] : memref<1024xi32, #tpu.memory_space<hbm>> -> memref<128xi32, #tpu.memory_space<hbm>>
    tpu.enqueue_dma source(%dma_start3A_465 : memref<128xi32, #tpu.memory_space<hbm>>) target(%dma_start3A_461 : memref<128xi32, #tpu.memory_space<vmem>>) target_semaphore(%arg13 : memref<!tpu.dma_semaphore, #tpu.memory_space<semaphore_mem>>)
    %add3A_466 = arith.constant 64 : i32
    %add3A_467 = arith.addi %select_n3A_32, %add3A_466 : i32
    %add3A_468 = arith.constant 1 : i32
    %add3A_469 = arith.addi %add3A_467, %add3A_468 : i32
    %jit3A_470 = arith.constant 0 : i32
    %jit3A_471 = arith.constant 199 : i32
    %max3A_472 = arith.maxsi %jit3A_470, %add3A_469 : i32
    %min3A_473 = arith.minsi %jit3A_471, %max3A_472 : i32
    %dma_start3A_474 = arith.constant 16 : i32
    %dma_start3A_475 = arith.constant 0 : i32
    %dma_start3A_476 = tpu.memref_slice %arg6[%dma_start3A_474, %dma_start3A_475] : memref<50x128xi32, #tpu.memory_space<vmem>> -> memref<1x128xi32, #tpu.memory_space<vmem>>
    %dma_start3A_477 = tpu.memref_squeeze %dma_start3A_476 : memref<1x128xi32, #tpu.memory_space<vmem>> -> memref<128xi32, #tpu.memory_space<vmem>>
    %dma_start3A_478 = arith.constant 0 : i32
    %dma_start3A_479 = tpu.memref_slice %arg2[%min3A_473, %dma_start3A_478] : memref<200x1024xi32, #tpu.memory_space<hbm>> -> memref<1x1024xi32, #tpu.memory_space<hbm>>
    %dma_start3A_480 = tpu.memref_squeeze %dma_start3A_479 : memref<1x1024xi32, #tpu.memory_space<hbm>> -> memref<1024xi32, #tpu.memory_space<hbm>>
    %dma_start3A_481 = tpu.memref_slice %dma_start3A_480[%mul3A_11] : memref<1024xi32, #tpu.memory_space<hbm>> -> memref<128xi32, #tpu.memory_space<hbm>>
    %dma_start3A_482 = arith.constant 0 : i32
    %dma_start3A_483 = tpu.memref_slice %arg6[%dma_start3A_474, %dma_start3A_482] : memref<50x128xi32, #tpu.memory_space<vmem>> -> memref<1x128xi32, #tpu.memory_space<vmem>>
    %dma_start3A_484 = tpu.memref_squeeze %dma_start3A_483 : memref<1x128xi32, #tpu.memory_space<vmem>> -> memref<128xi32, #tpu.memory_space<vmem>>
    %dma_start3A_485 = arith.constant 0 : i32
    %dma_start3A_486 = tpu.memref_slice %arg2[%min3A_473, %dma_start3A_485] : memref<200x1024xi32, #tpu.memory_space<hbm>> -> memref<1x1024xi32, #tpu.memory_space<hbm>>
    %dma_start3A_487 = tpu.memref_squeeze %dma_start3A_486 : memref<1x1024xi32, #tpu.memory_space<hbm>> -> memref<1024xi32, #tpu.memory_space<hbm>>
    %dma_start3A_488 = tpu.memref_slice %dma_start3A_487[%mul3A_11] : memref<1024xi32, #tpu.memory_space<hbm>> -> memref<128xi32, #tpu.memory_space<hbm>>
    tpu.enqueue_dma source(%dma_start3A_488 : memref<128xi32, #tpu.memory_space<hbm>>) target(%dma_start3A_484 : memref<128xi32, #tpu.memory_space<vmem>>) target_semaphore(%arg13 : memref<!tpu.dma_semaphore, #tpu.memory_space<semaphore_mem>>)
    %add3A_489 = arith.constant 68 : i32
    %add3A_490 = arith.addi %select_n3A_32, %add3A_489 : i32
    %add3A_491 = arith.constant 1 : i32
    %add3A_492 = arith.addi %add3A_490, %add3A_491 : i32
    %jit3A_493 = arith.constant 0 : i32
    %jit3A_494 = arith.constant 199 : i32
    %max3A_495 = arith.maxsi %jit3A_493, %add3A_492 : i32
    %min3A_496 = arith.minsi %jit3A_494, %max3A_495 : i32
    %dma_start3A_497 = arith.constant 17 : i32
    %dma_start3A_498 = arith.constant 0 : i32
    %dma_start3A_499 = tpu.memref_slice %arg6[%dma_start3A_497, %dma_start3A_498] : memref<50x128xi32, #tpu.memory_space<vmem>> -> memref<1x128xi32, #tpu.memory_space<vmem>>
    %dma_start3A_500 = tpu.memref_squeeze %dma_start3A_499 : memref<1x128xi32, #tpu.memory_space<vmem>> -> memref<128xi32, #tpu.memory_space<vmem>>
    %dma_start3A_501 = arith.constant 0 : i32
    %dma_start3A_502 = tpu.memref_slice %arg2[%min3A_496, %dma_start3A_501] : memref<200x1024xi32, #tpu.memory_space<hbm>> -> memref<1x1024xi32, #tpu.memory_space<hbm>>
    %dma_start3A_503 = tpu.memref_squeeze %dma_start3A_502 : memref<1x1024xi32, #tpu.memory_space<hbm>> -> memref<1024xi32, #tpu.memory_space<hbm>>
    %dma_start3A_504 = tpu.memref_slice %dma_start3A_503[%mul3A_11] : memref<1024xi32, #tpu.memory_space<hbm>> -> memref<128xi32, #tpu.memory_space<hbm>>
    %dma_start3A_505 = arith.constant 0 : i32
    %dma_start3A_506 = tpu.memref_slice %arg6[%dma_start3A_497, %dma_start3A_505] : memref<50x128xi32, #tpu.memory_space<vmem>> -> memref<1x128xi32, #tpu.memory_space<vmem>>
    %dma_start3A_507 = tpu.memref_squeeze %dma_start3A_506 : memref<1x128xi32, #tpu.memory_space<vmem>> -> memref<128xi32, #tpu.memory_space<vmem>>
    %dma_start3A_508 = arith.constant 0 : i32
    %dma_start3A_509 = tpu.memref_slice %arg2[%min3A_496, %dma_start3A_508] : memref<200x1024xi32, #tpu.memory_space<hbm>> -> memref<1x1024xi32, #tpu.memory_space<hbm>>
    %dma_start3A_510 = tpu.memref_squeeze %dma_start3A_509 : memref<1x1024xi32, #tpu.memory_space<hbm>> -> memref<1024xi32, #tpu.memory_space<hbm>>
    %dma_start3A_511 = tpu.memref_slice %dma_start3A_510[%mul3A_11] : memref<1024xi32, #tpu.memory_space<hbm>> -> memref<128xi32, #tpu.memory_space<hbm>>
    tpu.enqueue_dma source(%dma_start3A_511 : memref<128xi32, #tpu.memory_space<hbm>>) target(%dma_start3A_507 : memref<128xi32, #tpu.memory_space<vmem>>) target_semaphore(%arg13 : memref<!tpu.dma_semaphore, #tpu.memory_space<semaphore_mem>>)
    %add3A_512 = arith.constant 72 : i32
    %add3A_513 = arith.addi %select_n3A_32, %add3A_512 : i32
    %add3A_514 = arith.constant 1 : i32
    %add3A_515 = arith.addi %add3A_513, %add3A_514 : i32
    %jit3A_516 = arith.constant 0 : i32
    %jit3A_517 = arith.constant 199 : i32
    %max3A_518 = arith.maxsi %jit3A_516, %add3A_515 : i32
    %min3A_519 = arith.minsi %jit3A_517, %max3A_518 : i32
    %dma_start3A_520 = arith.constant 18 : i32
    %dma_start3A_521 = arith.constant 0 : i32
    %dma_start3A_522 = tpu.memref_slice %arg6[%dma_start3A_520, %dma_start3A_521] : memref<50x128xi32, #tpu.memory_space<vmem>> -> memref<1x128xi32, #tpu.memory_space<vmem>>
    %dma_start3A_523 = tpu.memref_squeeze %dma_start3A_522 : memref<1x128xi32, #tpu.memory_space<vmem>> -> memref<128xi32, #tpu.memory_space<vmem>>
    %dma_start3A_524 = arith.constant 0 : i32
    %dma_start3A_525 = tpu.memref_slice %arg2[%min3A_519, %dma_start3A_524] : memref<200x1024xi32, #tpu.memory_space<hbm>> -> memref<1x1024xi32, #tpu.memory_space<hbm>>
    %dma_start3A_526 = tpu.memref_squeeze %dma_start3A_525 : memref<1x1024xi32, #tpu.memory_space<hbm>> -> memref<1024xi32, #tpu.memory_space<hbm>>
    %dma_start3A_527 = tpu.memref_slice %dma_start3A_526[%mul3A_11] : memref<1024xi32, #tpu.memory_space<hbm>> -> memref<128xi32, #tpu.memory_space<hbm>>
    %dma_start3A_528 = arith.constant 0 : i32
    %dma_start3A_529 = tpu.memref_slice %arg6[%dma_start3A_520, %dma_start3A_528] : memref<50x128xi32, #tpu.memory_space<vmem>> -> memref<1x128xi32, #tpu.memory_space<vmem>>
    %dma_start3A_530 = tpu.memref_squeeze %dma_start3A_529 : memref<1x128xi32, #tpu.memory_space<vmem>> -> memref<128xi32, #tpu.memory_space<vmem>>
    %dma_start3A_531 = arith.constant 0 : i32
    %dma_start3A_532 = tpu.memref_slice %arg2[%min3A_519, %dma_start3A_531] : memref<200x1024xi32, #tpu.memory_space<hbm>> -> memref<1x1024xi32, #tpu.memory_space<hbm>>
    %dma_start3A_533 = tpu.memref_squeeze %dma_start3A_532 : memref<1x1024xi32, #tpu.memory_space<hbm>> -> memref<1024xi32, #tpu.memory_space<hbm>>
    %dma_start3A_534 = tpu.memref_slice %dma_start3A_533[%mul3A_11] : memref<1024xi32, #tpu.memory_space<hbm>> -> memref<128xi32, #tpu.memory_space<hbm>>
    tpu.enqueue_dma source(%dma_start3A_534 : memref<128xi32, #tpu.memory_space<hbm>>) target(%dma_start3A_530 : memref<128xi32, #tpu.memory_space<vmem>>) target_semaphore(%arg13 : memref<!tpu.dma_semaphore, #tpu.memory_space<semaphore_mem>>)
    %add3A_535 = arith.constant 76 : i32
    %add3A_536 = arith.addi %select_n3A_32, %add3A_535 : i32
    %add3A_537 = arith.constant 1 : i32
    %add3A_538 = arith.addi %add3A_536, %add3A_537 : i32
    %jit3A_539 = arith.constant 0 : i32
    %jit3A_540 = arith.constant 199 : i32
    %max3A_541 = arith.maxsi %jit3A_539, %add3A_538 : i32
    %min3A_542 = arith.minsi %jit3A_540, %max3A_541 : i32
    %dma_start3A_543 = arith.constant 19 : i32
    %dma_start3A_544 = arith.constant 0 : i32
    %dma_start3A_545 = tpu.memref_slice %arg6[%dma_start3A_543, %dma_start3A_544] : memref<50x128xi32, #tpu.memory_space<vmem>> -> memref<1x128xi32, #tpu.memory_space<vmem>>
    %dma_start3A_546 = tpu.memref_squeeze %dma_start3A_545 : memref<1x128xi32, #tpu.memory_space<vmem>> -> memref<128xi32, #tpu.memory_space<vmem>>
    %dma_start3A_547 = arith.constant 0 : i32
    %dma_start3A_548 = tpu.memref_slice %arg2[%min3A_542, %dma_start3A_547] : memref<200x1024xi32, #tpu.memory_space<hbm>> -> memref<1x1024xi32, #tpu.memory_space<hbm>>
    %dma_start3A_549 = tpu.memref_squeeze %dma_start3A_548 : memref<1x1024xi32, #tpu.memory_space<hbm>> -> memref<1024xi32, #tpu.memory_space<hbm>>
    %dma_start3A_550 = tpu.memref_slice %dma_start3A_549[%mul3A_11] : memref<1024xi32, #tpu.memory_space<hbm>> -> memref<128xi32, #tpu.memory_space<hbm>>
    %dma_start3A_551 = arith.constant 0 : i32
    %dma_start3A_552 = tpu.memref_slice %arg6[%dma_start3A_543, %dma_start3A_551] : memref<50x128xi32, #tpu.memory_space<vmem>> -> memref<1x128xi32, #tpu.memory_space<vmem>>
    %dma_start3A_553 = tpu.memref_squeeze %dma_start3A_552 : memref<1x128xi32, #tpu.memory_space<vmem>> -> memref<128xi32, #tpu.memory_space<vmem>>
    %dma_start3A_554 = arith.constant 0 : i32
    %dma_start3A_555 = tpu.memref_slice %arg2[%min3A_542, %dma_start3A_554] : memref<200x1024xi32, #tpu.memory_space<hbm>> -> memref<1x1024xi32, #tpu.memory_space<hbm>>
    %dma_start3A_556 = tpu.memref_squeeze %dma_start3A_555 : memref<1x1024xi32, #tpu.memory_space<hbm>> -> memref<1024xi32, #tpu.memory_space<hbm>>
    %dma_start3A_557 = tpu.memref_slice %dma_start3A_556[%mul3A_11] : memref<1024xi32, #tpu.memory_space<hbm>> -> memref<128xi32, #tpu.memory_space<hbm>>
    tpu.enqueue_dma source(%dma_start3A_557 : memref<128xi32, #tpu.memory_space<hbm>>) target(%dma_start3A_553 : memref<128xi32, #tpu.memory_space<vmem>>) target_semaphore(%arg13 : memref<!tpu.dma_semaphore, #tpu.memory_space<semaphore_mem>>)
    %add3A_558 = arith.constant 80 : i32
    %add3A_559 = arith.addi %select_n3A_32, %add3A_558 : i32
    %add3A_560 = arith.constant 1 : i32
    %add3A_561 = arith.addi %add3A_559, %add3A_560 : i32
    %jit3A_562 = arith.constant 0 : i32
    %jit3A_563 = arith.constant 199 : i32
    %max3A_564 = arith.maxsi %jit3A_562, %add3A_561 : i32
    %min3A_565 = arith.minsi %jit3A_563, %max3A_564 : i32
    %dma_start3A_566 = arith.constant 20 : i32
    %dma_start3A_567 = arith.constant 0 : i32
    %dma_start3A_568 = tpu.memref_slice %arg6[%dma_start3A_566, %dma_start3A_567] : memref<50x128xi32, #tpu.memory_space<vmem>> -> memref<1x128xi32, #tpu.memory_space<vmem>>
    %dma_start3A_569 = tpu.memref_squeeze %dma_start3A_568 : memref<1x128xi32, #tpu.memory_space<vmem>> -> memref<128xi32, #tpu.memory_space<vmem>>
    %dma_start3A_570 = arith.constant 0 : i32
    %dma_start3A_571 = tpu.memref_slice %arg2[%min3A_565, %dma_start3A_570] : memref<200x1024xi32, #tpu.memory_space<hbm>> -> memref<1x1024xi32, #tpu.memory_space<hbm>>
    %dma_start3A_572 = tpu.memref_squeeze %dma_start3A_571 : memref<1x1024xi32, #tpu.memory_space<hbm>> -> memref<1024xi32, #tpu.memory_space<hbm>>
    %dma_start3A_573 = tpu.memref_slice %dma_start3A_572[%mul3A_11] : memref<1024xi32, #tpu.memory_space<hbm>> -> memref<128xi32, #tpu.memory_space<hbm>>
    %dma_start3A_574 = arith.constant 0 : i32
    %dma_start3A_575 = tpu.memref_slice %arg6[%dma_start3A_566, %dma_start3A_574] : memref<50x128xi32, #tpu.memory_space<vmem>> -> memref<1x128xi32, #tpu.memory_space<vmem>>
    %dma_start3A_576 = tpu.memref_squeeze %dma_start3A_575 : memref<1x128xi32, #tpu.memory_space<vmem>> -> memref<128xi32, #tpu.memory_space<vmem>>
    %dma_start3A_577 = arith.constant 0 : i32
    %dma_start3A_578 = tpu.memref_slice %arg2[%min3A_565, %dma_start3A_577] : memref<200x1024xi32, #tpu.memory_space<hbm>> -> memref<1x1024xi32, #tpu.memory_space<hbm>>
    %dma_start3A_579 = tpu.memref_squeeze %dma_start3A_578 : memref<1x1024xi32, #tpu.memory_space<hbm>> -> memref<1024xi32, #tpu.memory_space<hbm>>
    %dma_start3A_580 = tpu.memref_slice %dma_start3A_579[%mul3A_11] : memref<1024xi32, #tpu.memory_space<hbm>> -> memref<128xi32, #tpu.memory_space<hbm>>
    tpu.enqueue_dma source(%dma_start3A_580 : memref<128xi32, #tpu.memory_space<hbm>>) target(%dma_start3A_576 : memref<128xi32, #tpu.memory_space<vmem>>) target_semaphore(%arg13 : memref<!tpu.dma_semaphore, #tpu.memory_space<semaphore_mem>>)
    %add3A_581 = arith.constant 84 : i32
    %add3A_582 = arith.addi %select_n3A_32, %add3A_581 : i32
    %add3A_583 = arith.constant 1 : i32
    %add3A_584 = arith.addi %add3A_582, %add3A_583 : i32
    %jit3A_585 = arith.constant 0 : i32
    %jit3A_586 = arith.constant 199 : i32
    %max3A_587 = arith.maxsi %jit3A_585, %add3A_584 : i32
    %min3A_588 = arith.minsi %jit3A_586, %max3A_587 : i32
    %dma_start3A_589 = arith.constant 21 : i32
    %dma_start3A_590 = arith.constant 0 : i32
    %dma_start3A_591 = tpu.memref_slice %arg6[%dma_start3A_589, %dma_start3A_590] : memref<50x128xi32, #tpu.memory_space<vmem>> -> memref<1x128xi32, #tpu.memory_space<vmem>>
    %dma_start3A_592 = tpu.memref_squeeze %dma_start3A_591 : memref<1x128xi32, #tpu.memory_space<vmem>> -> memref<128xi32, #tpu.memory_space<vmem>>
    %dma_start3A_593 = arith.constant 0 : i32
    %dma_start3A_594 = tpu.memref_slice %arg2[%min3A_588, %dma_start3A_593] : memref<200x1024xi32, #tpu.memory_space<hbm>> -> memref<1x1024xi32, #tpu.memory_space<hbm>>
    %dma_start3A_595 = tpu.memref_squeeze %dma_start3A_594 : memref<1x1024xi32, #tpu.memory_space<hbm>> -> memref<1024xi32, #tpu.memory_space<hbm>>
    %dma_start3A_596 = tpu.memref_slice %dma_start3A_595[%mul3A_11] : memref<1024xi32, #tpu.memory_space<hbm>> -> memref<128xi32, #tpu.memory_space<hbm>>
    %dma_start3A_597 = arith.constant 0 : i32
    %dma_start3A_598 = tpu.memref_slice %arg6[%dma_start3A_589, %dma_start3A_597] : memref<50x128xi32, #tpu.memory_space<vmem>> -> memref<1x128xi32, #tpu.memory_space<vmem>>
    %dma_start3A_599 = tpu.memref_squeeze %dma_start3A_598 : memref<1x128xi32, #tpu.memory_space<vmem>> -> memref<128xi32, #tpu.memory_space<vmem>>
    %dma_start3A_600 = arith.constant 0 : i32
    %dma_start3A_601 = tpu.memref_slice %arg2[%min3A_588, %dma_start3A_600] : memref<200x1024xi32, #tpu.memory_space<hbm>> -> memref<1x1024xi32, #tpu.memory_space<hbm>>
    %dma_start3A_602 = tpu.memref_squeeze %dma_start3A_601 : memref<1x1024xi32, #tpu.memory_space<hbm>> -> memref<1024xi32, #tpu.memory_space<hbm>>
    %dma_start3A_603 = tpu.memref_slice %dma_start3A_602[%mul3A_11] : memref<1024xi32, #tpu.memory_space<hbm>> -> memref<128xi32, #tpu.memory_space<hbm>>
    tpu.enqueue_dma source(%dma_start3A_603 : memref<128xi32, #tpu.memory_space<hbm>>) target(%dma_start3A_599 : memref<128xi32, #tpu.memory_space<vmem>>) target_semaphore(%arg13 : memref<!tpu.dma_semaphore, #tpu.memory_space<semaphore_mem>>)
    %add3A_604 = arith.constant 88 : i32
    %add3A_605 = arith.addi %select_n3A_32, %add3A_604 : i32
    %add3A_606 = arith.constant 1 : i32
    %add3A_607 = arith.addi %add3A_605, %add3A_606 : i32
    %jit3A_608 = arith.constant 0 : i32
    %jit3A_609 = arith.constant 199 : i32
    %max3A_610 = arith.maxsi %jit3A_608, %add3A_607 : i32
    %min3A_611 = arith.minsi %jit3A_609, %max3A_610 : i32
    %dma_start3A_612 = arith.constant 22 : i32
    %dma_start3A_613 = arith.constant 0 : i32
    %dma_start3A_614 = tpu.memref_slice %arg6[%dma_start3A_612, %dma_start3A_613] : memref<50x128xi32, #tpu.memory_space<vmem>> -> memref<1x128xi32, #tpu.memory_space<vmem>>
    %dma_start3A_615 = tpu.memref_squeeze %dma_start3A_614 : memref<1x128xi32, #tpu.memory_space<vmem>> -> memref<128xi32, #tpu.memory_space<vmem>>
    %dma_start3A_616 = arith.constant 0 : i32
    %dma_start3A_617 = tpu.memref_slice %arg2[%min3A_611, %dma_start3A_616] : memref<200x1024xi32, #tpu.memory_space<hbm>> -> memref<1x1024xi32, #tpu.memory_space<hbm>>
    %dma_start3A_618 = tpu.memref_squeeze %dma_start3A_617 : memref<1x1024xi32, #tpu.memory_space<hbm>> -> memref<1024xi32, #tpu.memory_space<hbm>>
    %dma_start3A_619 = tpu.memref_slice %dma_start3A_618[%mul3A_11] : memref<1024xi32, #tpu.memory_space<hbm>> -> memref<128xi32, #tpu.memory_space<hbm>>
    %dma_start3A_620 = arith.constant 0 : i32
    %dma_start3A_621 = tpu.memref_slice %arg6[%dma_start3A_612, %dma_start3A_620] : memref<50x128xi32, #tpu.memory_space<vmem>> -> memref<1x128xi32, #tpu.memory_space<vmem>>
    %dma_start3A_622 = tpu.memref_squeeze %dma_start3A_621 : memref<1x128xi32, #tpu.memory_space<vmem>> -> memref<128xi32, #tpu.memory_space<vmem>>
    %dma_start3A_623 = arith.constant 0 : i32
    %dma_start3A_624 = tpu.memref_slice %arg2[%min3A_611, %dma_start3A_623] : memref<200x1024xi32, #tpu.memory_space<hbm>> -> memref<1x1024xi32, #tpu.memory_space<hbm>>
    %dma_start3A_625 = tpu.memref_squeeze %dma_start3A_624 : memref<1x1024xi32, #tpu.memory_space<hbm>> -> memref<1024xi32, #tpu.memory_space<hbm>>
    %dma_start3A_626 = tpu.memref_slice %dma_start3A_625[%mul3A_11] : memref<1024xi32, #tpu.memory_space<hbm>> -> memref<128xi32, #tpu.memory_space<hbm>>
    tpu.enqueue_dma source(%dma_start3A_626 : memref<128xi32, #tpu.memory_space<hbm>>) target(%dma_start3A_622 : memref<128xi32, #tpu.memory_space<vmem>>) target_semaphore(%arg13 : memref<!tpu.dma_semaphore, #tpu.memory_space<semaphore_mem>>)
    %add3A_627 = arith.constant 92 : i32
    %add3A_628 = arith.addi %select_n3A_32, %add3A_627 : i32
    %add3A_629 = arith.constant 1 : i32
    %add3A_630 = arith.addi %add3A_628, %add3A_629 : i32
    %jit3A_631 = arith.constant 0 : i32
    %jit3A_632 = arith.constant 199 : i32
    %max3A_633 = arith.maxsi %jit3A_631, %add3A_630 : i32
    %min3A_634 = arith.minsi %jit3A_632, %max3A_633 : i32
    %dma_start3A_635 = arith.constant 23 : i32
    %dma_start3A_636 = arith.constant 0 : i32
    %dma_start3A_637 = tpu.memref_slice %arg6[%dma_start3A_635, %dma_start3A_636] : memref<50x128xi32, #tpu.memory_space<vmem>> -> memref<1x128xi32, #tpu.memory_space<vmem>>
    %dma_start3A_638 = tpu.memref_squeeze %dma_start3A_637 : memref<1x128xi32, #tpu.memory_space<vmem>> -> memref<128xi32, #tpu.memory_space<vmem>>
    %dma_start3A_639 = arith.constant 0 : i32
    %dma_start3A_640 = tpu.memref_slice %arg2[%min3A_634, %dma_start3A_639] : memref<200x1024xi32, #tpu.memory_space<hbm>> -> memref<1x1024xi32, #tpu.memory_space<hbm>>
    %dma_start3A_641 = tpu.memref_squeeze %dma_start3A_640 : memref<1x1024xi32, #tpu.memory_space<hbm>> -> memref<1024xi32, #tpu.memory_space<hbm>>
    %dma_start3A_642 = tpu.memref_slice %dma_start3A_641[%mul3A_11] : memref<1024xi32, #tpu.memory_space<hbm>> -> memref<128xi32, #tpu.memory_space<hbm>>
    %dma_start3A_643 = arith.constant 0 : i32
    %dma_start3A_644 = tpu.memref_slice %arg6[%dma_start3A_635, %dma_start3A_643] : memref<50x128xi32, #tpu.memory_space<vmem>> -> memref<1x128xi32, #tpu.memory_space<vmem>>
    %dma_start3A_645 = tpu.memref_squeeze %dma_start3A_644 : memref<1x128xi32, #tpu.memory_space<vmem>> -> memref<128xi32, #tpu.memory_space<vmem>>
    %dma_start3A_646 = arith.constant 0 : i32
    %dma_start3A_647 = tpu.memref_slice %arg2[%min3A_634, %dma_start3A_646] : memref<200x1024xi32, #tpu.memory_space<hbm>> -> memref<1x1024xi32, #tpu.memory_space<hbm>>
    %dma_start3A_648 = tpu.memref_squeeze %dma_start3A_647 : memref<1x1024xi32, #tpu.memory_space<hbm>> -> memref<1024xi32, #tpu.memory_space<hbm>>
    %dma_start3A_649 = tpu.memref_slice %dma_start3A_648[%mul3A_11] : memref<1024xi32, #tpu.memory_space<hbm>> -> memref<128xi32, #tpu.memory_space<hbm>>
    tpu.enqueue_dma source(%dma_start3A_649 : memref<128xi32, #tpu.memory_space<hbm>>) target(%dma_start3A_645 : memref<128xi32, #tpu.memory_space<vmem>>) target_semaphore(%arg13 : memref<!tpu.dma_semaphore, #tpu.memory_space<semaphore_mem>>)
    %add3A_650 = arith.constant 96 : i32
    %add3A_651 = arith.addi %select_n3A_32, %add3A_650 : i32
    %add3A_652 = arith.constant 1 : i32
    %add3A_653 = arith.addi %add3A_651, %add3A_652 : i32
    %jit3A_654 = arith.constant 0 : i32
    %jit3A_655 = arith.constant 199 : i32
    %max3A_656 = arith.maxsi %jit3A_654, %add3A_653 : i32
    %min3A_657 = arith.minsi %jit3A_655, %max3A_656 : i32
    %dma_start3A_658 = arith.constant 24 : i32
    %dma_start3A_659 = arith.constant 0 : i32
    %dma_start3A_660 = tpu.memref_slice %arg6[%dma_start3A_658, %dma_start3A_659] : memref<50x128xi32, #tpu.memory_space<vmem>> -> memref<1x128xi32, #tpu.memory_space<vmem>>
    %dma_start3A_661 = tpu.memref_squeeze %dma_start3A_660 : memref<1x128xi32, #tpu.memory_space<vmem>> -> memref<128xi32, #tpu.memory_space<vmem>>
    %dma_start3A_662 = arith.constant 0 : i32
    %dma_start3A_663 = tpu.memref_slice %arg2[%min3A_657, %dma_start3A_662] : memref<200x1024xi32, #tpu.memory_space<hbm>> -> memref<1x1024xi32, #tpu.memory_space<hbm>>
    %dma_start3A_664 = tpu.memref_squeeze %dma_start3A_663 : memref<1x1024xi32, #tpu.memory_space<hbm>> -> memref<1024xi32, #tpu.memory_space<hbm>>
    %dma_start3A_665 = tpu.memref_slice %dma_start3A_664[%mul3A_11] : memref<1024xi32, #tpu.memory_space<hbm>> -> memref<128xi32, #tpu.memory_space<hbm>>
    %dma_start3A_666 = arith.constant 0 : i32
    %dma_start3A_667 = tpu.memref_slice %arg6[%dma_start3A_658, %dma_start3A_666] : memref<50x128xi32, #tpu.memory_space<vmem>> -> memref<1x128xi32, #tpu.memory_space<vmem>>
    %dma_start3A_668 = tpu.memref_squeeze %dma_start3A_667 : memref<1x128xi32, #tpu.memory_space<vmem>> -> memref<128xi32, #tpu.memory_space<vmem>>
    %dma_start3A_669 = arith.constant 0 : i32
    %dma_start3A_670 = tpu.memref_slice %arg2[%min3A_657, %dma_start3A_669] : memref<200x1024xi32, #tpu.memory_space<hbm>> -> memref<1x1024xi32, #tpu.memory_space<hbm>>
    %dma_start3A_671 = tpu.memref_squeeze %dma_start3A_670 : memref<1x1024xi32, #tpu.memory_space<hbm>> -> memref<1024xi32, #tpu.memory_space<hbm>>
    %dma_start3A_672 = tpu.memref_slice %dma_start3A_671[%mul3A_11] : memref<1024xi32, #tpu.memory_space<hbm>> -> memref<128xi32, #tpu.memory_space<hbm>>
    tpu.enqueue_dma source(%dma_start3A_672 : memref<128xi32, #tpu.memory_space<hbm>>) target(%dma_start3A_668 : memref<128xi32, #tpu.memory_space<vmem>>) target_semaphore(%arg13 : memref<!tpu.dma_semaphore, #tpu.memory_space<semaphore_mem>>)
    %add3A_673 = arith.constant 100 : i32
    %add3A_674 = arith.addi %select_n3A_32, %add3A_673 : i32
    %add3A_675 = arith.constant 1 : i32
    %add3A_676 = arith.addi %add3A_674, %add3A_675 : i32
    %jit3A_677 = arith.constant 0 : i32
    %jit3A_678 = arith.constant 199 : i32
    %max3A_679 = arith.maxsi %jit3A_677, %add3A_676 : i32
    %min3A_680 = arith.minsi %jit3A_678, %max3A_679 : i32
    %dma_start3A_681 = arith.constant 25 : i32
    %dma_start3A_682 = arith.constant 0 : i32
    %dma_start3A_683 = tpu.memref_slice %arg6[%dma_start3A_681, %dma_start3A_682] : memref<50x128xi32, #tpu.memory_space<vmem>> -> memref<1x128xi32, #tpu.memory_space<vmem>>
    %dma_start3A_684 = tpu.memref_squeeze %dma_start3A_683 : memref<1x128xi32, #tpu.memory_space<vmem>> -> memref<128xi32, #tpu.memory_space<vmem>>
    %dma_start3A_685 = arith.constant 0 : i32
    %dma_start3A_686 = tpu.memref_slice %arg2[%min3A_680, %dma_start3A_685] : memref<200x1024xi32, #tpu.memory_space<hbm>> -> memref<1x1024xi32, #tpu.memory_space<hbm>>
    %dma_start3A_687 = tpu.memref_squeeze %dma_start3A_686 : memref<1x1024xi32, #tpu.memory_space<hbm>> -> memref<1024xi32, #tpu.memory_space<hbm>>
    %dma_start3A_688 = tpu.memref_slice %dma_start3A_687[%mul3A_11] : memref<1024xi32, #tpu.memory_space<hbm>> -> memref<128xi32, #tpu.memory_space<hbm>>
    %dma_start3A_689 = arith.constant 0 : i32
    %dma_start3A_690 = tpu.memref_slice %arg6[%dma_start3A_681, %dma_start3A_689] : memref<50x128xi32, #tpu.memory_space<vmem>> -> memref<1x128xi32, #tpu.memory_space<vmem>>
    %dma_start3A_691 = tpu.memref_squeeze %dma_start3A_690 : memref<1x128xi32, #tpu.memory_space<vmem>> -> memref<128xi32, #tpu.memory_space<vmem>>
    %dma_start3A_692 = arith.constant 0 : i32
    %dma_start3A_693 = tpu.memref_slice %arg2[%min3A_680, %dma_start3A_692] : memref<200x1024xi32, #tpu.memory_space<hbm>> -> memref<1x1024xi32, #tpu.memory_space<hbm>>
    %dma_start3A_694 = tpu.memref_squeeze %dma_start3A_693 : memref<1x1024xi32, #tpu.memory_space<hbm>> -> memref<1024xi32, #tpu.memory_space<hbm>>
    %dma_start3A_695 = tpu.memref_slice %dma_start3A_694[%mul3A_11] : memref<1024xi32, #tpu.memory_space<hbm>> -> memref<128xi32, #tpu.memory_space<hbm>>
    tpu.enqueue_dma source(%dma_start3A_695 : memref<128xi32, #tpu.memory_space<hbm>>) target(%dma_start3A_691 : memref<128xi32, #tpu.memory_space<vmem>>) target_semaphore(%arg13 : memref<!tpu.dma_semaphore, #tpu.memory_space<semaphore_mem>>)
    %add3A_696 = arith.constant 104 : i32
    %add3A_697 = arith.addi %select_n3A_32, %add3A_696 : i32
    %add3A_698 = arith.constant 1 : i32
    %add3A_699 = arith.addi %add3A_697, %add3A_698 : i32
    %jit3A_700 = arith.constant 0 : i32
    %jit3A_701 = arith.constant 199 : i32
    %max3A_702 = arith.maxsi %jit3A_700, %add3A_699 : i32
    %min3A_703 = arith.minsi %jit3A_701, %max3A_702 : i32
    %dma_start3A_704 = arith.constant 26 : i32
    %dma_start3A_705 = arith.constant 0 : i32
    %dma_start3A_706 = tpu.memref_slice %arg6[%dma_start3A_704, %dma_start3A_705] : memref<50x128xi32, #tpu.memory_space<vmem>> -> memref<1x128xi32, #tpu.memory_space<vmem>>
    %dma_start3A_707 = tpu.memref_squeeze %dma_start3A_706 : memref<1x128xi32, #tpu.memory_space<vmem>> -> memref<128xi32, #tpu.memory_space<vmem>>
    %dma_start3A_708 = arith.constant 0 : i32
    %dma_start3A_709 = tpu.memref_slice %arg2[%min3A_703, %dma_start3A_708] : memref<200x1024xi32, #tpu.memory_space<hbm>> -> memref<1x1024xi32, #tpu.memory_space<hbm>>
    %dma_start3A_710 = tpu.memref_squeeze %dma_start3A_709 : memref<1x1024xi32, #tpu.memory_space<hbm>> -> memref<1024xi32, #tpu.memory_space<hbm>>
    %dma_start3A_711 = tpu.memref_slice %dma_start3A_710[%mul3A_11] : memref<1024xi32, #tpu.memory_space<hbm>> -> memref<128xi32, #tpu.memory_space<hbm>>
    %dma_start3A_712 = arith.constant 0 : i32
    %dma_start3A_713 = tpu.memref_slice %arg6[%dma_start3A_704, %dma_start3A_712] : memref<50x128xi32, #tpu.memory_space<vmem>> -> memref<1x128xi32, #tpu.memory_space<vmem>>
    %dma_start3A_714 = tpu.memref_squeeze %dma_start3A_713 : memref<1x128xi32, #tpu.memory_space<vmem>> -> memref<128xi32, #tpu.memory_space<vmem>>
    %dma_start3A_715 = arith.constant 0 : i32
    %dma_start3A_716 = tpu.memref_slice %arg2[%min3A_703, %dma_start3A_715] : memref<200x1024xi32, #tpu.memory_space<hbm>> -> memref<1x1024xi32, #tpu.memory_space<hbm>>
    %dma_start3A_717 = tpu.memref_squeeze %dma_start3A_716 : memref<1x1024xi32, #tpu.memory_space<hbm>> -> memref<1024xi32, #tpu.memory_space<hbm>>
    %dma_start3A_718 = tpu.memref_slice %dma_start3A_717[%mul3A_11] : memref<1024xi32, #tpu.memory_space<hbm>> -> memref<128xi32, #tpu.memory_space<hbm>>
    tpu.enqueue_dma source(%dma_start3A_718 : memref<128xi32, #tpu.memory_space<hbm>>) target(%dma_start3A_714 : memref<128xi32, #tpu.memory_space<vmem>>) target_semaphore(%arg13 : memref<!tpu.dma_semaphore, #tpu.memory_space<semaphore_mem>>)
    %add3A_719 = arith.constant 108 : i32
    %add3A_720 = arith.addi %select_n3A_32, %add3A_719 : i32
    %add3A_721 = arith.constant 1 : i32
    %add3A_722 = arith.addi %add3A_720, %add3A_721 : i32
    %jit3A_723 = arith.constant 0 : i32
    %jit3A_724 = arith.constant 199 : i32
    %max3A_725 = arith.maxsi %jit3A_723, %add3A_722 : i32
    %min3A_726 = arith.minsi %jit3A_724, %max3A_725 : i32
    %dma_start3A_727 = arith.constant 27 : i32
    %dma_start3A_728 = arith.constant 0 : i32
    %dma_start3A_729 = tpu.memref_slice %arg6[%dma_start3A_727, %dma_start3A_728] : memref<50x128xi32, #tpu.memory_space<vmem>> -> memref<1x128xi32, #tpu.memory_space<vmem>>
    %dma_start3A_730 = tpu.memref_squeeze %dma_start3A_729 : memref<1x128xi32, #tpu.memory_space<vmem>> -> memref<128xi32, #tpu.memory_space<vmem>>
    %dma_start3A_731 = arith.constant 0 : i32
    %dma_start3A_732 = tpu.memref_slice %arg2[%min3A_726, %dma_start3A_731] : memref<200x1024xi32, #tpu.memory_space<hbm>> -> memref<1x1024xi32, #tpu.memory_space<hbm>>
    %dma_start3A_733 = tpu.memref_squeeze %dma_start3A_732 : memref<1x1024xi32, #tpu.memory_space<hbm>> -> memref<1024xi32, #tpu.memory_space<hbm>>
    %dma_start3A_734 = tpu.memref_slice %dma_start3A_733[%mul3A_11] : memref<1024xi32, #tpu.memory_space<hbm>> -> memref<128xi32, #tpu.memory_space<hbm>>
    %dma_start3A_735 = arith.constant 0 : i32
    %dma_start3A_736 = tpu.memref_slice %arg6[%dma_start3A_727, %dma_start3A_735] : memref<50x128xi32, #tpu.memory_space<vmem>> -> memref<1x128xi32, #tpu.memory_space<vmem>>
    %dma_start3A_737 = tpu.memref_squeeze %dma_start3A_736 : memref<1x128xi32, #tpu.memory_space<vmem>> -> memref<128xi32, #tpu.memory_space<vmem>>
    %dma_start3A_738 = arith.constant 0 : i32
    %dma_start3A_739 = tpu.memref_slice %arg2[%min3A_726, %dma_start3A_738] : memref<200x1024xi32, #tpu.memory_space<hbm>> -> memref<1x1024xi32, #tpu.memory_space<hbm>>
    %dma_start3A_740 = tpu.memref_squeeze %dma_start3A_739 : memref<1x1024xi32, #tpu.memory_space<hbm>> -> memref<1024xi32, #tpu.memory_space<hbm>>
    %dma_start3A_741 = tpu.memref_slice %dma_start3A_740[%mul3A_11] : memref<1024xi32, #tpu.memory_space<hbm>> -> memref<128xi32, #tpu.memory_space<hbm>>
    tpu.enqueue_dma source(%dma_start3A_741 : memref<128xi32, #tpu.memory_space<hbm>>) target(%dma_start3A_737 : memref<128xi32, #tpu.memory_space<vmem>>) target_semaphore(%arg13 : memref<!tpu.dma_semaphore, #tpu.memory_space<semaphore_mem>>)
    %add3A_742 = arith.constant 112 : i32
    %add3A_743 = arith.addi %select_n3A_32, %add3A_742 : i32
    %add3A_744 = arith.constant 1 : i32
    %add3A_745 = arith.addi %add3A_743, %add3A_744 : i32
    %jit3A_746 = arith.constant 0 : i32
    %jit3A_747 = arith.constant 199 : i32
    %max3A_748 = arith.maxsi %jit3A_746, %add3A_745 : i32
    %min3A_749 = arith.minsi %jit3A_747, %max3A_748 : i32
    %dma_start3A_750 = arith.constant 28 : i32
    %dma_start3A_751 = arith.constant 0 : i32
    %dma_start3A_752 = tpu.memref_slice %arg6[%dma_start3A_750, %dma_start3A_751] : memref<50x128xi32, #tpu.memory_space<vmem>> -> memref<1x128xi32, #tpu.memory_space<vmem>>
    %dma_start3A_753 = tpu.memref_squeeze %dma_start3A_752 : memref<1x128xi32, #tpu.memory_space<vmem>> -> memref<128xi32, #tpu.memory_space<vmem>>
    %dma_start3A_754 = arith.constant 0 : i32
    %dma_start3A_755 = tpu.memref_slice %arg2[%min3A_749, %dma_start3A_754] : memref<200x1024xi32, #tpu.memory_space<hbm>> -> memref<1x1024xi32, #tpu.memory_space<hbm>>
    %dma_start3A_756 = tpu.memref_squeeze %dma_start3A_755 : memref<1x1024xi32, #tpu.memory_space<hbm>> -> memref<1024xi32, #tpu.memory_space<hbm>>
    %dma_start3A_757 = tpu.memref_slice %dma_start3A_756[%mul3A_11] : memref<1024xi32, #tpu.memory_space<hbm>> -> memref<128xi32, #tpu.memory_space<hbm>>
    %dma_start3A_758 = arith.constant 0 : i32
    %dma_start3A_759 = tpu.memref_slice %arg6[%dma_start3A_750, %dma_start3A_758] : memref<50x128xi32, #tpu.memory_space<vmem>> -> memref<1x128xi32, #tpu.memory_space<vmem>>
    %dma_start3A_760 = tpu.memref_squeeze %dma_start3A_759 : memref<1x128xi32, #tpu.memory_space<vmem>> -> memref<128xi32, #tpu.memory_space<vmem>>
    %dma_start3A_761 = arith.constant 0 : i32
    %dma_start3A_762 = tpu.memref_slice %arg2[%min3A_749, %dma_start3A_761] : memref<200x1024xi32, #tpu.memory_space<hbm>> -> memref<1x1024xi32, #tpu.memory_space<hbm>>
    %dma_start3A_763 = tpu.memref_squeeze %dma_start3A_762 : memref<1x1024xi32, #tpu.memory_space<hbm>> -> memref<1024xi32, #tpu.memory_space<hbm>>
    %dma_start3A_764 = tpu.memref_slice %dma_start3A_763[%mul3A_11] : memref<1024xi32, #tpu.memory_space<hbm>> -> memref<128xi32, #tpu.memory_space<hbm>>
    tpu.enqueue_dma source(%dma_start3A_764 : memref<128xi32, #tpu.memory_space<hbm>>) target(%dma_start3A_760 : memref<128xi32, #tpu.memory_space<vmem>>) target_semaphore(%arg13 : memref<!tpu.dma_semaphore, #tpu.memory_space<semaphore_mem>>)
    %add3A_765 = arith.constant 116 : i32
    %add3A_766 = arith.addi %select_n3A_32, %add3A_765 : i32
    %add3A_767 = arith.constant 1 : i32
    %add3A_768 = arith.addi %add3A_766, %add3A_767 : i32
    %jit3A_769 = arith.constant 0 : i32
    %jit3A_770 = arith.constant 199 : i32
    %max3A_771 = arith.maxsi %jit3A_769, %add3A_768 : i32
    %min3A_772 = arith.minsi %jit3A_770, %max3A_771 : i32
    %dma_start3A_773 = arith.constant 29 : i32
    %dma_start3A_774 = arith.constant 0 : i32
    %dma_start3A_775 = tpu.memref_slice %arg6[%dma_start3A_773, %dma_start3A_774] : memref<50x128xi32, #tpu.memory_space<vmem>> -> memref<1x128xi32, #tpu.memory_space<vmem>>
    %dma_start3A_776 = tpu.memref_squeeze %dma_start3A_775 : memref<1x128xi32, #tpu.memory_space<vmem>> -> memref<128xi32, #tpu.memory_space<vmem>>
    %dma_start3A_777 = arith.constant 0 : i32
    %dma_start3A_778 = tpu.memref_slice %arg2[%min3A_772, %dma_start3A_777] : memref<200x1024xi32, #tpu.memory_space<hbm>> -> memref<1x1024xi32, #tpu.memory_space<hbm>>
    %dma_start3A_779 = tpu.memref_squeeze %dma_start3A_778 : memref<1x1024xi32, #tpu.memory_space<hbm>> -> memref<1024xi32, #tpu.memory_space<hbm>>
    %dma_start3A_780 = tpu.memref_slice %dma_start3A_779[%mul3A_11] : memref<1024xi32, #tpu.memory_space<hbm>> -> memref<128xi32, #tpu.memory_space<hbm>>
    %dma_start3A_781 = arith.constant 0 : i32
    %dma_start3A_782 = tpu.memref_slice %arg6[%dma_start3A_773, %dma_start3A_781] : memref<50x128xi32, #tpu.memory_space<vmem>> -> memref<1x128xi32, #tpu.memory_space<vmem>>
    %dma_start3A_783 = tpu.memref_squeeze %dma_start3A_782 : memref<1x128xi32, #tpu.memory_space<vmem>> -> memref<128xi32, #tpu.memory_space<vmem>>
    %dma_start3A_784 = arith.constant 0 : i32
    %dma_start3A_785 = tpu.memref_slice %arg2[%min3A_772, %dma_start3A_784] : memref<200x1024xi32, #tpu.memory_space<hbm>> -> memref<1x1024xi32, #tpu.memory_space<hbm>>
    %dma_start3A_786 = tpu.memref_squeeze %dma_start3A_785 : memref<1x1024xi32, #tpu.memory_space<hbm>> -> memref<1024xi32, #tpu.memory_space<hbm>>
    %dma_start3A_787 = tpu.memref_slice %dma_start3A_786[%mul3A_11] : memref<1024xi32, #tpu.memory_space<hbm>> -> memref<128xi32, #tpu.memory_space<hbm>>
    tpu.enqueue_dma source(%dma_start3A_787 : memref<128xi32, #tpu.memory_space<hbm>>) target(%dma_start3A_783 : memref<128xi32, #tpu.memory_space<vmem>>) target_semaphore(%arg13 : memref<!tpu.dma_semaphore, #tpu.memory_space<semaphore_mem>>)
    %add3A_788 = arith.constant 120 : i32
    %add3A_789 = arith.addi %select_n3A_32, %add3A_788 : i32
    %add3A_790 = arith.constant 1 : i32
    %add3A_791 = arith.addi %add3A_789, %add3A_790 : i32
    %jit3A_792 = arith.constant 0 : i32
    %jit3A_793 = arith.constant 199 : i32
    %max3A_794 = arith.maxsi %jit3A_792, %add3A_791 : i32
    %min3A_795 = arith.minsi %jit3A_793, %max3A_794 : i32
    %dma_start3A_796 = arith.constant 30 : i32
    %dma_start3A_797 = arith.constant 0 : i32
    %dma_start3A_798 = tpu.memref_slice %arg6[%dma_start3A_796, %dma_start3A_797] : memref<50x128xi32, #tpu.memory_space<vmem>> -> memref<1x128xi32, #tpu.memory_space<vmem>>
    %dma_start3A_799 = tpu.memref_squeeze %dma_start3A_798 : memref<1x128xi32, #tpu.memory_space<vmem>> -> memref<128xi32, #tpu.memory_space<vmem>>
    %dma_start3A_800 = arith.constant 0 : i32
    %dma_start3A_801 = tpu.memref_slice %arg2[%min3A_795, %dma_start3A_800] : memref<200x1024xi32, #tpu.memory_space<hbm>> -> memref<1x1024xi32, #tpu.memory_space<hbm>>
    %dma_start3A_802 = tpu.memref_squeeze %dma_start3A_801 : memref<1x1024xi32, #tpu.memory_space<hbm>> -> memref<1024xi32, #tpu.memory_space<hbm>>
    %dma_start3A_803 = tpu.memref_slice %dma_start3A_802[%mul3A_11] : memref<1024xi32, #tpu.memory_space<hbm>> -> memref<128xi32, #tpu.memory_space<hbm>>
    %dma_start3A_804 = arith.constant 0 : i32
    %dma_start3A_805 = tpu.memref_slice %arg6[%dma_start3A_796, %dma_start3A_804] : memref<50x128xi32, #tpu.memory_space<vmem>> -> memref<1x128xi32, #tpu.memory_space<vmem>>
    %dma_start3A_806 = tpu.memref_squeeze %dma_start3A_805 : memref<1x128xi32, #tpu.memory_space<vmem>> -> memref<128xi32, #tpu.memory_space<vmem>>
    %dma_start3A_807 = arith.constant 0 : i32
    %dma_start3A_808 = tpu.memref_slice %arg2[%min3A_795, %dma_start3A_807] : memref<200x1024xi32, #tpu.memory_space<hbm>> -> memref<1x1024xi32, #tpu.memory_space<hbm>>
    %dma_start3A_809 = tpu.memref_squeeze %dma_start3A_808 : memref<1x1024xi32, #tpu.memory_space<hbm>> -> memref<1024xi32, #tpu.memory_space<hbm>>
    %dma_start3A_810 = tpu.memref_slice %dma_start3A_809[%mul3A_11] : memref<1024xi32, #tpu.memory_space<hbm>> -> memref<128xi32, #tpu.memory_space<hbm>>
    tpu.enqueue_dma source(%dma_start3A_810 : memref<128xi32, #tpu.memory_space<hbm>>) target(%dma_start3A_806 : memref<128xi32, #tpu.memory_space<vmem>>) target_semaphore(%arg13 : memref<!tpu.dma_semaphore, #tpu.memory_space<semaphore_mem>>)
    %add3A_811 = arith.constant 124 : i32
    %add3A_812 = arith.addi %select_n3A_32, %add3A_811 : i32
    %add3A_813 = arith.constant 1 : i32
    %add3A_814 = arith.addi %add3A_812, %add3A_813 : i32
    %jit3A_815 = arith.constant 0 : i32
    %jit3A_816 = arith.constant 199 : i32
    %max3A_817 = arith.maxsi %jit3A_815, %add3A_814 : i32
    %min3A_818 = arith.minsi %jit3A_816, %max3A_817 : i32
    %dma_start3A_819 = arith.constant 31 : i32
    %dma_start3A_820 = arith.constant 0 : i32
    %dma_start3A_821 = tpu.memref_slice %arg6[%dma_start3A_819, %dma_start3A_820] : memref<50x128xi32, #tpu.memory_space<vmem>> -> memref<1x128xi32, #tpu.memory_space<vmem>>
    %dma_start3A_822 = tpu.memref_squeeze %dma_start3A_821 : memref<1x128xi32, #tpu.memory_space<vmem>> -> memref<128xi32, #tpu.memory_space<vmem>>
    %dma_start3A_823 = arith.constant 0 : i32
    %dma_start3A_824 = tpu.memref_slice %arg2[%min3A_818, %dma_start3A_823] : memref<200x1024xi32, #tpu.memory_space<hbm>> -> memref<1x1024xi32, #tpu.memory_space<hbm>>
    %dma_start3A_825 = tpu.memref_squeeze %dma_start3A_824 : memref<1x1024xi32, #tpu.memory_space<hbm>> -> memref<1024xi32, #tpu.memory_space<hbm>>
    %dma_start3A_826 = tpu.memref_slice %dma_start3A_825[%mul3A_11] : memref<1024xi32, #tpu.memory_space<hbm>> -> memref<128xi32, #tpu.memory_space<hbm>>
    %dma_start3A_827 = arith.constant 0 : i32
    %dma_start3A_828 = tpu.memref_slice %arg6[%dma_start3A_819, %dma_start3A_827] : memref<50x128xi32, #tpu.memory_space<vmem>> -> memref<1x128xi32, #tpu.memory_space<vmem>>
    %dma_start3A_829 = tpu.memref_squeeze %dma_start3A_828 : memref<1x128xi32, #tpu.memory_space<vmem>> -> memref<128xi32, #tpu.memory_space<vmem>>
    %dma_start3A_830 = arith.constant 0 : i32
    %dma_start3A_831 = tpu.memref_slice %arg2[%min3A_818, %dma_start3A_830] : memref<200x1024xi32, #tpu.memory_space<hbm>> -> memref<1x1024xi32, #tpu.memory_space<hbm>>
    %dma_start3A_832 = tpu.memref_squeeze %dma_start3A_831 : memref<1x1024xi32, #tpu.memory_space<hbm>> -> memref<1024xi32, #tpu.memory_space<hbm>>
    %dma_start3A_833 = tpu.memref_slice %dma_start3A_832[%mul3A_11] : memref<1024xi32, #tpu.memory_space<hbm>> -> memref<128xi32, #tpu.memory_space<hbm>>
    tpu.enqueue_dma source(%dma_start3A_833 : memref<128xi32, #tpu.memory_space<hbm>>) target(%dma_start3A_829 : memref<128xi32, #tpu.memory_space<vmem>>) target_semaphore(%arg13 : memref<!tpu.dma_semaphore, #tpu.memory_space<semaphore_mem>>)
    %add3A_834 = arith.constant 128 : i32
    %add3A_835 = arith.addi %select_n3A_32, %add3A_834 : i32
    %add3A_836 = arith.constant 1 : i32
    %add3A_837 = arith.addi %add3A_835, %add3A_836 : i32
    %jit3A_838 = arith.constant 0 : i32
    %jit3A_839 = arith.constant 199 : i32
    %max3A_840 = arith.maxsi %jit3A_838, %add3A_837 : i32
    %min3A_841 = arith.minsi %jit3A_839, %max3A_840 : i32
    %dma_start3A_842 = arith.constant 32 : i32
    %dma_start3A_843 = arith.constant 0 : i32
    %dma_start3A_844 = tpu.memref_slice %arg6[%dma_start3A_842, %dma_start3A_843] : memref<50x128xi32, #tpu.memory_space<vmem>> -> memref<1x128xi32, #tpu.memory_space<vmem>>
    %dma_start3A_845 = tpu.memref_squeeze %dma_start3A_844 : memref<1x128xi32, #tpu.memory_space<vmem>> -> memref<128xi32, #tpu.memory_space<vmem>>
    %dma_start3A_846 = arith.constant 0 : i32
    %dma_start3A_847 = tpu.memref_slice %arg2[%min3A_841, %dma_start3A_846] : memref<200x1024xi32, #tpu.memory_space<hbm>> -> memref<1x1024xi32, #tpu.memory_space<hbm>>
    %dma_start3A_848 = tpu.memref_squeeze %dma_start3A_847 : memref<1x1024xi32, #tpu.memory_space<hbm>> -> memref<1024xi32, #tpu.memory_space<hbm>>
    %dma_start3A_849 = tpu.memref_slice %dma_start3A_848[%mul3A_11] : memref<1024xi32, #tpu.memory_space<hbm>> -> memref<128xi32, #tpu.memory_space<hbm>>
    %dma_start3A_850 = arith.constant 0 : i32
    %dma_start3A_851 = tpu.memref_slice %arg6[%dma_start3A_842, %dma_start3A_850] : memref<50x128xi32, #tpu.memory_space<vmem>> -> memref<1x128xi32, #tpu.memory_space<vmem>>
    %dma_start3A_852 = tpu.memref_squeeze %dma_start3A_851 : memref<1x128xi32, #tpu.memory_space<vmem>> -> memref<128xi32, #tpu.memory_space<vmem>>
    %dma_start3A_853 = arith.constant 0 : i32
    %dma_start3A_854 = tpu.memref_slice %arg2[%min3A_841, %dma_start3A_853] : memref<200x1024xi32, #tpu.memory_space<hbm>> -> memref<1x1024xi32, #tpu.memory_space<hbm>>
    %dma_start3A_855 = tpu.memref_squeeze %dma_start3A_854 : memref<1x1024xi32, #tpu.memory_space<hbm>> -> memref<1024xi32, #tpu.memory_space<hbm>>
    %dma_start3A_856 = tpu.memref_slice %dma_start3A_855[%mul3A_11] : memref<1024xi32, #tpu.memory_space<hbm>> -> memref<128xi32, #tpu.memory_space<hbm>>
    tpu.enqueue_dma source(%dma_start3A_856 : memref<128xi32, #tpu.memory_space<hbm>>) target(%dma_start3A_852 : memref<128xi32, #tpu.memory_space<vmem>>) target_semaphore(%arg13 : memref<!tpu.dma_semaphore, #tpu.memory_space<semaphore_mem>>)
    %add3A_857 = arith.constant 132 : i32
    %add3A_858 = arith.addi %select_n3A_32, %add3A_857 : i32
    %add3A_859 = arith.constant 1 : i32
    %add3A_860 = arith.addi %add3A_858, %add3A_859 : i32
    %jit3A_861 = arith.constant 0 : i32
    %jit3A_862 = arith.constant 199 : i32
    %max3A_863 = arith.maxsi %jit3A_861, %add3A_860 : i32
    %min3A_864 = arith.minsi %jit3A_862, %max3A_863 : i32
    %dma_start3A_865 = arith.constant 33 : i32
    %dma_start3A_866 = arith.constant 0 : i32
    %dma_start3A_867 = tpu.memref_slice %arg6[%dma_start3A_865, %dma_start3A_866] : memref<50x128xi32, #tpu.memory_space<vmem>> -> memref<1x128xi32, #tpu.memory_space<vmem>>
    %dma_start3A_868 = tpu.memref_squeeze %dma_start3A_867 : memref<1x128xi32, #tpu.memory_space<vmem>> -> memref<128xi32, #tpu.memory_space<vmem>>
    %dma_start3A_869 = arith.constant 0 : i32
    %dma_start3A_870 = tpu.memref_slice %arg2[%min3A_864, %dma_start3A_869] : memref<200x1024xi32, #tpu.memory_space<hbm>> -> memref<1x1024xi32, #tpu.memory_space<hbm>>
    %dma_start3A_871 = tpu.memref_squeeze %dma_start3A_870 : memref<1x1024xi32, #tpu.memory_space<hbm>> -> memref<1024xi32, #tpu.memory_space<hbm>>
    %dma_start3A_872 = tpu.memref_slice %dma_start3A_871[%mul3A_11] : memref<1024xi32, #tpu.memory_space<hbm>> -> memref<128xi32, #tpu.memory_space<hbm>>
    %dma_start3A_873 = arith.constant 0 : i32
    %dma_start3A_874 = tpu.memref_slice %arg6[%dma_start3A_865, %dma_start3A_873] : memref<50x128xi32, #tpu.memory_space<vmem>> -> memref<1x128xi32, #tpu.memory_space<vmem>>
    %dma_start3A_875 = tpu.memref_squeeze %dma_start3A_874 : memref<1x128xi32, #tpu.memory_space<vmem>> -> memref<128xi32, #tpu.memory_space<vmem>>
    %dma_start3A_876 = arith.constant 0 : i32
    %dma_start3A_877 = tpu.memref_slice %arg2[%min3A_864, %dma_start3A_876] : memref<200x1024xi32, #tpu.memory_space<hbm>> -> memref<1x1024xi32, #tpu.memory_space<hbm>>
    %dma_start3A_878 = tpu.memref_squeeze %dma_start3A_877 : memref<1x1024xi32, #tpu.memory_space<hbm>> -> memref<1024xi32, #tpu.memory_space<hbm>>
    %dma_start3A_879 = tpu.memref_slice %dma_start3A_878[%mul3A_11] : memref<1024xi32, #tpu.memory_space<hbm>> -> memref<128xi32, #tpu.memory_space<hbm>>
    tpu.enqueue_dma source(%dma_start3A_879 : memref<128xi32, #tpu.memory_space<hbm>>) target(%dma_start3A_875 : memref<128xi32, #tpu.memory_space<vmem>>) target_semaphore(%arg13 : memref<!tpu.dma_semaphore, #tpu.memory_space<semaphore_mem>>)
    %add3A_880 = arith.constant 136 : i32
    %add3A_881 = arith.addi %select_n3A_32, %add3A_880 : i32
    %add3A_882 = arith.constant 1 : i32
    %add3A_883 = arith.addi %add3A_881, %add3A_882 : i32
    %jit3A_884 = arith.constant 0 : i32
    %jit3A_885 = arith.constant 199 : i32
    %max3A_886 = arith.maxsi %jit3A_884, %add3A_883 : i32
    %min3A_887 = arith.minsi %jit3A_885, %max3A_886 : i32
    %dma_start3A_888 = arith.constant 34 : i32
    %dma_start3A_889 = arith.constant 0 : i32
    %dma_start3A_890 = tpu.memref_slice %arg6[%dma_start3A_888, %dma_start3A_889] : memref<50x128xi32, #tpu.memory_space<vmem>> -> memref<1x128xi32, #tpu.memory_space<vmem>>
    %dma_start3A_891 = tpu.memref_squeeze %dma_start3A_890 : memref<1x128xi32, #tpu.memory_space<vmem>> -> memref<128xi32, #tpu.memory_space<vmem>>
    %dma_start3A_892 = arith.constant 0 : i32
    %dma_start3A_893 = tpu.memref_slice %arg2[%min3A_887, %dma_start3A_892] : memref<200x1024xi32, #tpu.memory_space<hbm>> -> memref<1x1024xi32, #tpu.memory_space<hbm>>
    %dma_start3A_894 = tpu.memref_squeeze %dma_start3A_893 : memref<1x1024xi32, #tpu.memory_space<hbm>> -> memref<1024xi32, #tpu.memory_space<hbm>>
    %dma_start3A_895 = tpu.memref_slice %dma_start3A_894[%mul3A_11] : memref<1024xi32, #tpu.memory_space<hbm>> -> memref<128xi32, #tpu.memory_space<hbm>>
    %dma_start3A_896 = arith.constant 0 : i32
    %dma_start3A_897 = tpu.memref_slice %arg6[%dma_start3A_888, %dma_start3A_896] : memref<50x128xi32, #tpu.memory_space<vmem>> -> memref<1x128xi32, #tpu.memory_space<vmem>>
    %dma_start3A_898 = tpu.memref_squeeze %dma_start3A_897 : memref<1x128xi32, #tpu.memory_space<vmem>> -> memref<128xi32, #tpu.memory_space<vmem>>
    %dma_start3A_899 = arith.constant 0 : i32
    %dma_start3A_900 = tpu.memref_slice %arg2[%min3A_887, %dma_start3A_899] : memref<200x1024xi32, #tpu.memory_space<hbm>> -> memref<1x1024xi32, #tpu.memory_space<hbm>>
    %dma_start3A_901 = tpu.memref_squeeze %dma_start3A_900 : memref<1x1024xi32, #tpu.memory_space<hbm>> -> memref<1024xi32, #tpu.memory_space<hbm>>
    %dma_start3A_902 = tpu.memref_slice %dma_start3A_901[%mul3A_11] : memref<1024xi32, #tpu.memory_space<hbm>> -> memref<128xi32, #tpu.memory_space<hbm>>
    tpu.enqueue_dma source(%dma_start3A_902 : memref<128xi32, #tpu.memory_space<hbm>>) target(%dma_start3A_898 : memref<128xi32, #tpu.memory_space<vmem>>) target_semaphore(%arg13 : memref<!tpu.dma_semaphore, #tpu.memory_space<semaphore_mem>>)
    %add3A_903 = arith.constant 140 : i32
    %add3A_904 = arith.addi %select_n3A_32, %add3A_903 : i32
    %add3A_905 = arith.constant 1 : i32
    %add3A_906 = arith.addi %add3A_904, %add3A_905 : i32
    %jit3A_907 = arith.constant 0 : i32
    %jit3A_908 = arith.constant 199 : i32
    %max3A_909 = arith.maxsi %jit3A_907, %add3A_906 : i32
    %min3A_910 = arith.minsi %jit3A_908, %max3A_909 : i32
    %dma_start3A_911 = arith.constant 35 : i32
    %dma_start3A_912 = arith.constant 0 : i32
    %dma_start3A_913 = tpu.memref_slice %arg6[%dma_start3A_911, %dma_start3A_912] : memref<50x128xi32, #tpu.memory_space<vmem>> -> memref<1x128xi32, #tpu.memory_space<vmem>>
    %dma_start3A_914 = tpu.memref_squeeze %dma_start3A_913 : memref<1x128xi32, #tpu.memory_space<vmem>> -> memref<128xi32, #tpu.memory_space<vmem>>
    %dma_start3A_915 = arith.constant 0 : i32
    %dma_start3A_916 = tpu.memref_slice %arg2[%min3A_910, %dma_start3A_915] : memref<200x1024xi32, #tpu.memory_space<hbm>> -> memref<1x1024xi32, #tpu.memory_space<hbm>>
    %dma_start3A_917 = tpu.memref_squeeze %dma_start3A_916 : memref<1x1024xi32, #tpu.memory_space<hbm>> -> memref<1024xi32, #tpu.memory_space<hbm>>
    %dma_start3A_918 = tpu.memref_slice %dma_start3A_917[%mul3A_11] : memref<1024xi32, #tpu.memory_space<hbm>> -> memref<128xi32, #tpu.memory_space<hbm>>
    %dma_start3A_919 = arith.constant 0 : i32
    %dma_start3A_920 = tpu.memref_slice %arg6[%dma_start3A_911, %dma_start3A_919] : memref<50x128xi32, #tpu.memory_space<vmem>> -> memref<1x128xi32, #tpu.memory_space<vmem>>
    %dma_start3A_921 = tpu.memref_squeeze %dma_start3A_920 : memref<1x128xi32, #tpu.memory_space<vmem>> -> memref<128xi32, #tpu.memory_space<vmem>>
    %dma_start3A_922 = arith.constant 0 : i32
    %dma_start3A_923 = tpu.memref_slice %arg2[%min3A_910, %dma_start3A_922] : memref<200x1024xi32, #tpu.memory_space<hbm>> -> memref<1x1024xi32, #tpu.memory_space<hbm>>
    %dma_start3A_924 = tpu.memref_squeeze %dma_start3A_923 : memref<1x1024xi32, #tpu.memory_space<hbm>> -> memref<1024xi32, #tpu.memory_space<hbm>>
    %dma_start3A_925 = tpu.memref_slice %dma_start3A_924[%mul3A_11] : memref<1024xi32, #tpu.memory_space<hbm>> -> memref<128xi32, #tpu.memory_space<hbm>>
    tpu.enqueue_dma source(%dma_start3A_925 : memref<128xi32, #tpu.memory_space<hbm>>) target(%dma_start3A_921 : memref<128xi32, #tpu.memory_space<vmem>>) target_semaphore(%arg13 : memref<!tpu.dma_semaphore, #tpu.memory_space<semaphore_mem>>)
    %add3A_926 = arith.constant 144 : i32
    %add3A_927 = arith.addi %select_n3A_32, %add3A_926 : i32
    %add3A_928 = arith.constant 1 : i32
    %add3A_929 = arith.addi %add3A_927, %add3A_928 : i32
    %jit3A_930 = arith.constant 0 : i32
    %jit3A_931 = arith.constant 199 : i32
    %max3A_932 = arith.maxsi %jit3A_930, %add3A_929 : i32
    %min3A_933 = arith.minsi %jit3A_931, %max3A_932 : i32
    %dma_start3A_934 = arith.constant 36 : i32
    %dma_start3A_935 = arith.constant 0 : i32
    %dma_start3A_936 = tpu.memref_slice %arg6[%dma_start3A_934, %dma_start3A_935] : memref<50x128xi32, #tpu.memory_space<vmem>> -> memref<1x128xi32, #tpu.memory_space<vmem>>
    %dma_start3A_937 = tpu.memref_squeeze %dma_start3A_936 : memref<1x128xi32, #tpu.memory_space<vmem>> -> memref<128xi32, #tpu.memory_space<vmem>>
    %dma_start3A_938 = arith.constant 0 : i32
    %dma_start3A_939 = tpu.memref_slice %arg2[%min3A_933, %dma_start3A_938] : memref<200x1024xi32, #tpu.memory_space<hbm>> -> memref<1x1024xi32, #tpu.memory_space<hbm>>
    %dma_start3A_940 = tpu.memref_squeeze %dma_start3A_939 : memref<1x1024xi32, #tpu.memory_space<hbm>> -> memref<1024xi32, #tpu.memory_space<hbm>>
    %dma_start3A_941 = tpu.memref_slice %dma_start3A_940[%mul3A_11] : memref<1024xi32, #tpu.memory_space<hbm>> -> memref<128xi32, #tpu.memory_space<hbm>>
    %dma_start3A_942 = arith.constant 0 : i32
    %dma_start3A_943 = tpu.memref_slice %arg6[%dma_start3A_934, %dma_start3A_942] : memref<50x128xi32, #tpu.memory_space<vmem>> -> memref<1x128xi32, #tpu.memory_space<vmem>>
    %dma_start3A_944 = tpu.memref_squeeze %dma_start3A_943 : memref<1x128xi32, #tpu.memory_space<vmem>> -> memref<128xi32, #tpu.memory_space<vmem>>
    %dma_start3A_945 = arith.constant 0 : i32
    %dma_start3A_946 = tpu.memref_slice %arg2[%min3A_933, %dma_start3A_945] : memref<200x1024xi32, #tpu.memory_space<hbm>> -> memref<1x1024xi32, #tpu.memory_space<hbm>>
    %dma_start3A_947 = tpu.memref_squeeze %dma_start3A_946 : memref<1x1024xi32, #tpu.memory_space<hbm>> -> memref<1024xi32, #tpu.memory_space<hbm>>
    %dma_start3A_948 = tpu.memref_slice %dma_start3A_947[%mul3A_11] : memref<1024xi32, #tpu.memory_space<hbm>> -> memref<128xi32, #tpu.memory_space<hbm>>
    tpu.enqueue_dma source(%dma_start3A_948 : memref<128xi32, #tpu.memory_space<hbm>>) target(%dma_start3A_944 : memref<128xi32, #tpu.memory_space<vmem>>) target_semaphore(%arg13 : memref<!tpu.dma_semaphore, #tpu.memory_space<semaphore_mem>>)
    %add3A_949 = arith.constant 148 : i32
    %add3A_950 = arith.addi %select_n3A_32, %add3A_949 : i32
    %add3A_951 = arith.constant 1 : i32
    %add3A_952 = arith.addi %add3A_950, %add3A_951 : i32
    %jit3A_953 = arith.constant 0 : i32
    %jit3A_954 = arith.constant 199 : i32
    %max3A_955 = arith.maxsi %jit3A_953, %add3A_952 : i32
    %min3A_956 = arith.minsi %jit3A_954, %max3A_955 : i32
    %dma_start3A_957 = arith.constant 37 : i32
    %dma_start3A_958 = arith.constant 0 : i32
    %dma_start3A_959 = tpu.memref_slice %arg6[%dma_start3A_957, %dma_start3A_958] : memref<50x128xi32, #tpu.memory_space<vmem>> -> memref<1x128xi32, #tpu.memory_space<vmem>>
    %dma_start3A_960 = tpu.memref_squeeze %dma_start3A_959 : memref<1x128xi32, #tpu.memory_space<vmem>> -> memref<128xi32, #tpu.memory_space<vmem>>
    %dma_start3A_961 = arith.constant 0 : i32
    %dma_start3A_962 = tpu.memref_slice %arg2[%min3A_956, %dma_start3A_961] : memref<200x1024xi32, #tpu.memory_space<hbm>> -> memref<1x1024xi32, #tpu.memory_space<hbm>>
    %dma_start3A_963 = tpu.memref_squeeze %dma_start3A_962 : memref<1x1024xi32, #tpu.memory_space<hbm>> -> memref<1024xi32, #tpu.memory_space<hbm>>
    %dma_start3A_964 = tpu.memref_slice %dma_start3A_963[%mul3A_11] : memref<1024xi32, #tpu.memory_space<hbm>> -> memref<128xi32, #tpu.memory_space<hbm>>
    %dma_start3A_965 = arith.constant 0 : i32
    %dma_start3A_966 = tpu.memref_slice %arg6[%dma_start3A_957, %dma_start3A_965] : memref<50x128xi32, #tpu.memory_space<vmem>> -> memref<1x128xi32, #tpu.memory_space<vmem>>
    %dma_start3A_967 = tpu.memref_squeeze %dma_start3A_966 : memref<1x128xi32, #tpu.memory_space<vmem>> -> memref<128xi32, #tpu.memory_space<vmem>>
    %dma_start3A_968 = arith.constant 0 : i32
    %dma_start3A_969 = tpu.memref_slice %arg2[%min3A_956, %dma_start3A_968] : memref<200x1024xi32, #tpu.memory_space<hbm>> -> memref<1x1024xi32, #tpu.memory_space<hbm>>
    %dma_start3A_970 = tpu.memref_squeeze %dma_start3A_969 : memref<1x1024xi32, #tpu.memory_space<hbm>> -> memref<1024xi32, #tpu.memory_space<hbm>>
    %dma_start3A_971 = tpu.memref_slice %dma_start3A_970[%mul3A_11] : memref<1024xi32, #tpu.memory_space<hbm>> -> memref<128xi32, #tpu.memory_space<hbm>>
    tpu.enqueue_dma source(%dma_start3A_971 : memref<128xi32, #tpu.memory_space<hbm>>) target(%dma_start3A_967 : memref<128xi32, #tpu.memory_space<vmem>>) target_semaphore(%arg13 : memref<!tpu.dma_semaphore, #tpu.memory_space<semaphore_mem>>)
    %add3A_972 = arith.constant 152 : i32
    %add3A_973 = arith.addi %select_n3A_32, %add3A_972 : i32
    %add3A_974 = arith.constant 1 : i32
    %add3A_975 = arith.addi %add3A_973, %add3A_974 : i32
    %jit3A_976 = arith.constant 0 : i32
    %jit3A_977 = arith.constant 199 : i32
    %max3A_978 = arith.maxsi %jit3A_976, %add3A_975 : i32
    %min3A_979 = arith.minsi %jit3A_977, %max3A_978 : i32
    %dma_start3A_980 = arith.constant 38 : i32
    %dma_start3A_981 = arith.constant 0 : i32
    %dma_start3A_982 = tpu.memref_slice %arg6[%dma_start3A_980, %dma_start3A_981] : memref<50x128xi32, #tpu.memory_space<vmem>> -> memref<1x128xi32, #tpu.memory_space<vmem>>
    %dma_start3A_983 = tpu.memref_squeeze %dma_start3A_982 : memref<1x128xi32, #tpu.memory_space<vmem>> -> memref<128xi32, #tpu.memory_space<vmem>>
    %dma_start3A_984 = arith.constant 0 : i32
    %dma_start3A_985 = tpu.memref_slice %arg2[%min3A_979, %dma_start3A_984] : memref<200x1024xi32, #tpu.memory_space<hbm>> -> memref<1x1024xi32, #tpu.memory_space<hbm>>
    %dma_start3A_986 = tpu.memref_squeeze %dma_start3A_985 : memref<1x1024xi32, #tpu.memory_space<hbm>> -> memref<1024xi32, #tpu.memory_space<hbm>>
    %dma_start3A_987 = tpu.memref_slice %dma_start3A_986[%mul3A_11] : memref<1024xi32, #tpu.memory_space<hbm>> -> memref<128xi32, #tpu.memory_space<hbm>>
    %dma_start3A_988 = arith.constant 0 : i32
    %dma_start3A_989 = tpu.memref_slice %arg6[%dma_start3A_980, %dma_start3A_988] : memref<50x128xi32, #tpu.memory_space<vmem>> -> memref<1x128xi32, #tpu.memory_space<vmem>>
    %dma_start3A_990 = tpu.memref_squeeze %dma_start3A_989 : memref<1x128xi32, #tpu.memory_space<vmem>> -> memref<128xi32, #tpu.memory_space<vmem>>
    %dma_start3A_991 = arith.constant 0 : i32
    %dma_start3A_992 = tpu.memref_slice %arg2[%min3A_979, %dma_start3A_991] : memref<200x1024xi32, #tpu.memory_space<hbm>> -> memref<1x1024xi32, #tpu.memory_space<hbm>>
    %dma_start3A_993 = tpu.memref_squeeze %dma_start3A_992 : memref<1x1024xi32, #tpu.memory_space<hbm>> -> memref<1024xi32, #tpu.memory_space<hbm>>
    %dma_start3A_994 = tpu.memref_slice %dma_start3A_993[%mul3A_11] : memref<1024xi32, #tpu.memory_space<hbm>> -> memref<128xi32, #tpu.memory_space<hbm>>
    tpu.enqueue_dma source(%dma_start3A_994 : memref<128xi32, #tpu.memory_space<hbm>>) target(%dma_start3A_990 : memref<128xi32, #tpu.memory_space<vmem>>) target_semaphore(%arg13 : memref<!tpu.dma_semaphore, #tpu.memory_space<semaphore_mem>>)
    %add3A_995 = arith.constant 156 : i32
    %add3A_996 = arith.addi %select_n3A_32, %add3A_995 : i32
    %add3A_997 = arith.constant 1 : i32
    %add3A_998 = arith.addi %add3A_996, %add3A_997 : i32
    %jit3A_999 = arith.constant 0 : i32
    %jit3A_1000 = arith.constant 199 : i32
    %max3A_1001 = arith.maxsi %jit3A_999, %add3A_998 : i32
    %min3A_1002 = arith.minsi %jit3A_1000, %max3A_1001 : i32
    %dma_start3A_1003 = arith.constant 39 : i32
    %dma_start3A_1004 = arith.constant 0 : i32
    %dma_start3A_1005 = tpu.memref_slice %arg6[%dma_start3A_1003, %dma_start3A_1004] : memref<50x128xi32, #tpu.memory_space<vmem>> -> memref<1x128xi32, #tpu.memory_space<vmem>>
    %dma_start3A_1006 = tpu.memref_squeeze %dma_start3A_1005 : memref<1x128xi32, #tpu.memory_space<vmem>> -> memref<128xi32, #tpu.memory_space<vmem>>
    %dma_start3A_1007 = arith.constant 0 : i32
    %dma_start3A_1008 = tpu.memref_slice %arg2[%min3A_1002, %dma_start3A_1007] : memref<200x1024xi32, #tpu.memory_space<hbm>> -> memref<1x1024xi32, #tpu.memory_space<hbm>>
    %dma_start3A_1009 = tpu.memref_squeeze %dma_start3A_1008 : memref<1x1024xi32, #tpu.memory_space<hbm>> -> memref<1024xi32, #tpu.memory_space<hbm>>
    %dma_start3A_1010 = tpu.memref_slice %dma_start3A_1009[%mul3A_11] : memref<1024xi32, #tpu.memory_space<hbm>> -> memref<128xi32, #tpu.memory_space<hbm>>
    %dma_start3A_1011 = arith.constant 0 : i32
    %dma_start3A_1012 = tpu.memref_slice %arg6[%dma_start3A_1003, %dma_start3A_1011] : memref<50x128xi32, #tpu.memory_space<vmem>> -> memref<1x128xi32, #tpu.memory_space<vmem>>
    %dma_start3A_1013 = tpu.memref_squeeze %dma_start3A_1012 : memref<1x128xi32, #tpu.memory_space<vmem>> -> memref<128xi32, #tpu.memory_space<vmem>>
    %dma_start3A_1014 = arith.constant 0 : i32
    %dma_start3A_1015 = tpu.memref_slice %arg2[%min3A_1002, %dma_start3A_1014] : memref<200x1024xi32, #tpu.memory_space<hbm>> -> memref<1x1024xi32, #tpu.memory_space<hbm>>
    %dma_start3A_1016 = tpu.memref_squeeze %dma_start3A_1015 : memref<1x1024xi32, #tpu.memory_space<hbm>> -> memref<1024xi32, #tpu.memory_space<hbm>>
    %dma_start3A_1017 = tpu.memref_slice %dma_start3A_1016[%mul3A_11] : memref<1024xi32, #tpu.memory_space<hbm>> -> memref<128xi32, #tpu.memory_space<hbm>>
    tpu.enqueue_dma source(%dma_start3A_1017 : memref<128xi32, #tpu.memory_space<hbm>>) target(%dma_start3A_1013 : memref<128xi32, #tpu.memory_space<vmem>>) target_semaphore(%arg13 : memref<!tpu.dma_semaphore, #tpu.memory_space<semaphore_mem>>)
    %add3A_1018 = arith.constant 160 : i32
    %add3A_1019 = arith.addi %select_n3A_32, %add3A_1018 : i32
    %add3A_1020 = arith.constant 1 : i32
    %add3A_1021 = arith.addi %add3A_1019, %add3A_1020 : i32
    %jit3A_1022 = arith.constant 0 : i32
    %jit3A_1023 = arith.constant 199 : i32
    %max3A_1024 = arith.maxsi %jit3A_1022, %add3A_1021 : i32
    %min3A_1025 = arith.minsi %jit3A_1023, %max3A_1024 : i32
    %dma_start3A_1026 = arith.constant 40 : i32
    %dma_start3A_1027 = arith.constant 0 : i32
    %dma_start3A_1028 = tpu.memref_slice %arg6[%dma_start3A_1026, %dma_start3A_1027] : memref<50x128xi32, #tpu.memory_space<vmem>> -> memref<1x128xi32, #tpu.memory_space<vmem>>
    %dma_start3A_1029 = tpu.memref_squeeze %dma_start3A_1028 : memref<1x128xi32, #tpu.memory_space<vmem>> -> memref<128xi32, #tpu.memory_space<vmem>>
    %dma_start3A_1030 = arith.constant 0 : i32
    %dma_start3A_1031 = tpu.memref_slice %arg2[%min3A_1025, %dma_start3A_1030] : memref<200x1024xi32, #tpu.memory_space<hbm>> -> memref<1x1024xi32, #tpu.memory_space<hbm>>
    %dma_start3A_1032 = tpu.memref_squeeze %dma_start3A_1031 : memref<1x1024xi32, #tpu.memory_space<hbm>> -> memref<1024xi32, #tpu.memory_space<hbm>>
    %dma_start3A_1033 = tpu.memref_slice %dma_start3A_1032[%mul3A_11] : memref<1024xi32, #tpu.memory_space<hbm>> -> memref<128xi32, #tpu.memory_space<hbm>>
    %dma_start3A_1034 = arith.constant 0 : i32
    %dma_start3A_1035 = tpu.memref_slice %arg6[%dma_start3A_1026, %dma_start3A_1034] : memref<50x128xi32, #tpu.memory_space<vmem>> -> memref<1x128xi32, #tpu.memory_space<vmem>>
    %dma_start3A_1036 = tpu.memref_squeeze %dma_start3A_1035 : memref<1x128xi32, #tpu.memory_space<vmem>> -> memref<128xi32, #tpu.memory_space<vmem>>
    %dma_start3A_1037 = arith.constant 0 : i32
    %dma_start3A_1038 = tpu.memref_slice %arg2[%min3A_1025, %dma_start3A_1037] : memref<200x1024xi32, #tpu.memory_space<hbm>> -> memref<1x1024xi32, #tpu.memory_space<hbm>>
    %dma_start3A_1039 = tpu.memref_squeeze %dma_start3A_1038 : memref<1x1024xi32, #tpu.memory_space<hbm>> -> memref<1024xi32, #tpu.memory_space<hbm>>
    %dma_start3A_1040 = tpu.memref_slice %dma_start3A_1039[%mul3A_11] : memref<1024xi32, #tpu.memory_space<hbm>> -> memref<128xi32, #tpu.memory_space<hbm>>
    tpu.enqueue_dma source(%dma_start3A_1040 : memref<128xi32, #tpu.memory_space<hbm>>) target(%dma_start3A_1036 : memref<128xi32, #tpu.memory_space<vmem>>) target_semaphore(%arg13 : memref<!tpu.dma_semaphore, #tpu.memory_space<semaphore_mem>>)
    %add3A_1041 = arith.constant 164 : i32
    %add3A_1042 = arith.addi %select_n3A_32, %add3A_1041 : i32
    %add3A_1043 = arith.constant 1 : i32
    %add3A_1044 = arith.addi %add3A_1042, %add3A_1043 : i32
    %jit3A_1045 = arith.constant 0 : i32
    %jit3A_1046 = arith.constant 199 : i32
    %max3A_1047 = arith.maxsi %jit3A_1045, %add3A_1044 : i32
    %min3A_1048 = arith.minsi %jit3A_1046, %max3A_1047 : i32
    %dma_start3A_1049 = arith.constant 41 : i32
    %dma_start3A_1050 = arith.constant 0 : i32
    %dma_start3A_1051 = tpu.memref_slice %arg6[%dma_start3A_1049, %dma_start3A_1050] : memref<50x128xi32, #tpu.memory_space<vmem>> -> memref<1x128xi32, #tpu.memory_space<vmem>>
    %dma_start3A_1052 = tpu.memref_squeeze %dma_start3A_1051 : memref<1x128xi32, #tpu.memory_space<vmem>> -> memref<128xi32, #tpu.memory_space<vmem>>
    %dma_start3A_1053 = arith.constant 0 : i32
    %dma_start3A_1054 = tpu.memref_slice %arg2[%min3A_1048, %dma_start3A_1053] : memref<200x1024xi32, #tpu.memory_space<hbm>> -> memref<1x1024xi32, #tpu.memory_space<hbm>>
    %dma_start3A_1055 = tpu.memref_squeeze %dma_start3A_1054 : memref<1x1024xi32, #tpu.memory_space<hbm>> -> memref<1024xi32, #tpu.memory_space<hbm>>
    %dma_start3A_1056 = tpu.memref_slice %dma_start3A_1055[%mul3A_11] : memref<1024xi32, #tpu.memory_space<hbm>> -> memref<128xi32, #tpu.memory_space<hbm>>
    %dma_start3A_1057 = arith.constant 0 : i32
    %dma_start3A_1058 = tpu.memref_slice %arg6[%dma_start3A_1049, %dma_start3A_1057] : memref<50x128xi32, #tpu.memory_space<vmem>> -> memref<1x128xi32, #tpu.memory_space<vmem>>
    %dma_start3A_1059 = tpu.memref_squeeze %dma_start3A_1058 : memref<1x128xi32, #tpu.memory_space<vmem>> -> memref<128xi32, #tpu.memory_space<vmem>>
    %dma_start3A_1060 = arith.constant 0 : i32
    %dma_start3A_1061 = tpu.memref_slice %arg2[%min3A_1048, %dma_start3A_1060] : memref<200x1024xi32, #tpu.memory_space<hbm>> -> memref<1x1024xi32, #tpu.memory_space<hbm>>
    %dma_start3A_1062 = tpu.memref_squeeze %dma_start3A_1061 : memref<1x1024xi32, #tpu.memory_space<hbm>> -> memref<1024xi32, #tpu.memory_space<hbm>>
    %dma_start3A_1063 = tpu.memref_slice %dma_start3A_1062[%mul3A_11] : memref<1024xi32, #tpu.memory_space<hbm>> -> memref<128xi32, #tpu.memory_space<hbm>>
    tpu.enqueue_dma source(%dma_start3A_1063 : memref<128xi32, #tpu.memory_space<hbm>>) target(%dma_start3A_1059 : memref<128xi32, #tpu.memory_space<vmem>>) target_semaphore(%arg13 : memref<!tpu.dma_semaphore, #tpu.memory_space<semaphore_mem>>)
    %add3A_1064 = arith.constant 168 : i32
    %add3A_1065 = arith.addi %select_n3A_32, %add3A_1064 : i32
    %add3A_1066 = arith.constant 1 : i32
    %add3A_1067 = arith.addi %add3A_1065, %add3A_1066 : i32
    %jit3A_1068 = arith.constant 0 : i32
    %jit3A_1069 = arith.constant 199 : i32
    %max3A_1070 = arith.maxsi %jit3A_1068, %add3A_1067 : i32
    %min3A_1071 = arith.minsi %jit3A_1069, %max3A_1070 : i32
    %dma_start3A_1072 = arith.constant 42 : i32
    %dma_start3A_1073 = arith.constant 0 : i32
    %dma_start3A_1074 = tpu.memref_slice %arg6[%dma_start3A_1072, %dma_start3A_1073] : memref<50x128xi32, #tpu.memory_space<vmem>> -> memref<1x128xi32, #tpu.memory_space<vmem>>
    %dma_start3A_1075 = tpu.memref_squeeze %dma_start3A_1074 : memref<1x128xi32, #tpu.memory_space<vmem>> -> memref<128xi32, #tpu.memory_space<vmem>>
    %dma_start3A_1076 = arith.constant 0 : i32
    %dma_start3A_1077 = tpu.memref_slice %arg2[%min3A_1071, %dma_start3A_1076] : memref<200x1024xi32, #tpu.memory_space<hbm>> -> memref<1x1024xi32, #tpu.memory_space<hbm>>
    %dma_start3A_1078 = tpu.memref_squeeze %dma_start3A_1077 : memref<1x1024xi32, #tpu.memory_space<hbm>> -> memref<1024xi32, #tpu.memory_space<hbm>>
    %dma_start3A_1079 = tpu.memref_slice %dma_start3A_1078[%mul3A_11] : memref<1024xi32, #tpu.memory_space<hbm>> -> memref<128xi32, #tpu.memory_space<hbm>>
    %dma_start3A_1080 = arith.constant 0 : i32
    %dma_start3A_1081 = tpu.memref_slice %arg6[%dma_start3A_1072, %dma_start3A_1080] : memref<50x128xi32, #tpu.memory_space<vmem>> -> memref<1x128xi32, #tpu.memory_space<vmem>>
    %dma_start3A_1082 = tpu.memref_squeeze %dma_start3A_1081 : memref<1x128xi32, #tpu.memory_space<vmem>> -> memref<128xi32, #tpu.memory_space<vmem>>
    %dma_start3A_1083 = arith.constant 0 : i32
    %dma_start3A_1084 = tpu.memref_slice %arg2[%min3A_1071, %dma_start3A_1083] : memref<200x1024xi32, #tpu.memory_space<hbm>> -> memref<1x1024xi32, #tpu.memory_space<hbm>>
    %dma_start3A_1085 = tpu.memref_squeeze %dma_start3A_1084 : memref<1x1024xi32, #tpu.memory_space<hbm>> -> memref<1024xi32, #tpu.memory_space<hbm>>
    %dma_start3A_1086 = tpu.memref_slice %dma_start3A_1085[%mul3A_11] : memref<1024xi32, #tpu.memory_space<hbm>> -> memref<128xi32, #tpu.memory_space<hbm>>
    tpu.enqueue_dma source(%dma_start3A_1086 : memref<128xi32, #tpu.memory_space<hbm>>) target(%dma_start3A_1082 : memref<128xi32, #tpu.memory_space<vmem>>) target_semaphore(%arg13 : memref<!tpu.dma_semaphore, #tpu.memory_space<semaphore_mem>>)
    %add3A_1087 = arith.constant 172 : i32
    %add3A_1088 = arith.addi %select_n3A_32, %add3A_1087 : i32
    %add3A_1089 = arith.constant 1 : i32
    %add3A_1090 = arith.addi %add3A_1088, %add3A_1089 : i32
    %jit3A_1091 = arith.constant 0 : i32
    %jit3A_1092 = arith.constant 199 : i32
    %max3A_1093 = arith.maxsi %jit3A_1091, %add3A_1090 : i32
    %min3A_1094 = arith.minsi %jit3A_1092, %max3A_1093 : i32
    %dma_start3A_1095 = arith.constant 43 : i32
    %dma_start3A_1096 = arith.constant 0 : i32
    %dma_start3A_1097 = tpu.memref_slice %arg6[%dma_start3A_1095, %dma_start3A_1096] : memref<50x128xi32, #tpu.memory_space<vmem>> -> memref<1x128xi32, #tpu.memory_space<vmem>>
    %dma_start3A_1098 = tpu.memref_squeeze %dma_start3A_1097 : memref<1x128xi32, #tpu.memory_space<vmem>> -> memref<128xi32, #tpu.memory_space<vmem>>
    %dma_start3A_1099 = arith.constant 0 : i32
    %dma_start3A_1100 = tpu.memref_slice %arg2[%min3A_1094, %dma_start3A_1099] : memref<200x1024xi32, #tpu.memory_space<hbm>> -> memref<1x1024xi32, #tpu.memory_space<hbm>>
    %dma_start3A_1101 = tpu.memref_squeeze %dma_start3A_1100 : memref<1x1024xi32, #tpu.memory_space<hbm>> -> memref<1024xi32, #tpu.memory_space<hbm>>
    %dma_start3A_1102 = tpu.memref_slice %dma_start3A_1101[%mul3A_11] : memref<1024xi32, #tpu.memory_space<hbm>> -> memref<128xi32, #tpu.memory_space<hbm>>
    %dma_start3A_1103 = arith.constant 0 : i32
    %dma_start3A_1104 = tpu.memref_slice %arg6[%dma_start3A_1095, %dma_start3A_1103] : memref<50x128xi32, #tpu.memory_space<vmem>> -> memref<1x128xi32, #tpu.memory_space<vmem>>
    %dma_start3A_1105 = tpu.memref_squeeze %dma_start3A_1104 : memref<1x128xi32, #tpu.memory_space<vmem>> -> memref<128xi32, #tpu.memory_space<vmem>>
    %dma_start3A_1106 = arith.constant 0 : i32
    %dma_start3A_1107 = tpu.memref_slice %arg2[%min3A_1094, %dma_start3A_1106] : memref<200x1024xi32, #tpu.memory_space<hbm>> -> memref<1x1024xi32, #tpu.memory_space<hbm>>
    %dma_start3A_1108 = tpu.memref_squeeze %dma_start3A_1107 : memref<1x1024xi32, #tpu.memory_space<hbm>> -> memref<1024xi32, #tpu.memory_space<hbm>>
    %dma_start3A_1109 = tpu.memref_slice %dma_start3A_1108[%mul3A_11] : memref<1024xi32, #tpu.memory_space<hbm>> -> memref<128xi32, #tpu.memory_space<hbm>>
    tpu.enqueue_dma source(%dma_start3A_1109 : memref<128xi32, #tpu.memory_space<hbm>>) target(%dma_start3A_1105 : memref<128xi32, #tpu.memory_space<vmem>>) target_semaphore(%arg13 : memref<!tpu.dma_semaphore, #tpu.memory_space<semaphore_mem>>)
    %add3A_1110 = arith.constant 176 : i32
    %add3A_1111 = arith.addi %select_n3A_32, %add3A_1110 : i32
    %add3A_1112 = arith.constant 1 : i32
    %add3A_1113 = arith.addi %add3A_1111, %add3A_1112 : i32
    %jit3A_1114 = arith.constant 0 : i32
    %jit3A_1115 = arith.constant 199 : i32
    %max3A_1116 = arith.maxsi %jit3A_1114, %add3A_1113 : i32
    %min3A_1117 = arith.minsi %jit3A_1115, %max3A_1116 : i32
    %dma_start3A_1118 = arith.constant 44 : i32
    %dma_start3A_1119 = arith.constant 0 : i32
    %dma_start3A_1120 = tpu.memref_slice %arg6[%dma_start3A_1118, %dma_start3A_1119] : memref<50x128xi32, #tpu.memory_space<vmem>> -> memref<1x128xi32, #tpu.memory_space<vmem>>
    %dma_start3A_1121 = tpu.memref_squeeze %dma_start3A_1120 : memref<1x128xi32, #tpu.memory_space<vmem>> -> memref<128xi32, #tpu.memory_space<vmem>>
    %dma_start3A_1122 = arith.constant 0 : i32
    %dma_start3A_1123 = tpu.memref_slice %arg2[%min3A_1117, %dma_start3A_1122] : memref<200x1024xi32, #tpu.memory_space<hbm>> -> memref<1x1024xi32, #tpu.memory_space<hbm>>
    %dma_start3A_1124 = tpu.memref_squeeze %dma_start3A_1123 : memref<1x1024xi32, #tpu.memory_space<hbm>> -> memref<1024xi32, #tpu.memory_space<hbm>>
    %dma_start3A_1125 = tpu.memref_slice %dma_start3A_1124[%mul3A_11] : memref<1024xi32, #tpu.memory_space<hbm>> -> memref<128xi32, #tpu.memory_space<hbm>>
    %dma_start3A_1126 = arith.constant 0 : i32
    %dma_start3A_1127 = tpu.memref_slice %arg6[%dma_start3A_1118, %dma_start3A_1126] : memref<50x128xi32, #tpu.memory_space<vmem>> -> memref<1x128xi32, #tpu.memory_space<vmem>>
    %dma_start3A_1128 = tpu.memref_squeeze %dma_start3A_1127 : memref<1x128xi32, #tpu.memory_space<vmem>> -> memref<128xi32, #tpu.memory_space<vmem>>
    %dma_start3A_1129 = arith.constant 0 : i32
    %dma_start3A_1130 = tpu.memref_slice %arg2[%min3A_1117, %dma_start3A_1129] : memref<200x1024xi32, #tpu.memory_space<hbm>> -> memref<1x1024xi32, #tpu.memory_space<hbm>>
    %dma_start3A_1131 = tpu.memref_squeeze %dma_start3A_1130 : memref<1x1024xi32, #tpu.memory_space<hbm>> -> memref<1024xi32, #tpu.memory_space<hbm>>
    %dma_start3A_1132 = tpu.memref_slice %dma_start3A_1131[%mul3A_11] : memref<1024xi32, #tpu.memory_space<hbm>> -> memref<128xi32, #tpu.memory_space<hbm>>
    tpu.enqueue_dma source(%dma_start3A_1132 : memref<128xi32, #tpu.memory_space<hbm>>) target(%dma_start3A_1128 : memref<128xi32, #tpu.memory_space<vmem>>) target_semaphore(%arg13 : memref<!tpu.dma_semaphore, #tpu.memory_space<semaphore_mem>>)
    %add3A_1133 = arith.constant 180 : i32
    %add3A_1134 = arith.addi %select_n3A_32, %add3A_1133 : i32
    %add3A_1135 = arith.constant 1 : i32
    %add3A_1136 = arith.addi %add3A_1134, %add3A_1135 : i32
    %jit3A_1137 = arith.constant 0 : i32
    %jit3A_1138 = arith.constant 199 : i32
    %max3A_1139 = arith.maxsi %jit3A_1137, %add3A_1136 : i32
    %min3A_1140 = arith.minsi %jit3A_1138, %max3A_1139 : i32
    %dma_start3A_1141 = arith.constant 45 : i32
    %dma_start3A_1142 = arith.constant 0 : i32
    %dma_start3A_1143 = tpu.memref_slice %arg6[%dma_start3A_1141, %dma_start3A_1142] : memref<50x128xi32, #tpu.memory_space<vmem>> -> memref<1x128xi32, #tpu.memory_space<vmem>>
    %dma_start3A_1144 = tpu.memref_squeeze %dma_start3A_1143 : memref<1x128xi32, #tpu.memory_space<vmem>> -> memref<128xi32, #tpu.memory_space<vmem>>
    %dma_start3A_1145 = arith.constant 0 : i32
    %dma_start3A_1146 = tpu.memref_slice %arg2[%min3A_1140, %dma_start3A_1145] : memref<200x1024xi32, #tpu.memory_space<hbm>> -> memref<1x1024xi32, #tpu.memory_space<hbm>>
    %dma_start3A_1147 = tpu.memref_squeeze %dma_start3A_1146 : memref<1x1024xi32, #tpu.memory_space<hbm>> -> memref<1024xi32, #tpu.memory_space<hbm>>
    %dma_start3A_1148 = tpu.memref_slice %dma_start3A_1147[%mul3A_11] : memref<1024xi32, #tpu.memory_space<hbm>> -> memref<128xi32, #tpu.memory_space<hbm>>
    %dma_start3A_1149 = arith.constant 0 : i32
    %dma_start3A_1150 = tpu.memref_slice %arg6[%dma_start3A_1141, %dma_start3A_1149] : memref<50x128xi32, #tpu.memory_space<vmem>> -> memref<1x128xi32, #tpu.memory_space<vmem>>
    %dma_start3A_1151 = tpu.memref_squeeze %dma_start3A_1150 : memref<1x128xi32, #tpu.memory_space<vmem>> -> memref<128xi32, #tpu.memory_space<vmem>>
    %dma_start3A_1152 = arith.constant 0 : i32
    %dma_start3A_1153 = tpu.memref_slice %arg2[%min3A_1140, %dma_start3A_1152] : memref<200x1024xi32, #tpu.memory_space<hbm>> -> memref<1x1024xi32, #tpu.memory_space<hbm>>
    %dma_start3A_1154 = tpu.memref_squeeze %dma_start3A_1153 : memref<1x1024xi32, #tpu.memory_space<hbm>> -> memref<1024xi32, #tpu.memory_space<hbm>>
    %dma_start3A_1155 = tpu.memref_slice %dma_start3A_1154[%mul3A_11] : memref<1024xi32, #tpu.memory_space<hbm>> -> memref<128xi32, #tpu.memory_space<hbm>>
    tpu.enqueue_dma source(%dma_start3A_1155 : memref<128xi32, #tpu.memory_space<hbm>>) target(%dma_start3A_1151 : memref<128xi32, #tpu.memory_space<vmem>>) target_semaphore(%arg13 : memref<!tpu.dma_semaphore, #tpu.memory_space<semaphore_mem>>)
    %add3A_1156 = arith.constant 184 : i32
    %add3A_1157 = arith.addi %select_n3A_32, %add3A_1156 : i32
    %add3A_1158 = arith.constant 1 : i32
    %add3A_1159 = arith.addi %add3A_1157, %add3A_1158 : i32
    %jit3A_1160 = arith.constant 0 : i32
    %jit3A_1161 = arith.constant 199 : i32
    %max3A_1162 = arith.maxsi %jit3A_1160, %add3A_1159 : i32
    %min3A_1163 = arith.minsi %jit3A_1161, %max3A_1162 : i32
    %dma_start3A_1164 = arith.constant 46 : i32
    %dma_start3A_1165 = arith.constant 0 : i32
    %dma_start3A_1166 = tpu.memref_slice %arg6[%dma_start3A_1164, %dma_start3A_1165] : memref<50x128xi32, #tpu.memory_space<vmem>> -> memref<1x128xi32, #tpu.memory_space<vmem>>
    %dma_start3A_1167 = tpu.memref_squeeze %dma_start3A_1166 : memref<1x128xi32, #tpu.memory_space<vmem>> -> memref<128xi32, #tpu.memory_space<vmem>>
    %dma_start3A_1168 = arith.constant 0 : i32
    %dma_start3A_1169 = tpu.memref_slice %arg2[%min3A_1163, %dma_start3A_1168] : memref<200x1024xi32, #tpu.memory_space<hbm>> -> memref<1x1024xi32, #tpu.memory_space<hbm>>
    %dma_start3A_1170 = tpu.memref_squeeze %dma_start3A_1169 : memref<1x1024xi32, #tpu.memory_space<hbm>> -> memref<1024xi32, #tpu.memory_space<hbm>>
    %dma_start3A_1171 = tpu.memref_slice %dma_start3A_1170[%mul3A_11] : memref<1024xi32, #tpu.memory_space<hbm>> -> memref<128xi32, #tpu.memory_space<hbm>>
    %dma_start3A_1172 = arith.constant 0 : i32
    %dma_start3A_1173 = tpu.memref_slice %arg6[%dma_start3A_1164, %dma_start3A_1172] : memref<50x128xi32, #tpu.memory_space<vmem>> -> memref<1x128xi32, #tpu.memory_space<vmem>>
    %dma_start3A_1174 = tpu.memref_squeeze %dma_start3A_1173 : memref<1x128xi32, #tpu.memory_space<vmem>> -> memref<128xi32, #tpu.memory_space<vmem>>
    %dma_start3A_1175 = arith.constant 0 : i32
    %dma_start3A_1176 = tpu.memref_slice %arg2[%min3A_1163, %dma_start3A_1175] : memref<200x1024xi32, #tpu.memory_space<hbm>> -> memref<1x1024xi32, #tpu.memory_space<hbm>>
    %dma_start3A_1177 = tpu.memref_squeeze %dma_start3A_1176 : memref<1x1024xi32, #tpu.memory_space<hbm>> -> memref<1024xi32, #tpu.memory_space<hbm>>
    %dma_start3A_1178 = tpu.memref_slice %dma_start3A_1177[%mul3A_11] : memref<1024xi32, #tpu.memory_space<hbm>> -> memref<128xi32, #tpu.memory_space<hbm>>
    tpu.enqueue_dma source(%dma_start3A_1178 : memref<128xi32, #tpu.memory_space<hbm>>) target(%dma_start3A_1174 : memref<128xi32, #tpu.memory_space<vmem>>) target_semaphore(%arg13 : memref<!tpu.dma_semaphore, #tpu.memory_space<semaphore_mem>>)
    %add3A_1179 = arith.constant 188 : i32
    %add3A_1180 = arith.addi %select_n3A_32, %add3A_1179 : i32
    %add3A_1181 = arith.constant 1 : i32
    %add3A_1182 = arith.addi %add3A_1180, %add3A_1181 : i32
    %jit3A_1183 = arith.constant 0 : i32
    %jit3A_1184 = arith.constant 199 : i32
    %max3A_1185 = arith.maxsi %jit3A_1183, %add3A_1182 : i32
    %min3A_1186 = arith.minsi %jit3A_1184, %max3A_1185 : i32
    %dma_start3A_1187 = arith.constant 47 : i32
    %dma_start3A_1188 = arith.constant 0 : i32
    %dma_start3A_1189 = tpu.memref_slice %arg6[%dma_start3A_1187, %dma_start3A_1188] : memref<50x128xi32, #tpu.memory_space<vmem>> -> memref<1x128xi32, #tpu.memory_space<vmem>>
    %dma_start3A_1190 = tpu.memref_squeeze %dma_start3A_1189 : memref<1x128xi32, #tpu.memory_space<vmem>> -> memref<128xi32, #tpu.memory_space<vmem>>
    %dma_start3A_1191 = arith.constant 0 : i32
    %dma_start3A_1192 = tpu.memref_slice %arg2[%min3A_1186, %dma_start3A_1191] : memref<200x1024xi32, #tpu.memory_space<hbm>> -> memref<1x1024xi32, #tpu.memory_space<hbm>>
    %dma_start3A_1193 = tpu.memref_squeeze %dma_start3A_1192 : memref<1x1024xi32, #tpu.memory_space<hbm>> -> memref<1024xi32, #tpu.memory_space<hbm>>
    %dma_start3A_1194 = tpu.memref_slice %dma_start3A_1193[%mul3A_11] : memref<1024xi32, #tpu.memory_space<hbm>> -> memref<128xi32, #tpu.memory_space<hbm>>
    %dma_start3A_1195 = arith.constant 0 : i32
    %dma_start3A_1196 = tpu.memref_slice %arg6[%dma_start3A_1187, %dma_start3A_1195] : memref<50x128xi32, #tpu.memory_space<vmem>> -> memref<1x128xi32, #tpu.memory_space<vmem>>
    %dma_start3A_1197 = tpu.memref_squeeze %dma_start3A_1196 : memref<1x128xi32, #tpu.memory_space<vmem>> -> memref<128xi32, #tpu.memory_space<vmem>>
    %dma_start3A_1198 = arith.constant 0 : i32
    %dma_start3A_1199 = tpu.memref_slice %arg2[%min3A_1186, %dma_start3A_1198] : memref<200x1024xi32, #tpu.memory_space<hbm>> -> memref<1x1024xi32, #tpu.memory_space<hbm>>
    %dma_start3A_1200 = tpu.memref_squeeze %dma_start3A_1199 : memref<1x1024xi32, #tpu.memory_space<hbm>> -> memref<1024xi32, #tpu.memory_space<hbm>>
    %dma_start3A_1201 = tpu.memref_slice %dma_start3A_1200[%mul3A_11] : memref<1024xi32, #tpu.memory_space<hbm>> -> memref<128xi32, #tpu.memory_space<hbm>>
    tpu.enqueue_dma source(%dma_start3A_1201 : memref<128xi32, #tpu.memory_space<hbm>>) target(%dma_start3A_1197 : memref<128xi32, #tpu.memory_space<vmem>>) target_semaphore(%arg13 : memref<!tpu.dma_semaphore, #tpu.memory_space<semaphore_mem>>)
    %add3A_1202 = arith.constant 192 : i32
    %add3A_1203 = arith.addi %select_n3A_32, %add3A_1202 : i32
    %add3A_1204 = arith.constant 1 : i32
    %add3A_1205 = arith.addi %add3A_1203, %add3A_1204 : i32
    %jit3A_1206 = arith.constant 0 : i32
    %jit3A_1207 = arith.constant 199 : i32
    %max3A_1208 = arith.maxsi %jit3A_1206, %add3A_1205 : i32
    %min3A_1209 = arith.minsi %jit3A_1207, %max3A_1208 : i32
    %dma_start3A_1210 = arith.constant 48 : i32
    %dma_start3A_1211 = arith.constant 0 : i32
    %dma_start3A_1212 = tpu.memref_slice %arg6[%dma_start3A_1210, %dma_start3A_1211] : memref<50x128xi32, #tpu.memory_space<vmem>> -> memref<1x128xi32, #tpu.memory_space<vmem>>
    %dma_start3A_1213 = tpu.memref_squeeze %dma_start3A_1212 : memref<1x128xi32, #tpu.memory_space<vmem>> -> memref<128xi32, #tpu.memory_space<vmem>>
    %dma_start3A_1214 = arith.constant 0 : i32
    %dma_start3A_1215 = tpu.memref_slice %arg2[%min3A_1209, %dma_start3A_1214] : memref<200x1024xi32, #tpu.memory_space<hbm>> -> memref<1x1024xi32, #tpu.memory_space<hbm>>
    %dma_start3A_1216 = tpu.memref_squeeze %dma_start3A_1215 : memref<1x1024xi32, #tpu.memory_space<hbm>> -> memref<1024xi32, #tpu.memory_space<hbm>>
    %dma_start3A_1217 = tpu.memref_slice %dma_start3A_1216[%mul3A_11] : memref<1024xi32, #tpu.memory_space<hbm>> -> memref<128xi32, #tpu.memory_space<hbm>>
    %dma_start3A_1218 = arith.constant 0 : i32
    %dma_start3A_1219 = tpu.memref_slice %arg6[%dma_start3A_1210, %dma_start3A_1218] : memref<50x128xi32, #tpu.memory_space<vmem>> -> memref<1x128xi32, #tpu.memory_space<vmem>>
    %dma_start3A_1220 = tpu.memref_squeeze %dma_start3A_1219 : memref<1x128xi32, #tpu.memory_space<vmem>> -> memref<128xi32, #tpu.memory_space<vmem>>
    %dma_start3A_1221 = arith.constant 0 : i32
    %dma_start3A_1222 = tpu.memref_slice %arg2[%min3A_1209, %dma_start3A_1221] : memref<200x1024xi32, #tpu.memory_space<hbm>> -> memref<1x1024xi32, #tpu.memory_space<hbm>>
    %dma_start3A_1223 = tpu.memref_squeeze %dma_start3A_1222 : memref<1x1024xi32, #tpu.memory_space<hbm>> -> memref<1024xi32, #tpu.memory_space<hbm>>
    %dma_start3A_1224 = tpu.memref_slice %dma_start3A_1223[%mul3A_11] : memref<1024xi32, #tpu.memory_space<hbm>> -> memref<128xi32, #tpu.memory_space<hbm>>
    tpu.enqueue_dma source(%dma_start3A_1224 : memref<128xi32, #tpu.memory_space<hbm>>) target(%dma_start3A_1220 : memref<128xi32, #tpu.memory_space<vmem>>) target_semaphore(%arg13 : memref<!tpu.dma_semaphore, #tpu.memory_space<semaphore_mem>>)
    %add3A_1225 = arith.constant 196 : i32
    %add3A_1226 = arith.addi %select_n3A_32, %add3A_1225 : i32
    %add3A_1227 = arith.constant 1 : i32
    %add3A_1228 = arith.addi %add3A_1226, %add3A_1227 : i32
    %jit3A_1229 = arith.constant 0 : i32
    %jit3A_1230 = arith.constant 199 : i32
    %max3A_1231 = arith.maxsi %jit3A_1229, %add3A_1228 : i32
    %min3A_1232 = arith.minsi %jit3A_1230, %max3A_1231 : i32
    %dma_start3A_1233 = arith.constant 49 : i32
    %dma_start3A_1234 = arith.constant 0 : i32
    %dma_start3A_1235 = tpu.memref_slice %arg6[%dma_start3A_1233, %dma_start3A_1234] : memref<50x128xi32, #tpu.memory_space<vmem>> -> memref<1x128xi32, #tpu.memory_space<vmem>>
    %dma_start3A_1236 = tpu.memref_squeeze %dma_start3A_1235 : memref<1x128xi32, #tpu.memory_space<vmem>> -> memref<128xi32, #tpu.memory_space<vmem>>
    %dma_start3A_1237 = arith.constant 0 : i32
    %dma_start3A_1238 = tpu.memref_slice %arg2[%min3A_1232, %dma_start3A_1237] : memref<200x1024xi32, #tpu.memory_space<hbm>> -> memref<1x1024xi32, #tpu.memory_space<hbm>>
    %dma_start3A_1239 = tpu.memref_squeeze %dma_start3A_1238 : memref<1x1024xi32, #tpu.memory_space<hbm>> -> memref<1024xi32, #tpu.memory_space<hbm>>
    %dma_start3A_1240 = tpu.memref_slice %dma_start3A_1239[%mul3A_11] : memref<1024xi32, #tpu.memory_space<hbm>> -> memref<128xi32, #tpu.memory_space<hbm>>
    %dma_start3A_1241 = arith.constant 0 : i32
    %dma_start3A_1242 = tpu.memref_slice %arg6[%dma_start3A_1233, %dma_start3A_1241] : memref<50x128xi32, #tpu.memory_space<vmem>> -> memref<1x128xi32, #tpu.memory_space<vmem>>
    %dma_start3A_1243 = tpu.memref_squeeze %dma_start3A_1242 : memref<1x128xi32, #tpu.memory_space<vmem>> -> memref<128xi32, #tpu.memory_space<vmem>>
    %dma_start3A_1244 = arith.constant 0 : i32
    %dma_start3A_1245 = tpu.memref_slice %arg2[%min3A_1232, %dma_start3A_1244] : memref<200x1024xi32, #tpu.memory_space<hbm>> -> memref<1x1024xi32, #tpu.memory_space<hbm>>
    %dma_start3A_1246 = tpu.memref_squeeze %dma_start3A_1245 : memref<1x1024xi32, #tpu.memory_space<hbm>> -> memref<1024xi32, #tpu.memory_space<hbm>>
    %dma_start3A_1247 = tpu.memref_slice %dma_start3A_1246[%mul3A_11] : memref<1024xi32, #tpu.memory_space<hbm>> -> memref<128xi32, #tpu.memory_space<hbm>>
    tpu.enqueue_dma source(%dma_start3A_1247 : memref<128xi32, #tpu.memory_space<hbm>>) target(%dma_start3A_1243 : memref<128xi32, #tpu.memory_space<vmem>>) target_semaphore(%arg13 : memref<!tpu.dma_semaphore, #tpu.memory_space<semaphore_mem>>)
    %scan3A = arith.constant 0 : i32
    %scan3A_1248 = arith.constant 0 : i32
    %scan3A_1249 = arith.constant 9 : i32
    %scan3A_1250 = arith.addi %scan3A_1248, %scan3A_1249 : i32
    %scan3A_1251 = arith.constant 1 : i32
    scf.for %scan3A_1257 = %scan3A_1248 to %scan3A_1250 step %scan3A_1251  : i32 {
      %mul3A_1258 = arith.constant 6 : i32
      %mul3A_1259 = arith.muli %mul3A_1258, %scan3A_1257 : i32
      %add3A_1260 = arith.constant 0 : i32
      %add3A_1261 = arith.addi %mul3A_1259, %add3A_1260 : i32
      %ge3A_1262 = arith.constant 3 : i32
      %ge3A_1263 = arith.cmpi sge, %add3A_1261, %ge3A_1262 : i32
      %sub3A_1264 = arith.constant 3 : i32
      %sub3A_1265 = arith.subi %add3A_1261, %sub3A_1264 : i32
      %max3A_1266 = arith.constant 0 : i32
      %max3A_1267 = arith.maxsi %sub3A_1265, %max3A_1266 : i32
      %mul3A_1268 = arith.constant 4 : i32
      %mul3A_1269 = arith.muli %mul3A_1268, %max3A_1267 : i32
      %add3A_1270 = arith.addi %select_n3A_32, %mul3A_1269 : i32
      %lt3A_1271 = arith.constant 199 : i32
      %lt3A_1272 = arith.cmpi slt, %add3A_1270, %lt3A_1271 : i32
      %and3A_1273 = arith.andi %ge3A_1263, %lt3A_1272 : i1
      %convert_element_type3A_1274 = arith.extui %and3A_1273 : i1 to i32
      %cond3A_1275 = arith.constant 0 : i32
      %cond3A_1276 = arith.cmpi ne, %convert_element_type3A_1274, %cond3A_1275 : i32
      scf.if %cond3A_1276 {
        %sub3A_1510 = arith.constant 3 : i32
        %sub3A_1511 = arith.subi %add3A_1261, %sub3A_1510 : i32
        %mul3A_1512 = arith.constant 4 : i32
        %mul3A_1513 = arith.muli %mul3A_1512, %sub3A_1511 : i32
        %add3A_1514 = arith.addi %select_n3A_32, %mul3A_1513 : i32
        %add3A_1515 = arith.constant 23 : i32
        %add3A_1516 = arith.addi %add3A_1515, %add3A_1514 : i32
        %dma_wait3A_1517 = arith.constant 0 : i32
        %dma_wait3A_1518 = arith.constant 0 : i32
        %dma_wait3A_1519 = tpu.memref_slice %arg5[%add3A_1516, %dma_wait3A_1517, %dma_wait3A_1518] : memref<222x1024x128xf32, #tpu.memory_space<hbm>> -> memref<1x1024x128xf32, #tpu.memory_space<hbm>>
        %dma_wait3A_1520 = tpu.memref_squeeze %dma_wait3A_1519 : memref<1x1024x128xf32, #tpu.memory_space<hbm>> -> memref<1024x128xf32, #tpu.memory_space<hbm>>
        %dma_wait3A_1521 = arith.constant 0 : i32
        %dma_wait3A_1522 = tpu.memref_slice %dma_wait3A_1520[%mul3A_11, %dma_wait3A_1521] : memref<1024x128xf32, #tpu.memory_space<hbm>> -> memref<128x128xf32, #tpu.memory_space<hbm>>
        %dma_wait3A_1523 = arith.constant 0 : i32
        %dma_wait3A_1524 = arith.constant 0 : i32
        %dma_wait3A_1525 = tpu.memref_slice %arg5[%add3A_1516, %dma_wait3A_1523, %dma_wait3A_1524] : memref<222x1024x128xf32, #tpu.memory_space<hbm>> -> memref<1x1024x128xf32, #tpu.memory_space<hbm>>
        %dma_wait3A_1526 = tpu.memref_squeeze %dma_wait3A_1525 : memref<1x1024x128xf32, #tpu.memory_space<hbm>> -> memref<1024x128xf32, #tpu.memory_space<hbm>>
        %dma_wait3A_1527 = arith.constant 0 : i32
        %dma_wait3A_1528 = tpu.memref_slice %dma_wait3A_1526[%mul3A_11, %dma_wait3A_1527] : memref<1024x128xf32, #tpu.memory_space<hbm>> -> memref<128x128xf32, #tpu.memory_space<hbm>>
        tpu.wait_dma2 semaphore(%arg23 : memref<!tpu.dma_semaphore, #tpu.memory_space<semaphore_mem>>) src(%arg10 : memref<128x128xf32, #tpu.memory_space<vmem>>) dst(%dma_wait3A_1528 : memref<128x128xf32, #tpu.memory_space<hbm>>)
      } else {
      }
      %add3A_1277 = arith.constant 3 : i32
      %add3A_1278 = arith.addi %add3A_1261, %add3A_1277 : i32
      %lt3A_1279 = arith.constant 50 : i32
      %lt3A_1280 = arith.cmpi slt, %add3A_1278, %lt3A_1279 : i32
      %add3A_1281 = arith.constant 3 : i32
      %add3A_1282 = arith.addi %add3A_1261, %add3A_1281 : i32
      %mul3A_1283 = arith.constant 4 : i32
      %mul3A_1284 = arith.muli %mul3A_1283, %add3A_1282 : i32
      %add3A_1285 = arith.addi %select_n3A_32, %mul3A_1284 : i32
      %lt3A_1286 = arith.constant 199 : i32
      %lt3A_1287 = arith.cmpi slt, %add3A_1285, %lt3A_1286 : i32
      %and3A_1288 = arith.andi %lt3A_1280, %lt3A_1287 : i1
      %convert_element_type3A_1289 = arith.extui %and3A_1288 : i1 to i32
      %cond3A_1290 = arith.constant 0 : i32
      %cond3A_1291 = arith.cmpi ne, %convert_element_type3A_1289, %cond3A_1290 : i32
      scf.if %cond3A_1291 {
        %add3A_1510 = arith.constant 3 : i32
        %add3A_1511 = arith.addi %add3A_1261, %add3A_1510 : i32
        %dma_wait3A_1512 = arith.constant 0 : i32
        %dma_wait3A_1513 = arith.constant 0 : i32
        %dma_wait3A_1514 = tpu.memref_slice %arg6[%add3A_1511, %dma_wait3A_1513] : memref<50x128xi32, #tpu.memory_space<vmem>> -> memref<1x128xi32, #tpu.memory_space<vmem>>
        %dma_wait3A_1515 = tpu.memref_squeeze %dma_wait3A_1514 : memref<1x128xi32, #tpu.memory_space<vmem>> -> memref<128xi32, #tpu.memory_space<vmem>>
        %dma_wait3A_1516 = arith.constant 0 : i32
        %dma_wait3A_1517 = tpu.memref_slice %arg2[%dma_wait3A_1512, %dma_wait3A_1516] : memref<200x1024xi32, #tpu.memory_space<hbm>> -> memref<1x1024xi32, #tpu.memory_space<hbm>>
        %dma_wait3A_1518 = tpu.memref_squeeze %dma_wait3A_1517 : memref<1x1024xi32, #tpu.memory_space<hbm>> -> memref<1024xi32, #tpu.memory_space<hbm>>
        %dma_wait3A_1519 = tpu.memref_slice %dma_wait3A_1518[%mul3A_11] : memref<1024xi32, #tpu.memory_space<hbm>> -> memref<128xi32, #tpu.memory_space<hbm>>
        %dma_wait3A_1520 = arith.constant 0 : i32
        %dma_wait3A_1521 = tpu.memref_slice %arg6[%add3A_1511, %dma_wait3A_1520] : memref<50x128xi32, #tpu.memory_space<vmem>> -> memref<1x128xi32, #tpu.memory_space<vmem>>
        %dma_wait3A_1522 = tpu.memref_squeeze %dma_wait3A_1521 : memref<1x128xi32, #tpu.memory_space<vmem>> -> memref<128xi32, #tpu.memory_space<vmem>>
        %dma_wait3A_1523 = arith.constant 0 : i32
        %dma_wait3A_1524 = tpu.memref_slice %arg2[%dma_wait3A_1512, %dma_wait3A_1523] : memref<200x1024xi32, #tpu.memory_space<hbm>> -> memref<1x1024xi32, #tpu.memory_space<hbm>>
        %dma_wait3A_1525 = tpu.memref_squeeze %dma_wait3A_1524 : memref<1x1024xi32, #tpu.memory_space<hbm>> -> memref<1024xi32, #tpu.memory_space<hbm>>
        %dma_wait3A_1526 = tpu.memref_slice %dma_wait3A_1525[%mul3A_11] : memref<1024xi32, #tpu.memory_space<hbm>> -> memref<128xi32, #tpu.memory_space<hbm>>
        tpu.wait_dma2 semaphore(%arg13 : memref<!tpu.dma_semaphore, #tpu.memory_space<semaphore_mem>>) src(%dma_wait3A_1526 : memref<128xi32, #tpu.memory_space<hbm>>) dst(%dma_wait3A_1522 : memref<128xi32, #tpu.memory_space<vmem>>)
        %dma_start3A_1527 = arith.constant 0 : i32
        %dma_start3A_1528 = tpu.memref_slice %arg6[%add3A_1511, %dma_start3A_1527] : memref<50x128xi32, #tpu.memory_space<vmem>> -> memref<1x128xi32, #tpu.memory_space<vmem>>
        %dma_start3A_1529 = tpu.memref_squeeze %dma_start3A_1528 : memref<1x128xi32, #tpu.memory_space<vmem>> -> memref<128xi32, #tpu.memory_space<vmem>>
        %dma_start3A_1530 = arith.constant 0 : i32
        %dma_start3A_1531 = arith.constant 0 : i32
        %dma_start3A_1532 = tpu.memref_slice %arg3[%dma_start3A_1530, %dma_start3A_1531] : memref<100000x128xf32, #tpu.memory_space<hbm>> -> memref<100000x128xf32, #tpu.memory_space<hbm>>
        tpu.enqueue_indirect_dma source(%dma_start3A_1532 : memref<100000x128xf32, #tpu.memory_space<hbm>>) target(%arg10 : memref<128x128xf32, #tpu.memory_space<vmem>>) offsets(%dma_start3A_1529 : memref<128xi32, #tpu.memory_space<vmem>>) semaphore(%arg17 : memref<!tpu.dma_semaphore, #tpu.memory_space<semaphore_mem>>)
      } else {
      }
      %mul3A_1292 = arith.constant 4 : i32
      %mul3A_1293 = arith.muli %mul3A_1292, %add3A_1261 : i32
      %add3A_1294 = arith.addi %select_n3A_32, %mul3A_1293 : i32
      %lt3A_1295 = arith.constant 199 : i32
      %lt3A_1296 = arith.cmpi slt, %add3A_1294, %lt3A_1295 : i32
      %convert_element_type3A_1297 = arith.extui %lt3A_1296 : i1 to i32
      %cond3A_1298 = arith.constant 0 : i32
      %cond3A_1299 = arith.cmpi ne, %convert_element_type3A_1297, %cond3A_1298 : i32
      scf.if %cond3A_1299 {
        %dma_wait3A_1510 = arith.constant 0 : i32
        %dma_wait3A_1511 = tpu.memref_slice %arg6[%add3A_1261, %dma_wait3A_1510] : memref<50x128xi32, #tpu.memory_space<vmem>> -> memref<1x128xi32, #tpu.memory_space<vmem>>
        %dma_wait3A_1512 = tpu.memref_squeeze %dma_wait3A_1511 : memref<1x128xi32, #tpu.memory_space<vmem>> -> memref<128xi32, #tpu.memory_space<vmem>>
        %dma_wait3A_1513 = arith.constant 0 : i32
        %dma_wait3A_1514 = arith.constant 0 : i32
        %dma_wait3A_1515 = tpu.memref_slice %arg3[%dma_wait3A_1513, %dma_wait3A_1514] : memref<100000x128xf32, #tpu.memory_space<hbm>> -> memref<100000x128xf32, #tpu.memory_space<hbm>>
        tpu.wait_indirect_dma semaphore(%arg14 : memref<!tpu.dma_semaphore, #tpu.memory_space<semaphore_mem>>) src(%dma_wait3A_1515 : memref<100000x128xf32, #tpu.memory_space<hbm>>) dst(%arg7 : memref<128x128xf32, #tpu.memory_space<vmem>>)
        %mul3A_1516 = arith.constant 4 : i32
        %mul3A_1517 = arith.muli %mul3A_1516, %add3A_1261 : i32
        %add3A_1518 = arith.addi %select_n3A_32, %mul3A_1517 : i32
        %add3A_1519 = arith.constant 23 : i32
        %add3A_1520 = arith.addi %add3A_1519, %add3A_1518 : i32
        %dma_start3A_1521 = arith.constant 0 : i32
        %dma_start3A_1522 = arith.constant 0 : i32
        %dma_start3A_1523 = tpu.memref_slice %arg5[%add3A_1520, %dma_start3A_1521, %dma_start3A_1522] : memref<222x1024x128xf32, #tpu.memory_space<hbm>> -> memref<1x1024x128xf32, #tpu.memory_space<hbm>>
        %dma_start3A_1524 = tpu.memref_squeeze %dma_start3A_1523 : memref<1x1024x128xf32, #tpu.memory_space<hbm>> -> memref<1024x128xf32, #tpu.memory_space<hbm>>
        %dma_start3A_1525 = arith.constant 0 : i32
        %dma_start3A_1526 = tpu.memref_slice %dma_start3A_1524[%mul3A_11, %dma_start3A_1525] : memref<1024x128xf32, #tpu.memory_space<hbm>> -> memref<128x128xf32, #tpu.memory_space<hbm>>
        %dma_start3A_1527 = arith.constant 0 : i32
        %dma_start3A_1528 = arith.constant 0 : i32
        %dma_start3A_1529 = tpu.memref_slice %arg5[%add3A_1520, %dma_start3A_1527, %dma_start3A_1528] : memref<222x1024x128xf32, #tpu.memory_space<hbm>> -> memref<1x1024x128xf32, #tpu.memory_space<hbm>>
        %dma_start3A_1530 = tpu.memref_squeeze %dma_start3A_1529 : memref<1x1024x128xf32, #tpu.memory_space<hbm>> -> memref<1024x128xf32, #tpu.memory_space<hbm>>
        %dma_start3A_1531 = arith.constant 0 : i32
        %dma_start3A_1532 = tpu.memref_slice %dma_start3A_1530[%mul3A_11, %dma_start3A_1531] : memref<1024x128xf32, #tpu.memory_space<hbm>> -> memref<128x128xf32, #tpu.memory_space<hbm>>
        tpu.enqueue_dma source(%arg7 : memref<128x128xf32, #tpu.memory_space<vmem>>) target(%dma_start3A_1532 : memref<128x128xf32, #tpu.memory_space<hbm>>) target_semaphore(%arg20 : memref<!tpu.dma_semaphore, #tpu.memory_space<semaphore_mem>>)
      } else {
      }
      %mul3A_1300 = arith.constant 6 : i32
      %mul3A_1301 = arith.muli %mul3A_1300, %scan3A_1257 : i32
      %add3A_1302 = arith.constant 1 : i32
      %add3A_1303 = arith.addi %mul3A_1301, %add3A_1302 : i32
      %ge3A_1304 = arith.constant 3 : i32
      %ge3A_1305 = arith.cmpi sge, %add3A_1303, %ge3A_1304 : i32
      %sub3A_1306 = arith.constant 3 : i32
      %sub3A_1307 = arith.subi %add3A_1303, %sub3A_1306 : i32
      %max3A_1308 = arith.constant 0 : i32
      %max3A_1309 = arith.maxsi %sub3A_1307, %max3A_1308 : i32
      %mul3A_1310 = arith.constant 4 : i32
      %mul3A_1311 = arith.muli %mul3A_1310, %max3A_1309 : i32
      %add3A_1312 = arith.addi %select_n3A_32, %mul3A_1311 : i32
      %lt3A_1313 = arith.constant 199 : i32
      %lt3A_1314 = arith.cmpi slt, %add3A_1312, %lt3A_1313 : i32
      %and3A_1315 = arith.andi %ge3A_1305, %lt3A_1314 : i1
      %convert_element_type3A_1316 = arith.extui %and3A_1315 : i1 to i32
      %cond3A_1317 = arith.constant 0 : i32
      %cond3A_1318 = arith.cmpi ne, %convert_element_type3A_1316, %cond3A_1317 : i32
      scf.if %cond3A_1318 {
        %sub3A_1510 = arith.constant 3 : i32
        %sub3A_1511 = arith.subi %add3A_1303, %sub3A_1510 : i32
        %mul3A_1512 = arith.constant 4 : i32
        %mul3A_1513 = arith.muli %mul3A_1512, %sub3A_1511 : i32
        %add3A_1514 = arith.addi %select_n3A_32, %mul3A_1513 : i32
        %add3A_1515 = arith.constant 23 : i32
        %add3A_1516 = arith.addi %add3A_1515, %add3A_1514 : i32
        %dma_wait3A_1517 = arith.constant 0 : i32
        %dma_wait3A_1518 = arith.constant 0 : i32
        %dma_wait3A_1519 = tpu.memref_slice %arg5[%add3A_1516, %dma_wait3A_1517, %dma_wait3A_1518] : memref<222x1024x128xf32, #tpu.memory_space<hbm>> -> memref<1x1024x128xf32, #tpu.memory_space<hbm>>
        %dma_wait3A_1520 = tpu.memref_squeeze %dma_wait3A_1519 : memref<1x1024x128xf32, #tpu.memory_space<hbm>> -> memref<1024x128xf32, #tpu.memory_space<hbm>>
        %dma_wait3A_1521 = arith.constant 0 : i32
        %dma_wait3A_1522 = tpu.memref_slice %dma_wait3A_1520[%mul3A_11, %dma_wait3A_1521] : memref<1024x128xf32, #tpu.memory_space<hbm>> -> memref<128x128xf32, #tpu.memory_space<hbm>>
        %dma_wait3A_1523 = arith.constant 0 : i32
        %dma_wait3A_1524 = arith.constant 0 : i32
        %dma_wait3A_1525 = tpu.memref_slice %arg5[%add3A_1516, %dma_wait3A_1523, %dma_wait3A_1524] : memref<222x1024x128xf32, #tpu.memory_space<hbm>> -> memref<1x1024x128xf32, #tpu.memory_space<hbm>>
        %dma_wait3A_1526 = tpu.memref_squeeze %dma_wait3A_1525 : memref<1x1024x128xf32, #tpu.memory_space<hbm>> -> memref<1024x128xf32, #tpu.memory_space<hbm>>
        %dma_wait3A_1527 = arith.constant 0 : i32
        %dma_wait3A_1528 = tpu.memref_slice %dma_wait3A_1526[%mul3A_11, %dma_wait3A_1527] : memref<1024x128xf32, #tpu.memory_space<hbm>> -> memref<128x128xf32, #tpu.memory_space<hbm>>
        tpu.wait_dma2 semaphore(%arg24 : memref<!tpu.dma_semaphore, #tpu.memory_space<semaphore_mem>>) src(%arg11 : memref<128x128xf32, #tpu.memory_space<vmem>>) dst(%dma_wait3A_1528 : memref<128x128xf32, #tpu.memory_space<hbm>>)
      } else {
      }
      %add3A_1319 = arith.constant 3 : i32
      %add3A_1320 = arith.addi %add3A_1303, %add3A_1319 : i32
      %lt3A_1321 = arith.constant 50 : i32
      %lt3A_1322 = arith.cmpi slt, %add3A_1320, %lt3A_1321 : i32
      %add3A_1323 = arith.constant 3 : i32
      %add3A_1324 = arith.addi %add3A_1303, %add3A_1323 : i32
      %mul3A_1325 = arith.constant 4 : i32
      %mul3A_1326 = arith.muli %mul3A_1325, %add3A_1324 : i32
      %add3A_1327 = arith.addi %select_n3A_32, %mul3A_1326 : i32
      %lt3A_1328 = arith.constant 199 : i32
      %lt3A_1329 = arith.cmpi slt, %add3A_1327, %lt3A_1328 : i32
      %and3A_1330 = arith.andi %lt3A_1322, %lt3A_1329 : i1
      %convert_element_type3A_1331 = arith.extui %and3A_1330 : i1 to i32
      %cond3A_1332 = arith.constant 0 : i32
      %cond3A_1333 = arith.cmpi ne, %convert_element_type3A_1331, %cond3A_1332 : i32
      scf.if %cond3A_1333 {
        %add3A_1510 = arith.constant 3 : i32
        %add3A_1511 = arith.addi %add3A_1303, %add3A_1510 : i32
        %dma_wait3A_1512 = arith.constant 0 : i32
        %dma_wait3A_1513 = arith.constant 0 : i32
        %dma_wait3A_1514 = tpu.memref_slice %arg6[%add3A_1511, %dma_wait3A_1513] : memref<50x128xi32, #tpu.memory_space<vmem>> -> memref<1x128xi32, #tpu.memory_space<vmem>>
        %dma_wait3A_1515 = tpu.memref_squeeze %dma_wait3A_1514 : memref<1x128xi32, #tpu.memory_space<vmem>> -> memref<128xi32, #tpu.memory_space<vmem>>
        %dma_wait3A_1516 = arith.constant 0 : i32
        %dma_wait3A_1517 = tpu.memref_slice %arg2[%dma_wait3A_1512, %dma_wait3A_1516] : memref<200x1024xi32, #tpu.memory_space<hbm>> -> memref<1x1024xi32, #tpu.memory_space<hbm>>
        %dma_wait3A_1518 = tpu.memref_squeeze %dma_wait3A_1517 : memref<1x1024xi32, #tpu.memory_space<hbm>> -> memref<1024xi32, #tpu.memory_space<hbm>>
        %dma_wait3A_1519 = tpu.memref_slice %dma_wait3A_1518[%mul3A_11] : memref<1024xi32, #tpu.memory_space<hbm>> -> memref<128xi32, #tpu.memory_space<hbm>>
        %dma_wait3A_1520 = arith.constant 0 : i32
        %dma_wait3A_1521 = tpu.memref_slice %arg6[%add3A_1511, %dma_wait3A_1520] : memref<50x128xi32, #tpu.memory_space<vmem>> -> memref<1x128xi32, #tpu.memory_space<vmem>>
        %dma_wait3A_1522 = tpu.memref_squeeze %dma_wait3A_1521 : memref<1x128xi32, #tpu.memory_space<vmem>> -> memref<128xi32, #tpu.memory_space<vmem>>
        %dma_wait3A_1523 = arith.constant 0 : i32
        %dma_wait3A_1524 = tpu.memref_slice %arg2[%dma_wait3A_1512, %dma_wait3A_1523] : memref<200x1024xi32, #tpu.memory_space<hbm>> -> memref<1x1024xi32, #tpu.memory_space<hbm>>
        %dma_wait3A_1525 = tpu.memref_squeeze %dma_wait3A_1524 : memref<1x1024xi32, #tpu.memory_space<hbm>> -> memref<1024xi32, #tpu.memory_space<hbm>>
        %dma_wait3A_1526 = tpu.memref_slice %dma_wait3A_1525[%mul3A_11] : memref<1024xi32, #tpu.memory_space<hbm>> -> memref<128xi32, #tpu.memory_space<hbm>>
        tpu.wait_dma2 semaphore(%arg13 : memref<!tpu.dma_semaphore, #tpu.memory_space<semaphore_mem>>) src(%dma_wait3A_1526 : memref<128xi32, #tpu.memory_space<hbm>>) dst(%dma_wait3A_1522 : memref<128xi32, #tpu.memory_space<vmem>>)
        %dma_start3A_1527 = arith.constant 0 : i32
        %dma_start3A_1528 = tpu.memref_slice %arg6[%add3A_1511, %dma_start3A_1527] : memref<50x128xi32, #tpu.memory_space<vmem>> -> memref<1x128xi32, #tpu.memory_space<vmem>>
        %dma_start3A_1529 = tpu.memref_squeeze %dma_start3A_1528 : memref<1x128xi32, #tpu.memory_space<vmem>> -> memref<128xi32, #tpu.memory_space<vmem>>
        %dma_start3A_1530 = arith.constant 0 : i32
        %dma_start3A_1531 = arith.constant 0 : i32
        %dma_start3A_1532 = tpu.memref_slice %arg3[%dma_start3A_1530, %dma_start3A_1531] : memref<100000x128xf32, #tpu.memory_space<hbm>> -> memref<100000x128xf32, #tpu.memory_space<hbm>>
        tpu.enqueue_indirect_dma source(%dma_start3A_1532 : memref<100000x128xf32, #tpu.memory_space<hbm>>) target(%arg11 : memref<128x128xf32, #tpu.memory_space<vmem>>) offsets(%dma_start3A_1529 : memref<128xi32, #tpu.memory_space<vmem>>) semaphore(%arg18 : memref<!tpu.dma_semaphore, #tpu.memory_space<semaphore_mem>>)
      } else {
      }
      %mul3A_1334 = arith.constant 4 : i32
      %mul3A_1335 = arith.muli %mul3A_1334, %add3A_1303 : i32
      %add3A_1336 = arith.addi %select_n3A_32, %mul3A_1335 : i32
      %lt3A_1337 = arith.constant 199 : i32
      %lt3A_1338 = arith.cmpi slt, %add3A_1336, %lt3A_1337 : i32
      %convert_element_type3A_1339 = arith.extui %lt3A_1338 : i1 to i32
      %cond3A_1340 = arith.constant 0 : i32
      %cond3A_1341 = arith.cmpi ne, %convert_element_type3A_1339, %cond3A_1340 : i32
      scf.if %cond3A_1341 {
        %dma_wait3A_1510 = arith.constant 0 : i32
        %dma_wait3A_1511 = tpu.memref_slice %arg6[%add3A_1303, %dma_wait3A_1510] : memref<50x128xi32, #tpu.memory_space<vmem>> -> memref<1x128xi32, #tpu.memory_space<vmem>>
        %dma_wait3A_1512 = tpu.memref_squeeze %dma_wait3A_1511 : memref<1x128xi32, #tpu.memory_space<vmem>> -> memref<128xi32, #tpu.memory_space<vmem>>
        %dma_wait3A_1513 = arith.constant 0 : i32
        %dma_wait3A_1514 = arith.constant 0 : i32
        %dma_wait3A_1515 = tpu.memref_slice %arg3[%dma_wait3A_1513, %dma_wait3A_1514] : memref<100000x128xf32, #tpu.memory_space<hbm>> -> memref<100000x128xf32, #tpu.memory_space<hbm>>
        tpu.wait_indirect_dma semaphore(%arg15 : memref<!tpu.dma_semaphore, #tpu.memory_space<semaphore_mem>>) src(%dma_wait3A_1515 : memref<100000x128xf32, #tpu.memory_space<hbm>>) dst(%arg8 : memref<128x128xf32, #tpu.memory_space<vmem>>)
        %mul3A_1516 = arith.constant 4 : i32
        %mul3A_1517 = arith.muli %mul3A_1516, %add3A_1303 : i32
        %add3A_1518 = arith.addi %select_n3A_32, %mul3A_1517 : i32
        %add3A_1519 = arith.constant 23 : i32
        %add3A_1520 = arith.addi %add3A_1519, %add3A_1518 : i32
        %dma_start3A_1521 = arith.constant 0 : i32
        %dma_start3A_1522 = arith.constant 0 : i32
        %dma_start3A_1523 = tpu.memref_slice %arg5[%add3A_1520, %dma_start3A_1521, %dma_start3A_1522] : memref<222x1024x128xf32, #tpu.memory_space<hbm>> -> memref<1x1024x128xf32, #tpu.memory_space<hbm>>
        %dma_start3A_1524 = tpu.memref_squeeze %dma_start3A_1523 : memref<1x1024x128xf32, #tpu.memory_space<hbm>> -> memref<1024x128xf32, #tpu.memory_space<hbm>>
        %dma_start3A_1525 = arith.constant 0 : i32
        %dma_start3A_1526 = tpu.memref_slice %dma_start3A_1524[%mul3A_11, %dma_start3A_1525] : memref<1024x128xf32, #tpu.memory_space<hbm>> -> memref<128x128xf32, #tpu.memory_space<hbm>>
        %dma_start3A_1527 = arith.constant 0 : i32
        %dma_start3A_1528 = arith.constant 0 : i32
        %dma_start3A_1529 = tpu.memref_slice %arg5[%add3A_1520, %dma_start3A_1527, %dma_start3A_1528] : memref<222x1024x128xf32, #tpu.memory_space<hbm>> -> memref<1x1024x128xf32, #tpu.memory_space<hbm>>
        %dma_start3A_1530 = tpu.memref_squeeze %dma_start3A_1529 : memref<1x1024x128xf32, #tpu.memory_space<hbm>> -> memref<1024x128xf32, #tpu.memory_space<hbm>>
        %dma_start3A_1531 = arith.constant 0 : i32
        %dma_start3A_1532 = tpu.memref_slice %dma_start3A_1530[%mul3A_11, %dma_start3A_1531] : memref<1024x128xf32, #tpu.memory_space<hbm>> -> memref<128x128xf32, #tpu.memory_space<hbm>>
        tpu.enqueue_dma source(%arg8 : memref<128x128xf32, #tpu.memory_space<vmem>>) target(%dma_start3A_1532 : memref<128x128xf32, #tpu.memory_space<hbm>>) target_semaphore(%arg21 : memref<!tpu.dma_semaphore, #tpu.memory_space<semaphore_mem>>)
      } else {
      }
      %mul3A_1342 = arith.constant 6 : i32
      %mul3A_1343 = arith.muli %mul3A_1342, %scan3A_1257 : i32
      %add3A_1344 = arith.constant 2 : i32
      %add3A_1345 = arith.addi %mul3A_1343, %add3A_1344 : i32
      %ge3A_1346 = arith.constant 3 : i32
      %ge3A_1347 = arith.cmpi sge, %add3A_1345, %ge3A_1346 : i32
      %sub3A_1348 = arith.constant 3 : i32
      %sub3A_1349 = arith.subi %add3A_1345, %sub3A_1348 : i32
      %max3A_1350 = arith.constant 0 : i32
      %max3A_1351 = arith.maxsi %sub3A_1349, %max3A_1350 : i32
      %mul3A_1352 = arith.constant 4 : i32
      %mul3A_1353 = arith.muli %mul3A_1352, %max3A_1351 : i32
      %add3A_1354 = arith.addi %select_n3A_32, %mul3A_1353 : i32
      %lt3A_1355 = arith.constant 199 : i32
      %lt3A_1356 = arith.cmpi slt, %add3A_1354, %lt3A_1355 : i32
      %and3A_1357 = arith.andi %ge3A_1347, %lt3A_1356 : i1
      %convert_element_type3A_1358 = arith.extui %and3A_1357 : i1 to i32
      %cond3A_1359 = arith.constant 0 : i32
      %cond3A_1360 = arith.cmpi ne, %convert_element_type3A_1358, %cond3A_1359 : i32
      scf.if %cond3A_1360 {
        %sub3A_1510 = arith.constant 3 : i32
        %sub3A_1511 = arith.subi %add3A_1345, %sub3A_1510 : i32
        %mul3A_1512 = arith.constant 4 : i32
        %mul3A_1513 = arith.muli %mul3A_1512, %sub3A_1511 : i32
        %add3A_1514 = arith.addi %select_n3A_32, %mul3A_1513 : i32
        %add3A_1515 = arith.constant 23 : i32
        %add3A_1516 = arith.addi %add3A_1515, %add3A_1514 : i32
        %dma_wait3A_1517 = arith.constant 0 : i32
        %dma_wait3A_1518 = arith.constant 0 : i32
        %dma_wait3A_1519 = tpu.memref_slice %arg5[%add3A_1516, %dma_wait3A_1517, %dma_wait3A_1518] : memref<222x1024x128xf32, #tpu.memory_space<hbm>> -> memref<1x1024x128xf32, #tpu.memory_space<hbm>>
        %dma_wait3A_1520 = tpu.memref_squeeze %dma_wait3A_1519 : memref<1x1024x128xf32, #tpu.memory_space<hbm>> -> memref<1024x128xf32, #tpu.memory_space<hbm>>
        %dma_wait3A_1521 = arith.constant 0 : i32
        %dma_wait3A_1522 = tpu.memref_slice %dma_wait3A_1520[%mul3A_11, %dma_wait3A_1521] : memref<1024x128xf32, #tpu.memory_space<hbm>> -> memref<128x128xf32, #tpu.memory_space<hbm>>
        %dma_wait3A_1523 = arith.constant 0 : i32
        %dma_wait3A_1524 = arith.constant 0 : i32
        %dma_wait3A_1525 = tpu.memref_slice %arg5[%add3A_1516, %dma_wait3A_1523, %dma_wait3A_1524] : memref<222x1024x128xf32, #tpu.memory_space<hbm>> -> memref<1x1024x128xf32, #tpu.memory_space<hbm>>
        %dma_wait3A_1526 = tpu.memref_squeeze %dma_wait3A_1525 : memref<1x1024x128xf32, #tpu.memory_space<hbm>> -> memref<1024x128xf32, #tpu.memory_space<hbm>>
        %dma_wait3A_1527 = arith.constant 0 : i32
        %dma_wait3A_1528 = tpu.memref_slice %dma_wait3A_1526[%mul3A_11, %dma_wait3A_1527] : memref<1024x128xf32, #tpu.memory_space<hbm>> -> memref<128x128xf32, #tpu.memory_space<hbm>>
        tpu.wait_dma2 semaphore(%arg25 : memref<!tpu.dma_semaphore, #tpu.memory_space<semaphore_mem>>) src(%arg12 : memref<128x128xf32, #tpu.memory_space<vmem>>) dst(%dma_wait3A_1528 : memref<128x128xf32, #tpu.memory_space<hbm>>)
      } else {
      }
      %add3A_1361 = arith.constant 3 : i32
      %add3A_1362 = arith.addi %add3A_1345, %add3A_1361 : i32
      %lt3A_1363 = arith.constant 50 : i32
      %lt3A_1364 = arith.cmpi slt, %add3A_1362, %lt3A_1363 : i32
      %add3A_1365 = arith.constant 3 : i32
      %add3A_1366 = arith.addi %add3A_1345, %add3A_1365 : i32
      %mul3A_1367 = arith.constant 4 : i32
      %mul3A_1368 = arith.muli %mul3A_1367, %add3A_1366 : i32
      %add3A_1369 = arith.addi %select_n3A_32, %mul3A_1368 : i32
      %lt3A_1370 = arith.constant 199 : i32
      %lt3A_1371 = arith.cmpi slt, %add3A_1369, %lt3A_1370 : i32
      %and3A_1372 = arith.andi %lt3A_1364, %lt3A_1371 : i1
      %convert_element_type3A_1373 = arith.extui %and3A_1372 : i1 to i32
      %cond3A_1374 = arith.constant 0 : i32
      %cond3A_1375 = arith.cmpi ne, %convert_element_type3A_1373, %cond3A_1374 : i32
      scf.if %cond3A_1375 {
        %add3A_1510 = arith.constant 3 : i32
        %add3A_1511 = arith.addi %add3A_1345, %add3A_1510 : i32
        %dma_wait3A_1512 = arith.constant 0 : i32
        %dma_wait3A_1513 = arith.constant 0 : i32
        %dma_wait3A_1514 = tpu.memref_slice %arg6[%add3A_1511, %dma_wait3A_1513] : memref<50x128xi32, #tpu.memory_space<vmem>> -> memref<1x128xi32, #tpu.memory_space<vmem>>
        %dma_wait3A_1515 = tpu.memref_squeeze %dma_wait3A_1514 : memref<1x128xi32, #tpu.memory_space<vmem>> -> memref<128xi32, #tpu.memory_space<vmem>>
        %dma_wait3A_1516 = arith.constant 0 : i32
        %dma_wait3A_1517 = tpu.memref_slice %arg2[%dma_wait3A_1512, %dma_wait3A_1516] : memref<200x1024xi32, #tpu.memory_space<hbm>> -> memref<1x1024xi32, #tpu.memory_space<hbm>>
        %dma_wait3A_1518 = tpu.memref_squeeze %dma_wait3A_1517 : memref<1x1024xi32, #tpu.memory_space<hbm>> -> memref<1024xi32, #tpu.memory_space<hbm>>
        %dma_wait3A_1519 = tpu.memref_slice %dma_wait3A_1518[%mul3A_11] : memref<1024xi32, #tpu.memory_space<hbm>> -> memref<128xi32, #tpu.memory_space<hbm>>
        %dma_wait3A_1520 = arith.constant 0 : i32
        %dma_wait3A_1521 = tpu.memref_slice %arg6[%add3A_1511, %dma_wait3A_1520] : memref<50x128xi32, #tpu.memory_space<vmem>> -> memref<1x128xi32, #tpu.memory_space<vmem>>
        %dma_wait3A_1522 = tpu.memref_squeeze %dma_wait3A_1521 : memref<1x128xi32, #tpu.memory_space<vmem>> -> memref<128xi32, #tpu.memory_space<vmem>>
        %dma_wait3A_1523 = arith.constant 0 : i32
        %dma_wait3A_1524 = tpu.memref_slice %arg2[%dma_wait3A_1512, %dma_wait3A_1523] : memref<200x1024xi32, #tpu.memory_space<hbm>> -> memref<1x1024xi32, #tpu.memory_space<hbm>>
        %dma_wait3A_1525 = tpu.memref_squeeze %dma_wait3A_1524 : memref<1x1024xi32, #tpu.memory_space<hbm>> -> memref<1024xi32, #tpu.memory_space<hbm>>
        %dma_wait3A_1526 = tpu.memref_slice %dma_wait3A_1525[%mul3A_11] : memref<1024xi32, #tpu.memory_space<hbm>> -> memref<128xi32, #tpu.memory_space<hbm>>
        tpu.wait_dma2 semaphore(%arg13 : memref<!tpu.dma_semaphore, #tpu.memory_space<semaphore_mem>>) src(%dma_wait3A_1526 : memref<128xi32, #tpu.memory_space<hbm>>) dst(%dma_wait3A_1522 : memref<128xi32, #tpu.memory_space<vmem>>)
        %dma_start3A_1527 = arith.constant 0 : i32
        %dma_start3A_1528 = tpu.memref_slice %arg6[%add3A_1511, %dma_start3A_1527] : memref<50x128xi32, #tpu.memory_space<vmem>> -> memref<1x128xi32, #tpu.memory_space<vmem>>
        %dma_start3A_1529 = tpu.memref_squeeze %dma_start3A_1528 : memref<1x128xi32, #tpu.memory_space<vmem>> -> memref<128xi32, #tpu.memory_space<vmem>>
        %dma_start3A_1530 = arith.constant 0 : i32
        %dma_start3A_1531 = arith.constant 0 : i32
        %dma_start3A_1532 = tpu.memref_slice %arg3[%dma_start3A_1530, %dma_start3A_1531] : memref<100000x128xf32, #tpu.memory_space<hbm>> -> memref<100000x128xf32, #tpu.memory_space<hbm>>
        tpu.enqueue_indirect_dma source(%dma_start3A_1532 : memref<100000x128xf32, #tpu.memory_space<hbm>>) target(%arg12 : memref<128x128xf32, #tpu.memory_space<vmem>>) offsets(%dma_start3A_1529 : memref<128xi32, #tpu.memory_space<vmem>>) semaphore(%arg19 : memref<!tpu.dma_semaphore, #tpu.memory_space<semaphore_mem>>)
      } else {
      }
      %mul3A_1376 = arith.constant 4 : i32
      %mul3A_1377 = arith.muli %mul3A_1376, %add3A_1345 : i32
      %add3A_1378 = arith.addi %select_n3A_32, %mul3A_1377 : i32
      %lt3A_1379 = arith.constant 199 : i32
      %lt3A_1380 = arith.cmpi slt, %add3A_1378, %lt3A_1379 : i32
      %convert_element_type3A_1381 = arith.extui %lt3A_1380 : i1 to i32
      %cond3A_1382 = arith.constant 0 : i32
      %cond3A_1383 = arith.cmpi ne, %convert_element_type3A_1381, %cond3A_1382 : i32
      scf.if %cond3A_1383 {
        %dma_wait3A_1510 = arith.constant 0 : i32
        %dma_wait3A_1511 = tpu.memref_slice %arg6[%add3A_1345, %dma_wait3A_1510] : memref<50x128xi32, #tpu.memory_space<vmem>> -> memref<1x128xi32, #tpu.memory_space<vmem>>
        %dma_wait3A_1512 = tpu.memref_squeeze %dma_wait3A_1511 : memref<1x128xi32, #tpu.memory_space<vmem>> -> memref<128xi32, #tpu.memory_space<vmem>>
        %dma_wait3A_1513 = arith.constant 0 : i32
        %dma_wait3A_1514 = arith.constant 0 : i32
        %dma_wait3A_1515 = tpu.memref_slice %arg3[%dma_wait3A_1513, %dma_wait3A_1514] : memref<100000x128xf32, #tpu.memory_space<hbm>> -> memref<100000x128xf32, #tpu.memory_space<hbm>>
        tpu.wait_indirect_dma semaphore(%arg16 : memref<!tpu.dma_semaphore, #tpu.memory_space<semaphore_mem>>) src(%dma_wait3A_1515 : memref<100000x128xf32, #tpu.memory_space<hbm>>) dst(%arg9 : memref<128x128xf32, #tpu.memory_space<vmem>>)
        %mul3A_1516 = arith.constant 4 : i32
        %mul3A_1517 = arith.muli %mul3A_1516, %add3A_1345 : i32
        %add3A_1518 = arith.addi %select_n3A_32, %mul3A_1517 : i32
        %add3A_1519 = arith.constant 23 : i32
        %add3A_1520 = arith.addi %add3A_1519, %add3A_1518 : i32
        %dma_start3A_1521 = arith.constant 0 : i32
        %dma_start3A_1522 = arith.constant 0 : i32
        %dma_start3A_1523 = tpu.memref_slice %arg5[%add3A_1520, %dma_start3A_1521, %dma_start3A_1522] : memref<222x1024x128xf32, #tpu.memory_space<hbm>> -> memref<1x1024x128xf32, #tpu.memory_space<hbm>>
        %dma_start3A_1524 = tpu.memref_squeeze %dma_start3A_1523 : memref<1x1024x128xf32, #tpu.memory_space<hbm>> -> memref<1024x128xf32, #tpu.memory_space<hbm>>
        %dma_start3A_1525 = arith.constant 0 : i32
        %dma_start3A_1526 = tpu.memref_slice %dma_start3A_1524[%mul3A_11, %dma_start3A_1525] : memref<1024x128xf32, #tpu.memory_space<hbm>> -> memref<128x128xf32, #tpu.memory_space<hbm>>
        %dma_start3A_1527 = arith.constant 0 : i32
        %dma_start3A_1528 = arith.constant 0 : i32
        %dma_start3A_1529 = tpu.memref_slice %arg5[%add3A_1520, %dma_start3A_1527, %dma_start3A_1528] : memref<222x1024x128xf32, #tpu.memory_space<hbm>> -> memref<1x1024x128xf32, #tpu.memory_space<hbm>>
        %dma_start3A_1530 = tpu.memref_squeeze %dma_start3A_1529 : memref<1x1024x128xf32, #tpu.memory_space<hbm>> -> memref<1024x128xf32, #tpu.memory_space<hbm>>
        %dma_start3A_1531 = arith.constant 0 : i32
        %dma_start3A_1532 = tpu.memref_slice %dma_start3A_1530[%mul3A_11, %dma_start3A_1531] : memref<1024x128xf32, #tpu.memory_space<hbm>> -> memref<128x128xf32, #tpu.memory_space<hbm>>
        tpu.enqueue_dma source(%arg9 : memref<128x128xf32, #tpu.memory_space<vmem>>) target(%dma_start3A_1532 : memref<128x128xf32, #tpu.memory_space<hbm>>) target_semaphore(%arg22 : memref<!tpu.dma_semaphore, #tpu.memory_space<semaphore_mem>>)
      } else {
      }
      %mul3A_1384 = arith.constant 6 : i32
      %mul3A_1385 = arith.muli %mul3A_1384, %scan3A_1257 : i32
      %add3A_1386 = arith.constant 3 : i32
      %add3A_1387 = arith.addi %mul3A_1385, %add3A_1386 : i32
      %ge3A_1388 = arith.constant 3 : i32
      %ge3A_1389 = arith.cmpi sge, %add3A_1387, %ge3A_1388 : i32
      %sub3A_1390 = arith.constant 3 : i32
      %sub3A_1391 = arith.subi %add3A_1387, %sub3A_1390 : i32
      %max3A_1392 = arith.constant 0 : i32
      %max3A_1393 = arith.maxsi %sub3A_1391, %max3A_1392 : i32
      %mul3A_1394 = arith.constant 4 : i32
      %mul3A_1395 = arith.muli %mul3A_1394, %max3A_1393 : i32
      %add3A_1396 = arith.addi %select_n3A_32, %mul3A_1395 : i32
      %lt3A_1397 = arith.constant 199 : i32
      %lt3A_1398 = arith.cmpi slt, %add3A_1396, %lt3A_1397 : i32
      %and3A_1399 = arith.andi %ge3A_1389, %lt3A_1398 : i1
      %convert_element_type3A_1400 = arith.extui %and3A_1399 : i1 to i32
      %cond3A_1401 = arith.constant 0 : i32
      %cond3A_1402 = arith.cmpi ne, %convert_element_type3A_1400, %cond3A_1401 : i32
      scf.if %cond3A_1402 {
        %sub3A_1510 = arith.constant 3 : i32
        %sub3A_1511 = arith.subi %add3A_1387, %sub3A_1510 : i32
        %mul3A_1512 = arith.constant 4 : i32
        %mul3A_1513 = arith.muli %mul3A_1512, %sub3A_1511 : i32
        %add3A_1514 = arith.addi %select_n3A_32, %mul3A_1513 : i32
        %add3A_1515 = arith.constant 23 : i32
        %add3A_1516 = arith.addi %add3A_1515, %add3A_1514 : i32
        %dma_wait3A_1517 = arith.constant 0 : i32
        %dma_wait3A_1518 = arith.constant 0 : i32
        %dma_wait3A_1519 = tpu.memref_slice %arg5[%add3A_1516, %dma_wait3A_1517, %dma_wait3A_1518] : memref<222x1024x128xf32, #tpu.memory_space<hbm>> -> memref<1x1024x128xf32, #tpu.memory_space<hbm>>
        %dma_wait3A_1520 = tpu.memref_squeeze %dma_wait3A_1519 : memref<1x1024x128xf32, #tpu.memory_space<hbm>> -> memref<1024x128xf32, #tpu.memory_space<hbm>>
        %dma_wait3A_1521 = arith.constant 0 : i32
        %dma_wait3A_1522 = tpu.memref_slice %dma_wait3A_1520[%mul3A_11, %dma_wait3A_1521] : memref<1024x128xf32, #tpu.memory_space<hbm>> -> memref<128x128xf32, #tpu.memory_space<hbm>>
        %dma_wait3A_1523 = arith.constant 0 : i32
        %dma_wait3A_1524 = arith.constant 0 : i32
        %dma_wait3A_1525 = tpu.memref_slice %arg5[%add3A_1516, %dma_wait3A_1523, %dma_wait3A_1524] : memref<222x1024x128xf32, #tpu.memory_space<hbm>> -> memref<1x1024x128xf32, #tpu.memory_space<hbm>>
        %dma_wait3A_1526 = tpu.memref_squeeze %dma_wait3A_1525 : memref<1x1024x128xf32, #tpu.memory_space<hbm>> -> memref<1024x128xf32, #tpu.memory_space<hbm>>
        %dma_wait3A_1527 = arith.constant 0 : i32
        %dma_wait3A_1528 = tpu.memref_slice %dma_wait3A_1526[%mul3A_11, %dma_wait3A_1527] : memref<1024x128xf32, #tpu.memory_space<hbm>> -> memref<128x128xf32, #tpu.memory_space<hbm>>
        tpu.wait_dma2 semaphore(%arg20 : memref<!tpu.dma_semaphore, #tpu.memory_space<semaphore_mem>>) src(%arg7 : memref<128x128xf32, #tpu.memory_space<vmem>>) dst(%dma_wait3A_1528 : memref<128x128xf32, #tpu.memory_space<hbm>>)
      } else {
      }
      %add3A_1403 = arith.constant 3 : i32
      %add3A_1404 = arith.addi %add3A_1387, %add3A_1403 : i32
      %lt3A_1405 = arith.constant 50 : i32
      %lt3A_1406 = arith.cmpi slt, %add3A_1404, %lt3A_1405 : i32
      %add3A_1407 = arith.constant 3 : i32
      %add3A_1408 = arith.addi %add3A_1387, %add3A_1407 : i32
      %mul3A_1409 = arith.constant 4 : i32
      %mul3A_1410 = arith.muli %mul3A_1409, %add3A_1408 : i32
      %add3A_1411 = arith.addi %select_n3A_32, %mul3A_1410 : i32
      %lt3A_1412 = arith.constant 199 : i32
      %lt3A_1413 = arith.cmpi slt, %add3A_1411, %lt3A_1412 : i32
      %and3A_1414 = arith.andi %lt3A_1406, %lt3A_1413 : i1
      %convert_element_type3A_1415 = arith.extui %and3A_1414 : i1 to i32
      %cond3A_1416 = arith.constant 0 : i32
      %cond3A_1417 = arith.cmpi ne, %convert_element_type3A_1415, %cond3A_1416 : i32
      scf.if %cond3A_1417 {
        %add3A_1510 = arith.constant 3 : i32
        %add3A_1511 = arith.addi %add3A_1387, %add3A_1510 : i32
        %dma_wait3A_1512 = arith.constant 0 : i32
        %dma_wait3A_1513 = arith.constant 0 : i32
        %dma_wait3A_1514 = tpu.memref_slice %arg6[%add3A_1511, %dma_wait3A_1513] : memref<50x128xi32, #tpu.memory_space<vmem>> -> memref<1x128xi32, #tpu.memory_space<vmem>>
        %dma_wait3A_1515 = tpu.memref_squeeze %dma_wait3A_1514 : memref<1x128xi32, #tpu.memory_space<vmem>> -> memref<128xi32, #tpu.memory_space<vmem>>
        %dma_wait3A_1516 = arith.constant 0 : i32
        %dma_wait3A_1517 = tpu.memref_slice %arg2[%dma_wait3A_1512, %dma_wait3A_1516] : memref<200x1024xi32, #tpu.memory_space<hbm>> -> memref<1x1024xi32, #tpu.memory_space<hbm>>
        %dma_wait3A_1518 = tpu.memref_squeeze %dma_wait3A_1517 : memref<1x1024xi32, #tpu.memory_space<hbm>> -> memref<1024xi32, #tpu.memory_space<hbm>>
        %dma_wait3A_1519 = tpu.memref_slice %dma_wait3A_1518[%mul3A_11] : memref<1024xi32, #tpu.memory_space<hbm>> -> memref<128xi32, #tpu.memory_space<hbm>>
        %dma_wait3A_1520 = arith.constant 0 : i32
        %dma_wait3A_1521 = tpu.memref_slice %arg6[%add3A_1511, %dma_wait3A_1520] : memref<50x128xi32, #tpu.memory_space<vmem>> -> memref<1x128xi32, #tpu.memory_space<vmem>>
        %dma_wait3A_1522 = tpu.memref_squeeze %dma_wait3A_1521 : memref<1x128xi32, #tpu.memory_space<vmem>> -> memref<128xi32, #tpu.memory_space<vmem>>
        %dma_wait3A_1523 = arith.constant 0 : i32
        %dma_wait3A_1524 = tpu.memref_slice %arg2[%dma_wait3A_1512, %dma_wait3A_1523] : memref<200x1024xi32, #tpu.memory_space<hbm>> -> memref<1x1024xi32, #tpu.memory_space<hbm>>
        %dma_wait3A_1525 = tpu.memref_squeeze %dma_wait3A_1524 : memref<1x1024xi32, #tpu.memory_space<hbm>> -> memref<1024xi32, #tpu.memory_space<hbm>>
        %dma_wait3A_1526 = tpu.memref_slice %dma_wait3A_1525[%mul3A_11] : memref<1024xi32, #tpu.memory_space<hbm>> -> memref<128xi32, #tpu.memory_space<hbm>>
        tpu.wait_dma2 semaphore(%arg13 : memref<!tpu.dma_semaphore, #tpu.memory_space<semaphore_mem>>) src(%dma_wait3A_1526 : memref<128xi32, #tpu.memory_space<hbm>>) dst(%dma_wait3A_1522 : memref<128xi32, #tpu.memory_space<vmem>>)
        %dma_start3A_1527 = arith.constant 0 : i32
        %dma_start3A_1528 = tpu.memref_slice %arg6[%add3A_1511, %dma_start3A_1527] : memref<50x128xi32, #tpu.memory_space<vmem>> -> memref<1x128xi32, #tpu.memory_space<vmem>>
        %dma_start3A_1529 = tpu.memref_squeeze %dma_start3A_1528 : memref<1x128xi32, #tpu.memory_space<vmem>> -> memref<128xi32, #tpu.memory_space<vmem>>
        %dma_start3A_1530 = arith.constant 0 : i32
        %dma_start3A_1531 = arith.constant 0 : i32
        %dma_start3A_1532 = tpu.memref_slice %arg3[%dma_start3A_1530, %dma_start3A_1531] : memref<100000x128xf32, #tpu.memory_space<hbm>> -> memref<100000x128xf32, #tpu.memory_space<hbm>>
        tpu.enqueue_indirect_dma source(%dma_start3A_1532 : memref<100000x128xf32, #tpu.memory_space<hbm>>) target(%arg7 : memref<128x128xf32, #tpu.memory_space<vmem>>) offsets(%dma_start3A_1529 : memref<128xi32, #tpu.memory_space<vmem>>) semaphore(%arg14 : memref<!tpu.dma_semaphore, #tpu.memory_space<semaphore_mem>>)
      } else {
      }
      %mul3A_1418 = arith.constant 4 : i32
      %mul3A_1419 = arith.muli %mul3A_1418, %add3A_1387 : i32
      %add3A_1420 = arith.addi %select_n3A_32, %mul3A_1419 : i32
      %lt3A_1421 = arith.constant 199 : i32
      %lt3A_1422 = arith.cmpi slt, %add3A_1420, %lt3A_1421 : i32
      %convert_element_type3A_1423 = arith.extui %lt3A_1422 : i1 to i32
      %cond3A_1424 = arith.constant 0 : i32
      %cond3A_1425 = arith.cmpi ne, %convert_element_type3A_1423, %cond3A_1424 : i32
      scf.if %cond3A_1425 {
        %dma_wait3A_1510 = arith.constant 0 : i32
        %dma_wait3A_1511 = tpu.memref_slice %arg6[%add3A_1387, %dma_wait3A_1510] : memref<50x128xi32, #tpu.memory_space<vmem>> -> memref<1x128xi32, #tpu.memory_space<vmem>>
        %dma_wait3A_1512 = tpu.memref_squeeze %dma_wait3A_1511 : memref<1x128xi32, #tpu.memory_space<vmem>> -> memref<128xi32, #tpu.memory_space<vmem>>
        %dma_wait3A_1513 = arith.constant 0 : i32
        %dma_wait3A_1514 = arith.constant 0 : i32
        %dma_wait3A_1515 = tpu.memref_slice %arg3[%dma_wait3A_1513, %dma_wait3A_1514] : memref<100000x128xf32, #tpu.memory_space<hbm>> -> memref<100000x128xf32, #tpu.memory_space<hbm>>
        tpu.wait_indirect_dma semaphore(%arg17 : memref<!tpu.dma_semaphore, #tpu.memory_space<semaphore_mem>>) src(%dma_wait3A_1515 : memref<100000x128xf32, #tpu.memory_space<hbm>>) dst(%arg10 : memref<128x128xf32, #tpu.memory_space<vmem>>)
        %mul3A_1516 = arith.constant 4 : i32
        %mul3A_1517 = arith.muli %mul3A_1516, %add3A_1387 : i32
        %add3A_1518 = arith.addi %select_n3A_32, %mul3A_1517 : i32
        %add3A_1519 = arith.constant 23 : i32
        %add3A_1520 = arith.addi %add3A_1519, %add3A_1518 : i32
        %dma_start3A_1521 = arith.constant 0 : i32
        %dma_start3A_1522 = arith.constant 0 : i32
        %dma_start3A_1523 = tpu.memref_slice %arg5[%add3A_1520, %dma_start3A_1521, %dma_start3A_1522] : memref<222x1024x128xf32, #tpu.memory_space<hbm>> -> memref<1x1024x128xf32, #tpu.memory_space<hbm>>
        %dma_start3A_1524 = tpu.memref_squeeze %dma_start3A_1523 : memref<1x1024x128xf32, #tpu.memory_space<hbm>> -> memref<1024x128xf32, #tpu.memory_space<hbm>>
        %dma_start3A_1525 = arith.constant 0 : i32
        %dma_start3A_1526 = tpu.memref_slice %dma_start3A_1524[%mul3A_11, %dma_start3A_1525] : memref<1024x128xf32, #tpu.memory_space<hbm>> -> memref<128x128xf32, #tpu.memory_space<hbm>>
        %dma_start3A_1527 = arith.constant 0 : i32
        %dma_start3A_1528 = arith.constant 0 : i32
        %dma_start3A_1529 = tpu.memref_slice %arg5[%add3A_1520, %dma_start3A_1527, %dma_start3A_1528] : memref<222x1024x128xf32, #tpu.memory_space<hbm>> -> memref<1x1024x128xf32, #tpu.memory_space<hbm>>
        %dma_start3A_1530 = tpu.memref_squeeze %dma_start3A_1529 : memref<1x1024x128xf32, #tpu.memory_space<hbm>> -> memref<1024x128xf32, #tpu.memory_space<hbm>>
        %dma_start3A_1531 = arith.constant 0 : i32
        %dma_start3A_1532 = tpu.memref_slice %dma_start3A_1530[%mul3A_11, %dma_start3A_1531] : memref<1024x128xf32, #tpu.memory_space<hbm>> -> memref<128x128xf32, #tpu.memory_space<hbm>>
        tpu.enqueue_dma source(%arg10 : memref<128x128xf32, #tpu.memory_space<vmem>>) target(%dma_start3A_1532 : memref<128x128xf32, #tpu.memory_space<hbm>>) target_semaphore(%arg23 : memref<!tpu.dma_semaphore, #tpu.memory_space<semaphore_mem>>)
      } else {
      }
      %mul3A_1426 = arith.constant 6 : i32
      %mul3A_1427 = arith.muli %mul3A_1426, %scan3A_1257 : i32
      %add3A_1428 = arith.constant 4 : i32
      %add3A_1429 = arith.addi %mul3A_1427, %add3A_1428 : i32
      %ge3A_1430 = arith.constant 3 : i32
      %ge3A_1431 = arith.cmpi sge, %add3A_1429, %ge3A_1430 : i32
      %sub3A_1432 = arith.constant 3 : i32
      %sub3A_1433 = arith.subi %add3A_1429, %sub3A_1432 : i32
      %max3A_1434 = arith.constant 0 : i32
      %max3A_1435 = arith.maxsi %sub3A_1433, %max3A_1434 : i32
      %mul3A_1436 = arith.constant 4 : i32
      %mul3A_1437 = arith.muli %mul3A_1436, %max3A_1435 : i32
      %add3A_1438 = arith.addi %select_n3A_32, %mul3A_1437 : i32
      %lt3A_1439 = arith.constant 199 : i32
      %lt3A_1440 = arith.cmpi slt, %add3A_1438, %lt3A_1439 : i32
      %and3A_1441 = arith.andi %ge3A_1431, %lt3A_1440 : i1
      %convert_element_type3A_1442 = arith.extui %and3A_1441 : i1 to i32
      %cond3A_1443 = arith.constant 0 : i32
      %cond3A_1444 = arith.cmpi ne, %convert_element_type3A_1442, %cond3A_1443 : i32
      scf.if %cond3A_1444 {
        %sub3A_1510 = arith.constant 3 : i32
        %sub3A_1511 = arith.subi %add3A_1429, %sub3A_1510 : i32
        %mul3A_1512 = arith.constant 4 : i32
        %mul3A_1513 = arith.muli %mul3A_1512, %sub3A_1511 : i32
        %add3A_1514 = arith.addi %select_n3A_32, %mul3A_1513 : i32
        %add3A_1515 = arith.constant 23 : i32
        %add3A_1516 = arith.addi %add3A_1515, %add3A_1514 : i32
        %dma_wait3A_1517 = arith.constant 0 : i32
        %dma_wait3A_1518 = arith.constant 0 : i32
        %dma_wait3A_1519 = tpu.memref_slice %arg5[%add3A_1516, %dma_wait3A_1517, %dma_wait3A_1518] : memref<222x1024x128xf32, #tpu.memory_space<hbm>> -> memref<1x1024x128xf32, #tpu.memory_space<hbm>>
        %dma_wait3A_1520 = tpu.memref_squeeze %dma_wait3A_1519 : memref<1x1024x128xf32, #tpu.memory_space<hbm>> -> memref<1024x128xf32, #tpu.memory_space<hbm>>
        %dma_wait3A_1521 = arith.constant 0 : i32
        %dma_wait3A_1522 = tpu.memref_slice %dma_wait3A_1520[%mul3A_11, %dma_wait3A_1521] : memref<1024x128xf32, #tpu.memory_space<hbm>> -> memref<128x128xf32, #tpu.memory_space<hbm>>
        %dma_wait3A_1523 = arith.constant 0 : i32
        %dma_wait3A_1524 = arith.constant 0 : i32
        %dma_wait3A_1525 = tpu.memref_slice %arg5[%add3A_1516, %dma_wait3A_1523, %dma_wait3A_1524] : memref<222x1024x128xf32, #tpu.memory_space<hbm>> -> memref<1x1024x128xf32, #tpu.memory_space<hbm>>
        %dma_wait3A_1526 = tpu.memref_squeeze %dma_wait3A_1525 : memref<1x1024x128xf32, #tpu.memory_space<hbm>> -> memref<1024x128xf32, #tpu.memory_space<hbm>>
        %dma_wait3A_1527 = arith.constant 0 : i32
        %dma_wait3A_1528 = tpu.memref_slice %dma_wait3A_1526[%mul3A_11, %dma_wait3A_1527] : memref<1024x128xf32, #tpu.memory_space<hbm>> -> memref<128x128xf32, #tpu.memory_space<hbm>>
        tpu.wait_dma2 semaphore(%arg21 : memref<!tpu.dma_semaphore, #tpu.memory_space<semaphore_mem>>) src(%arg8 : memref<128x128xf32, #tpu.memory_space<vmem>>) dst(%dma_wait3A_1528 : memref<128x128xf32, #tpu.memory_space<hbm>>)
      } else {
      }
      %add3A_1445 = arith.constant 3 : i32
      %add3A_1446 = arith.addi %add3A_1429, %add3A_1445 : i32
      %lt3A_1447 = arith.constant 50 : i32
      %lt3A_1448 = arith.cmpi slt, %add3A_1446, %lt3A_1447 : i32
      %add3A_1449 = arith.constant 3 : i32
      %add3A_1450 = arith.addi %add3A_1429, %add3A_1449 : i32
      %mul3A_1451 = arith.constant 4 : i32
      %mul3A_1452 = arith.muli %mul3A_1451, %add3A_1450 : i32
      %add3A_1453 = arith.addi %select_n3A_32, %mul3A_1452 : i32
      %lt3A_1454 = arith.constant 199 : i32
      %lt3A_1455 = arith.cmpi slt, %add3A_1453, %lt3A_1454 : i32
      %and3A_1456 = arith.andi %lt3A_1448, %lt3A_1455 : i1
      %convert_element_type3A_1457 = arith.extui %and3A_1456 : i1 to i32
      %cond3A_1458 = arith.constant 0 : i32
      %cond3A_1459 = arith.cmpi ne, %convert_element_type3A_1457, %cond3A_1458 : i32
      scf.if %cond3A_1459 {
        %add3A_1510 = arith.constant 3 : i32
        %add3A_1511 = arith.addi %add3A_1429, %add3A_1510 : i32
        %dma_wait3A_1512 = arith.constant 0 : i32
        %dma_wait3A_1513 = arith.constant 0 : i32
        %dma_wait3A_1514 = tpu.memref_slice %arg6[%add3A_1511, %dma_wait3A_1513] : memref<50x128xi32, #tpu.memory_space<vmem>> -> memref<1x128xi32, #tpu.memory_space<vmem>>
        %dma_wait3A_1515 = tpu.memref_squeeze %dma_wait3A_1514 : memref<1x128xi32, #tpu.memory_space<vmem>> -> memref<128xi32, #tpu.memory_space<vmem>>
        %dma_wait3A_1516 = arith.constant 0 : i32
        %dma_wait3A_1517 = tpu.memref_slice %arg2[%dma_wait3A_1512, %dma_wait3A_1516] : memref<200x1024xi32, #tpu.memory_space<hbm>> -> memref<1x1024xi32, #tpu.memory_space<hbm>>
        %dma_wait3A_1518 = tpu.memref_squeeze %dma_wait3A_1517 : memref<1x1024xi32, #tpu.memory_space<hbm>> -> memref<1024xi32, #tpu.memory_space<hbm>>
        %dma_wait3A_1519 = tpu.memref_slice %dma_wait3A_1518[%mul3A_11] : memref<1024xi32, #tpu.memory_space<hbm>> -> memref<128xi32, #tpu.memory_space<hbm>>
        %dma_wait3A_1520 = arith.constant 0 : i32
        %dma_wait3A_1521 = tpu.memref_slice %arg6[%add3A_1511, %dma_wait3A_1520] : memref<50x128xi32, #tpu.memory_space<vmem>> -> memref<1x128xi32, #tpu.memory_space<vmem>>
        %dma_wait3A_1522 = tpu.memref_squeeze %dma_wait3A_1521 : memref<1x128xi32, #tpu.memory_space<vmem>> -> memref<128xi32, #tpu.memory_space<vmem>>
        %dma_wait3A_1523 = arith.constant 0 : i32
        %dma_wait3A_1524 = tpu.memref_slice %arg2[%dma_wait3A_1512, %dma_wait3A_1523] : memref<200x1024xi32, #tpu.memory_space<hbm>> -> memref<1x1024xi32, #tpu.memory_space<hbm>>
        %dma_wait3A_1525 = tpu.memref_squeeze %dma_wait3A_1524 : memref<1x1024xi32, #tpu.memory_space<hbm>> -> memref<1024xi32, #tpu.memory_space<hbm>>
        %dma_wait3A_1526 = tpu.memref_slice %dma_wait3A_1525[%mul3A_11] : memref<1024xi32, #tpu.memory_space<hbm>> -> memref<128xi32, #tpu.memory_space<hbm>>
        tpu.wait_dma2 semaphore(%arg13 : memref<!tpu.dma_semaphore, #tpu.memory_space<semaphore_mem>>) src(%dma_wait3A_1526 : memref<128xi32, #tpu.memory_space<hbm>>) dst(%dma_wait3A_1522 : memref<128xi32, #tpu.memory_space<vmem>>)
        %dma_start3A_1527 = arith.constant 0 : i32
        %dma_start3A_1528 = tpu.memref_slice %arg6[%add3A_1511, %dma_start3A_1527] : memref<50x128xi32, #tpu.memory_space<vmem>> -> memref<1x128xi32, #tpu.memory_space<vmem>>
        %dma_start3A_1529 = tpu.memref_squeeze %dma_start3A_1528 : memref<1x128xi32, #tpu.memory_space<vmem>> -> memref<128xi32, #tpu.memory_space<vmem>>
        %dma_start3A_1530 = arith.constant 0 : i32
        %dma_start3A_1531 = arith.constant 0 : i32
        %dma_start3A_1532 = tpu.memref_slice %arg3[%dma_start3A_1530, %dma_start3A_1531] : memref<100000x128xf32, #tpu.memory_space<hbm>> -> memref<100000x128xf32, #tpu.memory_space<hbm>>
        tpu.enqueue_indirect_dma source(%dma_start3A_1532 : memref<100000x128xf32, #tpu.memory_space<hbm>>) target(%arg8 : memref<128x128xf32, #tpu.memory_space<vmem>>) offsets(%dma_start3A_1529 : memref<128xi32, #tpu.memory_space<vmem>>) semaphore(%arg15 : memref<!tpu.dma_semaphore, #tpu.memory_space<semaphore_mem>>)
      } else {
      }
      %mul3A_1460 = arith.constant 4 : i32
      %mul3A_1461 = arith.muli %mul3A_1460, %add3A_1429 : i32
      %add3A_1462 = arith.addi %select_n3A_32, %mul3A_1461 : i32
      %lt3A_1463 = arith.constant 199 : i32
      %lt3A_1464 = arith.cmpi slt, %add3A_1462, %lt3A_1463 : i32
      %convert_element_type3A_1465 = arith.extui %lt3A_1464 : i1 to i32
      %cond3A_1466 = arith.constant 0 : i32
      %cond3A_1467 = arith.cmpi ne, %convert_element_type3A_1465, %cond3A_1466 : i32
      scf.if %cond3A_1467 {
        %dma_wait3A_1510 = arith.constant 0 : i32
        %dma_wait3A_1511 = tpu.memref_slice %arg6[%add3A_1429, %dma_wait3A_1510] : memref<50x128xi32, #tpu.memory_space<vmem>> -> memref<1x128xi32, #tpu.memory_space<vmem>>
        %dma_wait3A_1512 = tpu.memref_squeeze %dma_wait3A_1511 : memref<1x128xi32, #tpu.memory_space<vmem>> -> memref<128xi32, #tpu.memory_space<vmem>>
        %dma_wait3A_1513 = arith.constant 0 : i32
        %dma_wait3A_1514 = arith.constant 0 : i32
        %dma_wait3A_1515 = tpu.memref_slice %arg3[%dma_wait3A_1513, %dma_wait3A_1514] : memref<100000x128xf32, #tpu.memory_space<hbm>> -> memref<100000x128xf32, #tpu.memory_space<hbm>>
        tpu.wait_indirect_dma semaphore(%arg18 : memref<!tpu.dma_semaphore, #tpu.memory_space<semaphore_mem>>) src(%dma_wait3A_1515 : memref<100000x128xf32, #tpu.memory_space<hbm>>) dst(%arg11 : memref<128x128xf32, #tpu.memory_space<vmem>>)
        %mul3A_1516 = arith.constant 4 : i32
        %mul3A_1517 = arith.muli %mul3A_1516, %add3A_1429 : i32
        %add3A_1518 = arith.addi %select_n3A_32, %mul3A_1517 : i32
        %add3A_1519 = arith.constant 23 : i32
        %add3A_1520 = arith.addi %add3A_1519, %add3A_1518 : i32
        %dma_start3A_1521 = arith.constant 0 : i32
        %dma_start3A_1522 = arith.constant 0 : i32
        %dma_start3A_1523 = tpu.memref_slice %arg5[%add3A_1520, %dma_start3A_1521, %dma_start3A_1522] : memref<222x1024x128xf32, #tpu.memory_space<hbm>> -> memref<1x1024x128xf32, #tpu.memory_space<hbm>>
        %dma_start3A_1524 = tpu.memref_squeeze %dma_start3A_1523 : memref<1x1024x128xf32, #tpu.memory_space<hbm>> -> memref<1024x128xf32, #tpu.memory_space<hbm>>
        %dma_start3A_1525 = arith.constant 0 : i32
        %dma_start3A_1526 = tpu.memref_slice %dma_start3A_1524[%mul3A_11, %dma_start3A_1525] : memref<1024x128xf32, #tpu.memory_space<hbm>> -> memref<128x128xf32, #tpu.memory_space<hbm>>
        %dma_start3A_1527 = arith.constant 0 : i32
        %dma_start3A_1528 = arith.constant 0 : i32
        %dma_start3A_1529 = tpu.memref_slice %arg5[%add3A_1520, %dma_start3A_1527, %dma_start3A_1528] : memref<222x1024x128xf32, #tpu.memory_space<hbm>> -> memref<1x1024x128xf32, #tpu.memory_space<hbm>>
        %dma_start3A_1530 = tpu.memref_squeeze %dma_start3A_1529 : memref<1x1024x128xf32, #tpu.memory_space<hbm>> -> memref<1024x128xf32, #tpu.memory_space<hbm>>
        %dma_start3A_1531 = arith.constant 0 : i32
        %dma_start3A_1532 = tpu.memref_slice %dma_start3A_1530[%mul3A_11, %dma_start3A_1531] : memref<1024x128xf32, #tpu.memory_space<hbm>> -> memref<128x128xf32, #tpu.memory_space<hbm>>
        tpu.enqueue_dma source(%arg11 : memref<128x128xf32, #tpu.memory_space<vmem>>) target(%dma_start3A_1532 : memref<128x128xf32, #tpu.memory_space<hbm>>) target_semaphore(%arg24 : memref<!tpu.dma_semaphore, #tpu.memory_space<semaphore_mem>>)
      } else {
      }
      %mul3A_1468 = arith.constant 6 : i32
      %mul3A_1469 = arith.muli %mul3A_1468, %scan3A_1257 : i32
      %add3A_1470 = arith.constant 5 : i32
      %add3A_1471 = arith.addi %mul3A_1469, %add3A_1470 : i32
      %ge3A_1472 = arith.constant 3 : i32
      %ge3A_1473 = arith.cmpi sge, %add3A_1471, %ge3A_1472 : i32
      %sub3A_1474 = arith.constant 3 : i32
      %sub3A_1475 = arith.subi %add3A_1471, %sub3A_1474 : i32
      %max3A_1476 = arith.constant 0 : i32
      %max3A_1477 = arith.maxsi %sub3A_1475, %max3A_1476 : i32
      %mul3A_1478 = arith.constant 4 : i32
      %mul3A_1479 = arith.muli %mul3A_1478, %max3A_1477 : i32
      %add3A_1480 = arith.addi %select_n3A_32, %mul3A_1479 : i32
      %lt3A_1481 = arith.constant 199 : i32
      %lt3A_1482 = arith.cmpi slt, %add3A_1480, %lt3A_1481 : i32
      %and3A_1483 = arith.andi %ge3A_1473, %lt3A_1482 : i1
      %convert_element_type3A_1484 = arith.extui %and3A_1483 : i1 to i32
      %cond3A_1485 = arith.constant 0 : i32
      %cond3A_1486 = arith.cmpi ne, %convert_element_type3A_1484, %cond3A_1485 : i32
      scf.if %cond3A_1486 {
        %sub3A_1510 = arith.constant 3 : i32
        %sub3A_1511 = arith.subi %add3A_1471, %sub3A_1510 : i32
        %mul3A_1512 = arith.constant 4 : i32
        %mul3A_1513 = arith.muli %mul3A_1512, %sub3A_1511 : i32
        %add3A_1514 = arith.addi %select_n3A_32, %mul3A_1513 : i32
        %add3A_1515 = arith.constant 23 : i32
        %add3A_1516 = arith.addi %add3A_1515, %add3A_1514 : i32
        %dma_wait3A_1517 = arith.constant 0 : i32
        %dma_wait3A_1518 = arith.constant 0 : i32
        %dma_wait3A_1519 = tpu.memref_slice %arg5[%add3A_1516, %dma_wait3A_1517, %dma_wait3A_1518] : memref<222x1024x128xf32, #tpu.memory_space<hbm>> -> memref<1x1024x128xf32, #tpu.memory_space<hbm>>
        %dma_wait3A_1520 = tpu.memref_squeeze %dma_wait3A_1519 : memref<1x1024x128xf32, #tpu.memory_space<hbm>> -> memref<1024x128xf32, #tpu.memory_space<hbm>>
        %dma_wait3A_1521 = arith.constant 0 : i32
        %dma_wait3A_1522 = tpu.memref_slice %dma_wait3A_1520[%mul3A_11, %dma_wait3A_1521] : memref<1024x128xf32, #tpu.memory_space<hbm>> -> memref<128x128xf32, #tpu.memory_space<hbm>>
        %dma_wait3A_1523 = arith.constant 0 : i32
        %dma_wait3A_1524 = arith.constant 0 : i32
        %dma_wait3A_1525 = tpu.memref_slice %arg5[%add3A_1516, %dma_wait3A_1523, %dma_wait3A_1524] : memref<222x1024x128xf32, #tpu.memory_space<hbm>> -> memref<1x1024x128xf32, #tpu.memory_space<hbm>>
        %dma_wait3A_1526 = tpu.memref_squeeze %dma_wait3A_1525 : memref<1x1024x128xf32, #tpu.memory_space<hbm>> -> memref<1024x128xf32, #tpu.memory_space<hbm>>
        %dma_wait3A_1527 = arith.constant 0 : i32
        %dma_wait3A_1528 = tpu.memref_slice %dma_wait3A_1526[%mul3A_11, %dma_wait3A_1527] : memref<1024x128xf32, #tpu.memory_space<hbm>> -> memref<128x128xf32, #tpu.memory_space<hbm>>
        tpu.wait_dma2 semaphore(%arg22 : memref<!tpu.dma_semaphore, #tpu.memory_space<semaphore_mem>>) src(%arg9 : memref<128x128xf32, #tpu.memory_space<vmem>>) dst(%dma_wait3A_1528 : memref<128x128xf32, #tpu.memory_space<hbm>>)
      } else {
      }
      %add3A_1487 = arith.constant 3 : i32
      %add3A_1488 = arith.addi %add3A_1471, %add3A_1487 : i32
      %lt3A_1489 = arith.constant 50 : i32
      %lt3A_1490 = arith.cmpi slt, %add3A_1488, %lt3A_1489 : i32
      %add3A_1491 = arith.constant 3 : i32
      %add3A_1492 = arith.addi %add3A_1471, %add3A_1491 : i32
      %mul3A_1493 = arith.constant 4 : i32
      %mul3A_1494 = arith.muli %mul3A_1493, %add3A_1492 : i32
      %add3A_1495 = arith.addi %select_n3A_32, %mul3A_1494 : i32
      %lt3A_1496 = arith.constant 199 : i32
      %lt3A_1497 = arith.cmpi slt, %add3A_1495, %lt3A_1496 : i32
      %and3A_1498 = arith.andi %lt3A_1490, %lt3A_1497 : i1
      %convert_element_type3A_1499 = arith.extui %and3A_1498 : i1 to i32
      %cond3A_1500 = arith.constant 0 : i32
      %cond3A_1501 = arith.cmpi ne, %convert_element_type3A_1499, %cond3A_1500 : i32
      scf.if %cond3A_1501 {
        %add3A_1510 = arith.constant 3 : i32
        %add3A_1511 = arith.addi %add3A_1471, %add3A_1510 : i32
        %dma_wait3A_1512 = arith.constant 0 : i32
        %dma_wait3A_1513 = arith.constant 0 : i32
        %dma_wait3A_1514 = tpu.memref_slice %arg6[%add3A_1511, %dma_wait3A_1513] : memref<50x128xi32, #tpu.memory_space<vmem>> -> memref<1x128xi32, #tpu.memory_space<vmem>>
        %dma_wait3A_1515 = tpu.memref_squeeze %dma_wait3A_1514 : memref<1x128xi32, #tpu.memory_space<vmem>> -> memref<128xi32, #tpu.memory_space<vmem>>
        %dma_wait3A_1516 = arith.constant 0 : i32
        %dma_wait3A_1517 = tpu.memref_slice %arg2[%dma_wait3A_1512, %dma_wait3A_1516] : memref<200x1024xi32, #tpu.memory_space<hbm>> -> memref<1x1024xi32, #tpu.memory_space<hbm>>
        %dma_wait3A_1518 = tpu.memref_squeeze %dma_wait3A_1517 : memref<1x1024xi32, #tpu.memory_space<hbm>> -> memref<1024xi32, #tpu.memory_space<hbm>>
        %dma_wait3A_1519 = tpu.memref_slice %dma_wait3A_1518[%mul3A_11] : memref<1024xi32, #tpu.memory_space<hbm>> -> memref<128xi32, #tpu.memory_space<hbm>>
        %dma_wait3A_1520 = arith.constant 0 : i32
        %dma_wait3A_1521 = tpu.memref_slice %arg6[%add3A_1511, %dma_wait3A_1520] : memref<50x128xi32, #tpu.memory_space<vmem>> -> memref<1x128xi32, #tpu.memory_space<vmem>>
        %dma_wait3A_1522 = tpu.memref_squeeze %dma_wait3A_1521 : memref<1x128xi32, #tpu.memory_space<vmem>> -> memref<128xi32, #tpu.memory_space<vmem>>
        %dma_wait3A_1523 = arith.constant 0 : i32
        %dma_wait3A_1524 = tpu.memref_slice %arg2[%dma_wait3A_1512, %dma_wait3A_1523] : memref<200x1024xi32, #tpu.memory_space<hbm>> -> memref<1x1024xi32, #tpu.memory_space<hbm>>
        %dma_wait3A_1525 = tpu.memref_squeeze %dma_wait3A_1524 : memref<1x1024xi32, #tpu.memory_space<hbm>> -> memref<1024xi32, #tpu.memory_space<hbm>>
        %dma_wait3A_1526 = tpu.memref_slice %dma_wait3A_1525[%mul3A_11] : memref<1024xi32, #tpu.memory_space<hbm>> -> memref<128xi32, #tpu.memory_space<hbm>>
        tpu.wait_dma2 semaphore(%arg13 : memref<!tpu.dma_semaphore, #tpu.memory_space<semaphore_mem>>) src(%dma_wait3A_1526 : memref<128xi32, #tpu.memory_space<hbm>>) dst(%dma_wait3A_1522 : memref<128xi32, #tpu.memory_space<vmem>>)
        %dma_start3A_1527 = arith.constant 0 : i32
        %dma_start3A_1528 = tpu.memref_slice %arg6[%add3A_1511, %dma_start3A_1527] : memref<50x128xi32, #tpu.memory_space<vmem>> -> memref<1x128xi32, #tpu.memory_space<vmem>>
        %dma_start3A_1529 = tpu.memref_squeeze %dma_start3A_1528 : memref<1x128xi32, #tpu.memory_space<vmem>> -> memref<128xi32, #tpu.memory_space<vmem>>
        %dma_start3A_1530 = arith.constant 0 : i32
        %dma_start3A_1531 = arith.constant 0 : i32
        %dma_start3A_1532 = tpu.memref_slice %arg3[%dma_start3A_1530, %dma_start3A_1531] : memref<100000x128xf32, #tpu.memory_space<hbm>> -> memref<100000x128xf32, #tpu.memory_space<hbm>>
        tpu.enqueue_indirect_dma source(%dma_start3A_1532 : memref<100000x128xf32, #tpu.memory_space<hbm>>) target(%arg9 : memref<128x128xf32, #tpu.memory_space<vmem>>) offsets(%dma_start3A_1529 : memref<128xi32, #tpu.memory_space<vmem>>) semaphore(%arg16 : memref<!tpu.dma_semaphore, #tpu.memory_space<semaphore_mem>>)
      } else {
      }
      %mul3A_1502 = arith.constant 4 : i32
      %mul3A_1503 = arith.muli %mul3A_1502, %add3A_1471 : i32
      %add3A_1504 = arith.addi %select_n3A_32, %mul3A_1503 : i32
      %lt3A_1505 = arith.constant 199 : i32
      %lt3A_1506 = arith.cmpi slt, %add3A_1504, %lt3A_1505 : i32
      %convert_element_type3A_1507 = arith.extui %lt3A_1506 : i1 to i32
      %cond3A_1508 = arith.constant 0 : i32
      %cond3A_1509 = arith.cmpi ne, %convert_element_type3A_1507, %cond3A_1508 : i32
      scf.if %cond3A_1509 {
        %dma_wait3A_1510 = arith.constant 0 : i32
        %dma_wait3A_1511 = tpu.memref_slice %arg6[%add3A_1471, %dma_wait3A_1510] : memref<50x128xi32, #tpu.memory_space<vmem>> -> memref<1x128xi32, #tpu.memory_space<vmem>>
        %dma_wait3A_1512 = tpu.memref_squeeze %dma_wait3A_1511 : memref<1x128xi32, #tpu.memory_space<vmem>> -> memref<128xi32, #tpu.memory_space<vmem>>
        %dma_wait3A_1513 = arith.constant 0 : i32
        %dma_wait3A_1514 = arith.constant 0 : i32
        %dma_wait3A_1515 = tpu.memref_slice %arg3[%dma_wait3A_1513, %dma_wait3A_1514] : memref<100000x128xf32, #tpu.memory_space<hbm>> -> memref<100000x128xf32, #tpu.memory_space<hbm>>
        tpu.wait_indirect_dma semaphore(%arg19 : memref<!tpu.dma_semaphore, #tpu.memory_space<semaphore_mem>>) src(%dma_wait3A_1515 : memref<100000x128xf32, #tpu.memory_space<hbm>>) dst(%arg12 : memref<128x128xf32, #tpu.memory_space<vmem>>)
        %mul3A_1516 = arith.constant 4 : i32
        %mul3A_1517 = arith.muli %mul3A_1516, %add3A_1471 : i32
        %add3A_1518 = arith.addi %select_n3A_32, %mul3A_1517 : i32
        %add3A_1519 = arith.constant 23 : i32
        %add3A_1520 = arith.addi %add3A_1519, %add3A_1518 : i32
        %dma_start3A_1521 = arith.constant 0 : i32
        %dma_start3A_1522 = arith.constant 0 : i32
        %dma_start3A_1523 = tpu.memref_slice %arg5[%add3A_1520, %dma_start3A_1521, %dma_start3A_1522] : memref<222x1024x128xf32, #tpu.memory_space<hbm>> -> memref<1x1024x128xf32, #tpu.memory_space<hbm>>
        %dma_start3A_1524 = tpu.memref_squeeze %dma_start3A_1523 : memref<1x1024x128xf32, #tpu.memory_space<hbm>> -> memref<1024x128xf32, #tpu.memory_space<hbm>>
        %dma_start3A_1525 = arith.constant 0 : i32
        %dma_start3A_1526 = tpu.memref_slice %dma_start3A_1524[%mul3A_11, %dma_start3A_1525] : memref<1024x128xf32, #tpu.memory_space<hbm>> -> memref<128x128xf32, #tpu.memory_space<hbm>>
        %dma_start3A_1527 = arith.constant 0 : i32
        %dma_start3A_1528 = arith.constant 0 : i32
        %dma_start3A_1529 = tpu.memref_slice %arg5[%add3A_1520, %dma_start3A_1527, %dma_start3A_1528] : memref<222x1024x128xf32, #tpu.memory_space<hbm>> -> memref<1x1024x128xf32, #tpu.memory_space<hbm>>
        %dma_start3A_1530 = tpu.memref_squeeze %dma_start3A_1529 : memref<1x1024x128xf32, #tpu.memory_space<hbm>> -> memref<1024x128xf32, #tpu.memory_space<hbm>>
        %dma_start3A_1531 = arith.constant 0 : i32
        %dma_start3A_1532 = tpu.memref_slice %dma_start3A_1530[%mul3A_11, %dma_start3A_1531] : memref<1024x128xf32, #tpu.memory_space<hbm>> -> memref<128x128xf32, #tpu.memory_space<hbm>>
        tpu.enqueue_dma source(%arg12 : memref<128x128xf32, #tpu.memory_space<vmem>>) target(%dma_start3A_1532 : memref<128x128xf32, #tpu.memory_space<hbm>>) target_semaphore(%arg25 : memref<!tpu.dma_semaphore, #tpu.memory_space<semaphore_mem>>)
      } else {
      }
    }
    %scan3A_1252 = arith.constant 9 : i32
    %add3A_1253 = arith.constant 196 : i32
    %add3A_1254 = arith.addi %select_n3A_32, %add3A_1253 : i32
    %ge3A = arith.constant 199 : i32
    %ge3A_1255 = arith.cmpi sge, %add3A_1254, %ge3A : i32
    %convert_element_type3A = arith.extui %ge3A_1255 : i1 to i32
    %cond3A = arith.constant 0 : i32
    %cond3A_1256 = arith.cmpi ne, %convert_element_type3A, %cond3A : i32
    scf.if %cond3A_1256 {
      %dma_wait3A_1257 = arith.constant 0 : i32
      %dma_wait3A_1258 = arith.constant 49 : i32
      %dma_wait3A_1259 = arith.constant 0 : i32
      %dma_wait3A_1260 = tpu.memref_slice %arg6[%dma_wait3A_1258, %dma_wait3A_1259] : memref<50x128xi32, #tpu.memory_space<vmem>> -> memref<1x128xi32, #tpu.memory_space<vmem>>
      %dma_wait3A_1261 = tpu.memref_squeeze %dma_wait3A_1260 : memref<1x128xi32, #tpu.memory_space<vmem>> -> memref<128xi32, #tpu.memory_space<vmem>>
      %dma_wait3A_1262 = arith.constant 0 : i32
      %dma_wait3A_1263 = tpu.memref_slice %arg2[%dma_wait3A_1257, %dma_wait3A_1262] : memref<200x1024xi32, #tpu.memory_space<hbm>> -> memref<1x1024xi32, #tpu.memory_space<hbm>>
      %dma_wait3A_1264 = tpu.memref_squeeze %dma_wait3A_1263 : memref<1x1024xi32, #tpu.memory_space<hbm>> -> memref<1024xi32, #tpu.memory_space<hbm>>
      %dma_wait3A_1265 = tpu.memref_slice %dma_wait3A_1264[%mul3A_11] : memref<1024xi32, #tpu.memory_space<hbm>> -> memref<128xi32, #tpu.memory_space<hbm>>
      %dma_wait3A_1266 = arith.constant 0 : i32
      %dma_wait3A_1267 = tpu.memref_slice %arg6[%dma_wait3A_1258, %dma_wait3A_1266] : memref<50x128xi32, #tpu.memory_space<vmem>> -> memref<1x128xi32, #tpu.memory_space<vmem>>
      %dma_wait3A_1268 = tpu.memref_squeeze %dma_wait3A_1267 : memref<1x128xi32, #tpu.memory_space<vmem>> -> memref<128xi32, #tpu.memory_space<vmem>>
      %dma_wait3A_1269 = arith.constant 0 : i32
      %dma_wait3A_1270 = tpu.memref_slice %arg2[%dma_wait3A_1257, %dma_wait3A_1269] : memref<200x1024xi32, #tpu.memory_space<hbm>> -> memref<1x1024xi32, #tpu.memory_space<hbm>>
      %dma_wait3A_1271 = tpu.memref_squeeze %dma_wait3A_1270 : memref<1x1024xi32, #tpu.memory_space<hbm>> -> memref<1024xi32, #tpu.memory_space<hbm>>
      %dma_wait3A_1272 = tpu.memref_slice %dma_wait3A_1271[%mul3A_11] : memref<1024xi32, #tpu.memory_space<hbm>> -> memref<128xi32, #tpu.memory_space<hbm>>
      tpu.wait_dma2 semaphore(%arg13 : memref<!tpu.dma_semaphore, #tpu.memory_space<semaphore_mem>>) src(%dma_wait3A_1272 : memref<128xi32, #tpu.memory_space<hbm>>) dst(%dma_wait3A_1268 : memref<128xi32, #tpu.memory_space<vmem>>)
    } else {
    }
    return
  }
}

</mosaic_0001>

<sc_bundles>
// kernel: kernel.3.cloned.1.call-start
scs
__scs_entry_jumppad:
0x0: {  	(pc) =	sbr.rel $0x88, $3  }
0x1: {  	(tag) =	ssettag $0x0;
	lr =	simm.s32 $0x1  }
0x2: {  	[smem:$0x3F9E] =	sst lr;
	_ =	strace $0xD0000000  }
0x3: {  	_ = 	snop  }
0x4: {  	_ = 	snop  }
0x5: {  	_ = 	snop  }
0x6: {  	_ = 	snop  }
0x7: {  	_ = 	snop  }
__scs_overlays_trampoline_lowered:
0x8: {  	[smem:$0x3FAD] =	sst s0  }
0x9: {  	[smem:$0x3FAE] =	sst s1  }
0xa: {  	[smem:$0x3FAF] =	sst s2  }
0xb: {  	[smem:$0x3FB0] =	sst s3  }
0xc: {  	[smem:$0x3FB1] =	sst s4  }
0xd: {  	[smem:$0x3FB2] =	sst s5  }
0xe: {  	[smem:$0x3FB3] =	sst s6  }
0xf: {  	[smem:$0x3FB4] =	sst s7  }
0x10: {  	[smem:$0x3FB5] =	sst s8  }
0x11: {  	[smem:$0x3FB6] =	sst s9;
	s0 =	simm.s32 @!p0 $0x0  }
0x12: {  	s1 =	sld [smem:$0x3F9C];
	s0 =	simm.s32 @p0 $0x1  }
0x13: {  	[smem:$0x3FB7] =	sst s0;
	s0 =	simm.s32 @!p1 $0x0  }
0x14: {  	s2 =	sld [smem:$0x3F9B];
	s0 =	simm.s32 @p1 $0x1  }
0x15: {  	[smem:$0x3FB8] =	sst s0;
	s0 =	simm.s32 @!p2 $0x0  }
0x16: {  	s3 =	sld [smem:$0x3FDB];
	s0 =	simm.s32 @p2 $0x1  }
0x17: {  	s4 =	simm.s32 $0x1BF5;
	[smem:$0x3FBA] =	sst s0  }
0x18: {  	s0 =	sld [smem:$0x3F9D];
	_ =	swait.ge [sflag:s4], $0x0  }
0x19: {  	s7 =	sld [smem:$0x3F9E]  }
0x1a: {  	s8 =	sadd.s32 $0xFFFFE003, lr  }
0x1b: {  	s9 =	sadd.s32 $0xFFFFFEF7, lr;
	s5 =	simm.s32 $0xFFFFFFFF;
	p2 =	slt.u32 s8, $0xFFFFF086  }
0x1c: {  	p1 =	slt.u32 s9, $0xF7A;
	s5 =	simm.s32 @!p2 $0x0  }
0x1d: {  	s5 =	simm.s32 @p1 $0x1;
	p0 =	seq.s32 s7, s2  }
0x1e: {  	s7 =	smul.u32 @!p0 $0xF7A, s2;
	p2 =	seq.s32 @!p0 s5, $0x0  }
0x1f: {  	s9 =	smul.u32 $0xF7A, s1;
	s8 =	simm.s32 @!p0 $0x1BF5;
	p2 =	por !p2, p0  }
0x20: {  	[sflag:s8] =	ssyncset.s32 @!p0 $0xFFFFF086;
	s6 =	sadd.s32 @!p0 s3, s7;
	s7 =	simm.s32 @!p0 $0x108  }
0x21: {  	s3 =	sadd.s32 s3, s9;
	s6 =	sadd.s32 @!p0 $0x88, s6;
	s7 =	simm.s32 @p2 $0x1082  }
0x22: {  	[simem:s7], [sflag:s8] =	dma.local @!p0 [hbm:s6], $0xF7A  }
0x23: {  	s9 =	sor.u32 $0xD0000000, s2;
	s6 =	simm.s32 $0x108;
	_ =	swait.ge @!p0 [sflag:s8], $0x0  }
0x24: {  	s3 =	sadd.s32 $0x88, s3;
	s6 =	simm.s32 @!p1 $0x1082;
	[sflag:s4] =	ssyncset.s32 $0xFFFFF086  }
0x25: {  	[simem:s6], [sflag:s4] =	dma.local [hbm:s3], $0xF7A  }
0x26: {  	[smem:$0x3F9E] =	sst s1;
	(tag) =	ssettag s2;
	_ =	strace s9  }
0x27: {  	s1 =	sld [smem:$0x3FAE]  }
0x28: {  	s2 =	sld [smem:$0x3FAF]  }
0x29: {  	s4 =	sld [smem:$0x3FB1]  }
0x2a: {  	p0 =	seq.s32 s5, $0x0;
	s5 =	sld [smem:$0x3FB2]  }
0x2b: {  	s6 =	sld [smem:$0x3FB3]  }
0x2c: {  	s7 =	sld [smem:$0x3FB4]  }
0x2d: {  	s3 =	simm.s32 $0x108;
	s8 =	sld [smem:$0x3FB5]  }
0x2e: {  	s3 =	simm.s32 @!p0 $0x1082;
	s9 =	sld [smem:$0x3FB6]  }
0x2f: {  	lr =	sadd.s32 s0, s3;
	s0 =	sld [smem:$0x3FAD]  }
0x30: {  	s3 =	sld [smem:$0x3FB0]  }
0x31: {  	[smem:$0x3FB9] =	sst s10  }
0x32: {  	s10 =	sld [smem:$0x3FB7];
	_ =	sdelay $0x3  }
0x33: {  	p0 =	seq.s32 s10, $0x1;
	s10 =	sld [smem:$0x3FB9];
	_ =	sdelay $0x3  }
0x34: {  	[smem:$0x3FB9] =	sst s10  }
0x35: {  	s10 =	sld [smem:$0x3FB8];
	_ =	sdelay $0x3  }
0x36: {  	p1 =	seq.s32 s10, $0x1;
	s10 =	sld [smem:$0x3FB9];
	_ =	sdelay $0x3  }
0x37: {  	[smem:$0x3FB9] =	sst s10  }
0x38: {  	s10 =	sld [smem:$0x3FBA]  }
0x39: {  	_ = 	snop;
	(pc) =	sbr.ind lr, $3  }
0x3a: {  	_ = 	snop  }
0x3b: {  	_ = 	snop  }
0x3c: {  	p2 =	seq.s32 s10, $0x1;
	s10 =	sld [smem:$0x3FB9]  }
0x3d: {  	_ =	shalt  }
0x3e: {  	_ =	shalt  }
0x3f: {  	_ =	shalt  }
0x40: {  	_ =	shalt  }
0x41: {  	_ =	shalt  }
0x42: {  	_ =	shalt  }
0x43: {  	_ =	shalt  }
0x44: {  	_ =	shalt  }
0x45: {  	_ =	shalt  }
0x46: {  	_ =	shalt  }
0x47: {  	_ =	shalt  }
0x48: {  	_ =	shalt  }
0x49: {  	_ =	shalt  }
0x4a: {  	_ =	shalt  }
0x4b: {  	_ =	shalt  }
0x4c: {  	_ =	shalt  }
0x4d: {  	_ =	shalt  }
0x4e: {  	_ =	shalt  }
0x4f: {  	_ =	shalt  }
0x50: {  	_ =	shalt  }
0x51: {  	_ =	shalt  }
0x52: {  	_ =	shalt  }
0x53: {  	_ =	shalt  }
0x54: {  	_ =	shalt  }
0x55: {  	_ =	shalt  }
0x56: {  	_ =	shalt  }
0x57: {  	_ =	shalt  }
0x58: {  	_ =	shalt  }
0x59: {  	_ =	shalt  }
0x5a: {  	_ =	shalt  }
0x5b: {  	_ =	shalt  }
0x5c: {  	_ =	shalt  }
0x5d: {  	_ =	shalt  }
0x5e: {  	_ =	shalt  }
0x5f: {  	_ =	shalt  }
0x60: {  	_ =	shalt  }
0x61: {  	_ =	shalt  }
0x62: {  	_ =	shalt  }
0x63: {  	_ =	shalt  }
0x64: {  	_ =	shalt  }
0x65: {  	_ =	shalt  }
0x66: {  	_ =	shalt  }
0x67: {  	_ =	shalt  }
0x68: {  	_ =	shalt  }
0x69: {  	_ =	shalt  }
0x6a: {  	_ =	shalt  }
0x6b: {  	_ =	shalt  }
0x6c: {  	_ =	shalt  }
0x6d: {  	_ =	shalt  }
0x6e: {  	_ =	shalt  }
0x6f: {  	_ =	shalt  }
0x70: {  	_ =	shalt  }
0x71: {  	_ =	shalt  }
0x72: {  	_ =	shalt  }
0x73: {  	_ =	shalt  }
0x74: {  	_ =	shalt  }
0x75: {  	_ =	shalt  }
0x76: {  	_ =	shalt  }
0x77: {  	_ =	shalt  }
0x78: {  	_ =	shalt  }
0x79: {  	_ =	shalt  }
0x7a: {  	_ =	shalt  }
0x7b: {  	_ =	shalt  }
0x7c: {  	_ =	shalt  }
0x7d: {  	_ =	shalt  }
0x7e: {  	_ =	shalt  }
0x7f: {  	_ =	shalt  }
0x80: {  	_ =	shalt  }
0x81: {  	_ =	shalt  }
0x82: {  	_ =	shalt  }
0x83: {  	_ =	shalt  }
0x84: {  	_ =	shalt  }
0x85: {  	_ =	shalt  }
0x86: {  	_ =	shalt  }
0x87: {  	_ =	shalt  }
.Lfunc_end0:
.L_simem_size_0:
called_computation_lowered:
.L_overlay_start_0:
0x88: {  	s2 =	sld [smem:$0x3FD9]  }
0x89: {  	s3 =	sld [smem:$0x3FFE];
	_ =	sdelay $0x1  }
0x8a: {  	s1 =	srdreg.scid  }
0x8b: {  	s0 =	sand.u32 $0x1, s1  }
0x8c: {  	s18 =	sshll.u32 s0, $0xA;
	s2 =	sadd.s32 s3, s2  }
0x8d: {  	s2 =	sadd.s32 s2, s18  }
0x8e: {  	[smem:$0x3FC5] =	sst s2  }
0x8f: {  	_ = 	snop  }
0x90: {  	s2 =	sld [smem:$0x3FC9]  }
0x91: {  	s19 =	sld [smem:$0x3FC8]  }
0x92: {  	s4 =	sld [smem:$0x3FD0];
	(tm) =	ssettm $0x1  }
0x93: {  	s5 =	sld [smem:$0x3FFB];
	_ =	sdelay $0x3  }
0x94: {  	_ =	strace s5  }
0x95: {  	s5 =	sld [smem:$0x3FFC];
	_ =	sdelay $0x3  }
0x96: {  	_ =	strace s5  }
0x97: {  	s5 =	sld [smem:$0x3FFD];
	_ =	sdelay $0x3  }
0x98: {  	_ =	strace s5  }
0x99: {  	_ =	strace $0x8FFFFFFF  }
0x9a: {  	s20 =	sld [smem:$0x3FDB];
	_ =	sdelay $0x1  }
0x9b: {  	s6 =	simm.s32 $_scs_section_size  }
0x9c: {  	s7 =	simm.s32 $_size__tile_overlayer_lowered;
	s8 =	simm.s32 $_tile_overlayer_lowered  }
0x9d: {  	s23 =	simm.s32 $0x1BFF;
	s22 =	sshll.u32 s8, $0x1;
	s5 =	sadd.s32 s6, s20  }
0x9e: {  	s9 =	simm.s32 $0x0;
	s21 =	sshll.u32 s7, $0x1;
	s7 =	sadd.s32 s22, s5  }
0x9f: {  	[timem:s9], [sflag:s23] =	dma.local [hbm:s7], s21  }
0xa0: {  	_ =	swait.ge [sflag:s23], s21  }
0xa1: {  	s6 =	ssub.s32 $0x0, s21;
	[sflag:s23] =	ssyncset.done $0x0  }
0xa2: {  	[sflag:s23] =	ssyncadd.s32 s6;
	_ =	sdelay $0x1  }
0xa3: {  	s24 =	simm.s32 $0x1B8B  }
0xa4: {  	_ =	swait.ge [sflag:s24], $0x1  }
0xa5: {  	[sflag:s24] =	ssyncset.done $0x0  }
0xa6: {  	s25 =	simm.s32 $0x1B8E;
	[sflag:s24] =	ssyncadd.s32 $0xFFFFFFFF  }
0xa7: {  	s26 =	simm.s32 $execute0_lowered;
	[smem:$0x3FD2] =	sst s25  }
0xa8: {  	s6 =	sshll.u32 s26, $0x1;
	_ =	strace $0x80000046;
	[dreg:$0x1] =	wrdreg $0xFFFFFFFF  }
0xa9: {  	s28 =	simm.s32 $_size_execute0_lowered;
	s5 =	sadd.s32 s5, s6;
	[dreg:$0x0] =	wrdreg $0x0  }
0xaa: {  	s6 =	sshll.u32 s28, $0x1;
	[dreg:$0x2] =	wrdreg s5  }
0xab: {  	[dreg:$0x3] =	wrdreg s6  }
0xac: {  	[dreg:$0x4] =	wrdreg $0xC0  }
0xad: {  	_ =	task [dreg:s9], $0x5FFFF  }
0xae: {  	[dreg:$0x1] =	wrdreg $0xFFFFFFFF  }
0xaf: {  	[dreg:$0x0] =	wrdreg $0x60  }
0xb0: {  	[dreg:$0x2] =	wrdreg s2  }
0xb1: {  	[dreg:$0x3] =	wrdreg s19  }
0xb2: {  	[dreg:$0x4] =	wrdreg s4  }
0xb3: {  	[dreg:$0x5] =	wrdreg $0x9  }
0xb4: {  	_ =	task.clear_ibuf [dreg:s9], $0x6FFFF;
	_ =	strace $0x90000046  }
0xb5: {  	s29 =	simm.s32 $0x9;
	_ =	strace $0x80000048  }
0xb6: {  	_ =	swait.ge [sflag:s29], $0x1  }
0xb7: {  	[sflag:s29] =	ssyncadd.s32 $0xFFFFFFFF  }
0xb8: {  	_ =	strace $0x90000048  }
0xb9: {  	_ =	sfence  }
0xba: {  	s30 =	sld [smem:$0x0];
	_ =	sdelay $0x2  }
0xbb: {  	s31 =	sshll.u32 s1, $0xD;
	s1 =	sshrl.u32 s1, $0x2  }
0xbc: {  	s3 =	sand.u32 $0x4000, s31;
	s1 =	sadd.s32 s1, s30  }
0xbd: {  	s0 =	sor.u32 s3, s0;
	s1 =	sshll.u32 s1, $0x11  }
0xbe: {  	s0 =	sor.u32 s1, s0  }
0xbf: {  	s0 =	sadd.s32 $0x8F2B, s0  }
0xc0: {  	[sflag:s0] =	ssyncadd.remote.s32 $0x1  }
0xc1: {  	_ =	sfence.sel $0xFFFF  }
0xc2: {  	[dreg:$0x0] =	wrdreg $0xFFFFFFFF;
	(pc) =	sbr.abs _section_cstart, $3  }
0xc3: {  	[dreg:$0x1] =	wrdreg $0xFFFFFFFF  }
0xc4: {  	_ =	task.clear_ibuf [dreg:s9], $0x2FFFF;
	_ =	strace $0x9FFFFFFF  }
0xc5: {  	(tm) =	ssettm $0x7FFFFFFF  }
tec
execute0_lowered:
.L_overlay_start_1:
0x0: {  	(tag) =	ssettag $0x1  }
0x1: {  	s0 =	srdreg.scid;
	s5 =	stileid.u32  }
0x2: {  	s8 =	rddreg [dreg:$0x0];
	s0 =	sand.u32 $0x1, s0;
	s1 =	sshll.u32 s5, $0x1  }
0x3: {  	s2 =	ssub.s32 $0x2, s0;
	s4 =	sand.u32 $0x6, s1;
	s1 =	sshrl.u32 s5, $0x2  }
0x4: {  	s3 =	sshrl.u32 s2, $0x1;
	s28 =	sor.u32 s0, s4;
	s19 =	sadd.s32 $0x5, s1  }
0x5: {  	s21 =	sadd.s32 $0xD, s1;
	s6 =	sadd.s32 $0x15, s1;
	s25 =	sadd.s32 $0x1D, s1  }
0x6: {  	s5 =	sadd.s32 $0x25, s1;
	s7 =	sadd.s32 $0x2D, s1;
	s12 =	sadd.s32 $0x35, s1  }
0x7: {  	s14 =	sadd.s32 $0x3D, s1;
	s2 =	ssub.s32 s2, s3;
	s20 =	sshll.u32 s19, $0x7  }
0x8: {  	s0 =	sshll.u32 s19, $0x4;
	s22 =	sshll.u32 s21, $0x4;
	s3 =	sshll.u32 s21, $0x7  }
0x9: {  	s23 =	sshll.u32 s6, $0x4;
	s24 =	sshll.u32 s6, $0x7;
	s26 =	sshll.u32 s25, $0x4  }
0xa: {  	s6 =	sshll.u32 s5, $0x7;
	s9 =	sshll.u32 s7, $0x4;
	s13 =	sshll.u32 s12, $0x7  }
0xb: {  	s15 =	sshll.u32 s14, $0x4;
	s19 =	sadd.s32 $0x4D, s1;
	[smem:$0x7FA] =	sst s2  }
0xc: {  	s2 =	sand.u32 $0x400, s20;
	s0 =	sand.u32 $0x70, s0;
	s4 =	sand.u32 $0x70, s22  }
0xd: {  	s3 =	sand.u32 $0xC00, s3;
	s20 =	sshll.u32 s19, $0x4;
	s21 =	sshll.u32 s19, $0x7  }
0xe: {  	s0 =	sadd.s32 s8, s0;
	s4 =	sadd.s32 s8, s4;
	s22 =	sand.u32 $0x70, s20  }
0xf: {  	s20 =	sadd.s32 $0x75, s1;
	s11 =	sadd.s32 s2, s0;
	s30 =	sadd.s32 s3, s4  }
0x10: {  	s0 =	sand.u32 $0x70, s23;
	s2 =	sand.u32 $0xC00, s24;
	s3 =	sshll.u32 s25, $0x7  }
0x11: {  	s4 =	sand.u32 $0x70, s26;
	s23 =	sadd.s32 $0x55, s1;
	s25 =	sadd.s32 $0x5D, s1  }
0x12: {  	s0 =	sadd.s32 s8, s0;
	s24 =	sshll.u32 s23, $0x7;
	s26 =	sshll.u32 s25, $0x4  }
0x13: {  	s0 =	sadd.s32 s2, s0;
	s2 =	sadd.s32 s8, s4;
	s4 =	sand.u32 $0x70, s9  }
0x14: {  	[smem:$0x7CC] =	sst s0;
	s0 =	sand.u32 $0x1C00, s3;
	s3 =	sshll.u32 s5, $0x4  }
0x15: {  	s4 =	sadd.s32 s8, s4;
	s5 =	sadd.s32 $0x65, s1;
	s0 =	sadd.s32 s0, s2  }
0x16: {  	s3 =	sand.u32 $0x70, s3;
	s2 =	sshll.u32 s7, $0x7;
	s7 =	sadd.s32 $0x6D, s1  }
0x17: {  	[smem:$0x7CD] =	sst s0;
	s0 =	sand.u32 $0x1400, s6;
	s3 =	sadd.s32 s8, s3  }
0x18: {  	s2 =	sand.u32 $0x1C00, s2;
	s6 =	sshll.u32 s5, $0x7;
	s9 =	sshll.u32 s7, $0x4  }
0x19: {  	s0 =	sadd.s32 s0, s3;
	s10 =	sadd.s32 s2, s4;
	s2 =	sand.u32 $0x1C00, s13  }
0x1a: {  	s3 =	sshll.u32 s14, $0x7;
	s4 =	sand.u32 $0x70, s15;
	[smem:$0x7CE] =	sst s0  }
0x1b: {  	s14 =	sadd.s32 $0x45, s1;
	s13 =	sshll.u32 s20, $0x7;
	[smem:$0x7CF] =	sst s10  }
0x1c: {  	s0 =	sshll.u32 s12, $0x4;
	s3 =	sand.u32 $0x3C00, s3;
	s4 =	sadd.s32 s8, s4  }
0x1d: {  	s17 =	sshll.u32 s14, $0x4;
	s18 =	sshll.u32 s14, $0x7;
	s12 =	sshll.u32 s20, $0x4  }
0x1e: {  	s14 =	sadd.s32 $0x7D, s1;
	s20 =	sadd.s32 $0x8D, s1;
	s0 =	sand.u32 $0x70, s0  }
0x1f: {  	s16 =	sadd.s32 s3, s4;
	s3 =	sshll.u32 s23, $0x4;
	s4 =	sand.u32 $0x70, s26  }
0x20: {  	s15 =	sshll.u32 s14, $0x4;
	s23 =	sadd.s32 $0x95, s1;
	s0 =	sadd.s32 s8, s0  }
0x21: {  	[smem:$0x7D1] =	sst s16;
	s3 =	sand.u32 $0x70, s3;
	s4 =	sadd.s32 s8, s4  }
0x22: {  	s16 =	sshll.u32 s14, $0x7;
	s0 =	sadd.s32 s2, s0;
	s2 =	sand.u32 $0x2400, s18  }
0x23: {  	s3 =	sadd.s32 s8, s3;
	[smem:$0x7D0] =	sst s0;
	s0 =	sand.u32 $0x70, s17  }
0x24: {  	s18 =	sadd.s32 $0x85, s1;
	s17 =	sand.u32 $0x70, s15;
	s0 =	sadd.s32 s8, s0  }
0x25: {  	s19 =	sshll.u32 s18, $0x7;
	s15 =	sadd.s32 $0xB5, s1;
	s0 =	sadd.s32 s2, s0  }
0x26: {  	s2 =	sadd.s32 s8, s22;
	[smem:$0x7D2] =	sst s0;
	s0 =	sand.u32 $0x2C00, s21  }
0x27: {  	s21 =	sshll.u32 s20, $0x4;
	s0 =	sadd.s32 s0, s2;
	s2 =	sshll.u32 s25, $0x7  }
0x28: {  	s25 =	sadd.s32 $0x9D, s1;
	[smem:$0x7D3] =	sst s0;
	s0 =	sand.u32 $0x2C00, s24  }
0x29: {  	s2 =	sand.u32 $0x3C00, s2;
	s24 =	sshll.u32 s23, $0x7;
	s0 =	sadd.s32 s0, s3  }
0x2a: {  	s26 =	sshll.u32 s25, $0x4;
	s4 =	sadd.s32 s2, s4;
	[smem:$0x7D4] =	sst s0  }
0x2b: {  	s2 =	sand.u32 $0x3400, s6;
	s3 =	sshll.u32 s7, $0x7;
	[smem:$0x7D5] =	sst s4  }
0x2c: {  	s0 =	sshll.u32 s5, $0x4;
	s4 =	sand.u32 $0x70, s9;
	s3 =	sand.u32 $0x3C00, s3  }
0x2d: {  	s9 =	sadd.s32 $0xAD, s1;
	s0 =	sand.u32 $0x70, s0;
	s4 =	sadd.s32 s8, s4  }
0x2e: {  	s0 =	sadd.s32 s8, s0;
	s10 =	sadd.s32 s3, s4;
	s3 =	sshll.u32 s18, $0x4  }
0x2f: {  	s4 =	sand.u32 $0x70, s21;
	s21 =	sadd.s32 $0x6000, s8;
	s0 =	sadd.s32 s2, s0  }
0x30: {  	[smem:$0x7D7] =	sst s10;
	s2 =	sand.u32 $0x3C00, s13;
	s3 =	sand.u32 $0x70, s3  }
0x31: {  	s4 =	sadd.s32 s8, s4;
	s10 =	sshll.u32 s9, $0x4;
	[smem:$0x7D6] =	sst s0  }
0x32: {  	s0 =	sand.u32 $0x70, s12;
	s3 =	sadd.s32 s8, s3;
	s13 =	sand.u32 $0x70, s10  }
0x33: {  	s12 =	sshll.u32 s9, $0x7;
	s0 =	sadd.s32 s8, s0;
	s14 =	sadd.s32 s8, s13  }
0x34: {  	s0 =	sadd.s32 s2, s0;
	s2 =	sadd.s32 s8, s17;
	s17 =	sadd.s32 $0xBD, s1  }
0x35: {  	[smem:$0x7DA] =	sst s0;
	s0 =	sand.u32 $0x7C00, s16;
	s16 =	sshll.u32 s15, $0x7  }
0x36: {  	s29 =	sshll.u32 s17, $0x4;
	s0 =	sadd.s32 s0, s2;
	s2 =	sshll.u32 s20, $0x7  }
0x37: {  	s29 =	sand.u32 $0x70, s29;
	[smem:$0x7DD] =	sst s0;
	s0 =	sand.u32 $0x4400, s19  }
0x38: {  	s2 =	sand.u32 $0x4C00, s2;
	s29 =	sadd.s32 s8, s29;
	s19 =	sshll.u32 s1, $0x4  }
0x39: {  	s0 =	sadd.s32 s0, s3;
	s22 =	sadd.s32 s2, s4;
	s2 =	sand.u32 $0x4C00, s24  }
0x3a: {  	s3 =	sshll.u32 s25, $0x7;
	s4 =	sand.u32 $0x70, s26;
	s26 =	sadd.s32 $0xA5, s1  }
0x3b: {  	s20 =	sadd.s32 $0x10, s19;
	[smem:$0x7E0] =	sst s0;
	s0 =	sshll.u32 s23, $0x4  }
0x3c: {  	s24 =	sxor.u32 $0xCF, s1;
	s25 =	sxor.u32 $0xCB, s1;
	s0 =	sand.u32 $0x70, s0  }
0x3d: {  	[smem:$0x7E3] =	sst s22;
	s3 =	sand.u32 $0x5C00, s3;
	s0 =	sadd.s32 s8, s0  }
0x3e: {  	s4 =	sadd.s32 s8, s4;
	s6 =	sshll.u32 s26, $0x4;
	s0 =	sadd.s32 s2, s0  }
0x3f: {  	s7 =	sshll.u32 s26, $0x7;
	[smem:$0x7E6] =	sst s0;
	s0 =	sand.u32 $0x70, s6  }
0x40: {  	s5 =	sadd.s32 s3, s4;
	s2 =	sand.u32 $0x5400, s7;
	s0 =	sadd.s32 s8, s0  }
0x41: {  	s23 =	sxor.u32 $0xD3, s1;
	[smem:$0x7E9] =	sst s5;
	s0 =	sadd.s32 s2, s0  }
0x42: {  	s4 =	sshll.u32 s17, $0x7;
	[smem:$0x7EC] =	sst s0;
	s0 =	sand.u32 $0x5C00, s12  }
0x43: {  	s31 =	sand.u32 $0x7C00, s4;
	s4 =	rddreg [dreg:$0x1];
	s0 =	sadd.s32 s0, s14  }
0x44: {  	s3 =	sand.u32 $0x5C00, s16;
	[smem:$0x7EF] =	sst s0;
	s0 =	sshll.u32 s15, $0x4  }
0x45: {  	s18 =	sadd.s32 s31, s29;
	s7 =	rddreg [dreg:$0x2];
	s0 =	sand.u32 $0x70, s0  }
0x46: {  	[smem:$0x7F5] =	sst s18;
	s2 =	simm.s32 $0x0;
	s0 =	sadd.s32 s8, s0  }
0x47: {  	s26 =	sshll.u32 s1, $0xE;
	[smem:$0x7FF] =	sst s2;
	s0 =	sadd.s32 s3, s0  }
0x48: {  	s5 =	sadd.s32 s20, s21;
	s31 =	smin.u32 s1, $0x2;
	[smem:$0x7F2] =	sst s0  }
0x49: {  	s31 =	sshll.u32 s31, $0x4;
	_ =	strace $0x80000047;
	[smem:$0x7F7] =	sst s5  }
0x4a: {  	s29 =	sadd.s32 s26, s7;
	s3 =	sadd.s32 s8, s20;
	[dreg:$0x4] =	wrdreg s23  }
0x4b: {  	s0 =	sshll.u32 s28, $0x7;
	s7 =	sadd.s32 $0xC00, s3;
	[dreg:$0x5] =	wrdreg s24  }
0x4c: {  	s10 =	sadd.s32 $0x2000, s3;
	[dreg:$0x6] =	wrdreg s25;
	s6 =	sadd.s32 s0, s11  }
0x4d: {  	s14 =	sadd.s32 $0x2C00, s3;
	s30 =	sadd.s32 s0, s30;
	[dreg:$0x7] =	wrdreg s6  }
0x4e: {  	s16 =	sadd.s32 $0x3400, s3;
	s7 =	sadd.s32 s0, s7;
	[dreg:$0x8] =	wrdreg s30  }
0x4f: {  	s17 =	sadd.s32 $0x3800, s3;
	s11 =	sadd.s32 $0x1000, s3;
	[dreg:$0xb] =	wrdreg s7  }
0x50: {  	s5 =	sadd.s32 $0x1400, s3;
	s10 =	sadd.s32 s0, s10;
	s7 =	sld [smem:$0x7CD]  }
0x51: {  	s11 =	sadd.s32 s0, s11;
	[dreg:$0x15] =	wrdreg s10;
	s10 =	sadd.s32 s0, s14  }
0x52: {  	s14 =	sadd.s32 s0, s16;
	s16 =	sadd.s32 s0, s17;
	s17 =	sld [smem:$0x7DA]  }
0x53: {  	s31 =	sadd.s32 $0x50, s31;
	s5 =	sadd.s32 s0, s5;
	[dreg:$0xd] =	wrdreg s11  }
0x54: {  	s22 =	sand.u32 $0x70, s31;
	[dreg:$0xf] =	wrdreg s5  }
0x55: {  	s31 =	sadd.s32 s22, s21;
	s8 =	sadd.s32 $0x1800, s3;
	s11 =	sld [smem:$0x7CF]  }
0x56: {  	s9 =	sadd.s32 $0x1C00, s3;
	s12 =	sadd.s32 $0x2400, s3;
	[dreg:$0x1b] =	wrdreg s10  }
0x57: {  	s13 =	sadd.s32 $0x2800, s3;
	s15 =	sadd.s32 $0x3000, s3;
	[dreg:$0x1f] =	wrdreg s14  }
0x58: {  	s22 =	sadd.s32 $0x4C00, s3;
	s24 =	sadd.s32 $0x5000, s3;
	[smem:$0x7D9] =	sst s16  }
0x59: {  	s6 =	sadd.s32 $0x800, s3;
	s14 =	sadd.s32 s0, s22;
	s22 =	sld [smem:$0x7F5]  }
0x5a: {  	s6 =	sadd.s32 s0, s6;
	s16 =	sadd.s32 s0, s24;
	s24 =	sld [smem:$0x7F7]  }
0x5b: {  	s18 =	sadd.s32 $0x3C00, s3;
	s20 =	sadd.s32 $0x4400, s3;
	[dreg:$0x9] =	wrdreg s6  }
0x5c: {  	s19 =	sadd.s32 $0x4000, s3;
	s10 =	sadd.s32 s0, s20;
	s6 =	sld [smem:$0x7CC]  }
0x5d: {  	s21 =	sadd.s32 $0x4800, s3;
	s26 =	sadd.s32 $0x5800, s3;
	[smem:$0x7E2] =	sst s10  }
0x5e: {  	s23 =	sadd.s32 s0, s3;
	s25 =	sadd.s32 $0x5400, s3;
	[smem:$0x7E8] =	sst s14  }
0x5f: {  	s3 =	sadd.s32 $0x5C00, s3;
	s20 =	sadd.s32 s0, s26;
	[smem:$0x7EB] =	sst s16  }
0x60: {  	s3 =	sadd.s32 s0, s3;
	[smem:$0x7F1] =	sst s20  }
0x61: {  	s26 =	sshll.u32 s28, $0xB;
	s28 =	sadd.s32 $0x400, s23;
	[smem:$0x7F4] =	sst s3  }
0x62: {  	[smem:$0x7FD] =	sst s28  }
0x63: {  	s5 =	sadd.s32 s0, s11;
	s11 =	sld [smem:$0x7D2]  }
0x64: {  	s3 =	sadd.s32 s0, s22;
	[dreg:$0x10] =	wrdreg s5  }
0x65: {  	s6 =	sadd.s32 s0, s6;
	[smem:$0x7F6] =	sst s3  }
0x66: {  	[dreg:$0xa] =	wrdreg s6  }
0x67: {  	s3 =	sadd.s32 s0, s24;
	s6 =	sadd.s32 s0, s7;
	s7 =	sld [smem:$0x7CE]  }
0x68: {  	[smem:$0x7F8] =	sst s3  }
0x69: {  	[dreg:$0xc] =	wrdreg s6  }
0x6a: {  	s6 =	sadd.s32 s0, s7;
	s7 =	sld [smem:$0x7D0]  }
0x6b: {  	[dreg:$0xe] =	wrdreg s6  }
0x6c: {  	s6 =	sadd.s32 s0, s8;
	s8 =	sadd.s32 s0, s9;
	s9 =	sld [smem:$0x7D1]  }
0x6d: {  	[dreg:$0x11] =	wrdreg s6  }
0x6e: {  	[dreg:$0x13] =	wrdreg s8  }
0x6f: {  	s8 =	sadd.s32 s0, s13;
	s13 =	sld [smem:$0x7D6]  }
0x70: {  	s6 =	sadd.s32 s0, s12;
	s12 =	sadd.s32 s0, s15;
	s15 =	sld [smem:$0x7D7]  }
0x71: {  	[dreg:$0x17] =	wrdreg s6  }
0x72: {  	s5 =	sadd.s32 s0, s7;
	s7 =	sld [smem:$0x7D3]  }
0x73: {  	[dreg:$0x19] =	wrdreg s8  }
0x74: {  	[dreg:$0x1d] =	wrdreg s12  }
0x75: {  	s8 =	sadd.s32 s0, s19;
	s19 =	sld [smem:$0x7EF]  }
0x76: {  	s12 =	sadd.s32 s0, s21;
	s21 =	sld [smem:$0x7F2]  }
0x77: {  	s6 =	sadd.s32 s0, s18;
	s18 =	sadd.s32 s0, s25;
	s25 =	sld [smem:$0x7FA]  }
0x78: {  	[dreg:$0x12] =	wrdreg s5  }
0x79: {  	s5 =	sadd.s32 s0, s9;
	s9 =	sld [smem:$0x7D4]  }
0x7a: {  	[smem:$0x7DC] =	sst s6  }
0x7b: {  	[smem:$0x7DF] =	sst s8  }
0x7c: {  	[smem:$0x7E5] =	sst s12  }
0x7d: {  	[smem:$0x7EE] =	sst s18  }
0x7e: {  	[dreg:$0x14] =	wrdreg s5  }
0x7f: {  	s5 =	sadd.s32 s0, s11;
	s11 =	sld [smem:$0x7D5]  }
0x80: {  	[dreg:$0x16] =	wrdreg s5  }
0x81: {  	s5 =	sadd.s32 s0, s7;
	s7 =	sld [smem:$0x7DD]  }
0x82: {  	[dreg:$0x18] =	wrdreg s5  }
0x83: {  	s5 =	sadd.s32 s0, s9;
	s9 =	sld [smem:$0x7E0]  }
0x84: {  	[dreg:$0x1a] =	wrdreg s5  }
0x85: {  	s5 =	sadd.s32 s0, s11;
	s11 =	sld [smem:$0x7E3]  }
0x86: {  	[dreg:$0x1c] =	wrdreg s5  }
0x87: {  	s5 =	sadd.s32 s0, s13;
	s13 =	sld [smem:$0x7E6]  }
0x88: {  	[dreg:$0x1e] =	wrdreg s5  }
0x89: {  	s5 =	sadd.s32 s0, s15;
	s15 =	sld [smem:$0x7E9]  }
0x8a: {  	[smem:$0x7D8] =	sst s5  }
0x8b: {  	s5 =	sadd.s32 s0, s17;
	s17 =	sld [smem:$0x7EC]  }
0x8c: {  	[smem:$0x7DB] =	sst s5;
	s5 =	sadd.s32 s0, s7  }
0x8d: {  	[smem:$0x7DE] =	sst s5;
	s5 =	sadd.s32 s0, s9  }
0x8e: {  	p0 =	sne.s32 s1, $0x3;
	[smem:$0x7E1] =	sst s5;
	s5 =	sadd.s32 s0, s11  }
0x8f: {  	s29 =	sadd.s32 $0x5C000, s29;
	[smem:$0x7E4] =	sst s5;
	s5 =	sadd.s32 s0, s13  }
0x90: {  	s30 =	smov.u32 s23;
	[smem:$0x7E7] =	sst s5;
	s5 =	sadd.s32 s0, s15  }
0x91: {  	s3 =	simm.s32 $0x80;
	[smem:$0x7EA] =	sst s5;
	s5 =	sadd.s32 s0, s17  }
0x92: {  	s6 =	simm.s32 $0x1C00;
	[smem:$0x7ED] =	sst s5;
	s5 =	sadd.s32 s0, s19  }
0x93: {  	[smem:$0x7F0] =	sst s5;
	s5 =	sadd.s32 s0, s21;
	s0 =	sadd.s32 s0, s31  }
0x94: {  	s8 =	simm.s32 $0x8;
	[smem:$0x7F9] =	sst s0;
	s0 =	smax.u32 s25, $0x1  }
0x95: {  	s7 =	simm.s32 $0x2;
	[smem:$0x7FB] =	sst s0;
	s0 =	simm.s32 @!p0 $0x0  }
0x96: {  	s9 =	simm.s32 $0x0;
	[smem:$0x7F3] =	sst s5;
	s0 =	simm.s32 @p0 $0x1  }
0x97: {  	s31 =	sxor.u32 $0xC7, s1;
	s5 =	simm.s32 $0x1;
	[smem:$0x7FC] =	sst s0  }
.LBB2_1:
0x98: {  	[tilespmem:s2], [sflag:$0x1] =	stream.linear.gather [hbm4b:s30+s2], $0x80, $0x38;
	[tilespmem:$0x19C00] =	vst v63  }
0x99: {  	s0 =	rddreg [dreg:$0x7]  }
0x9a: {  	s20 =	sld [smem:$0x7FD]  }
0x9b: {  	[tilespmem:s3], [sflag:$0x1] =	stream.linear.gather [hbm4b:s0+s2], $0x80, $0x38;
	[tilespmem:$0x19C00] =	vst v63  }
0x9c: {  	s10 =	simm.s32 $0x100  }
0x9d: {  	[tilespmem:s10], [sflag:$0x1] =	stream.linear.gather [hbm4b:s20+s2], $0x80, $0x38;
	[tilespmem:$0x19C00] =	vst v63  }
0x9e: {  	_ =	swait.ge [sflag:s5], $0x80  }
0x9f: {  	[sflag:s5] =	ssyncset.done $0x0  }
0xa0: {  	[sflag:s5] =	ssyncadd.s32 $0xFFFFFF80  }
0xa1: {  	[tilespmem:s6], [sflag:$0x2] =	stream.indirect.gather [hbm4b:s4+s3], $0x80, s2, s3, $0xb8;
	[tilespmem:$0x19C00] =	vst v63  }
0xa2: {  	_ =	swait.ge [sflag:s5], $0x80  }
0xa3: {  	[sflag:s5] =	ssyncset.done $0x0  }
0xa4: {  	s21 =	simm.s32 $0x5C00;
	[sflag:s5] =	ssyncadd.s32 $0xFFFFFF80  }
0xa5: {  	[tilespmem:s21], [sflag:$0x3] =	stream.indirect.gather [hbm4b:s4+s3], $0x80, s3, s3, $0xb8;
	[tilespmem:$0x19C00] =	vst v63  }
0xa6: {  	_ =	swait.ge [sflag:s5], $0x80  }
0xa7: {  	[sflag:s5] =	ssyncset.done $0x0  }
0xa8: {  	s22 =	simm.s32 $0x9C00;
	s23 =	rddreg [dreg:$0x8];
	[sflag:s5] =	ssyncadd.s32 $0xFFFFFF80  }
0xa9: {  	[tilespmem:s22], [sflag:$0x4] =	stream.indirect.gather [hbm4b:s4+s3], $0x80, s10, s3, $0xb8;
	[tilespmem:$0x19C00] =	vst v63  }
0xaa: {  	s24 =	simm.s32 $0x180;
	s25 =	rddreg [dreg:$0x9]  }
0xab: {  	[tilespmem:s24], [sflag:$0x1] =	stream.linear.gather [hbm4b:s23+s2], $0x80, $0x38;
	[tilespmem:$0x19C00] =	vst v63  }
0xac: {  	s28 =	simm.s32 $0x200;
	s12 =	rddreg [dreg:$0xb]  }
0xad: {  	[tilespmem:s28], [sflag:$0x1] =	stream.linear.gather [hbm4b:s25+s2], $0x80, $0x38;
	[tilespmem:$0x19C00] =	vst v63  }
0xae: {  	s11 =	simm.s32 $0x280;
	s10 =	rddreg [dreg:$0xa]  }
0xaf: {  	[tilespmem:s11], [sflag:$0x1] =	stream.linear.gather [hbm4b:s10+s2], $0x80, $0x38;
	[tilespmem:$0x19C00] =	vst v63  }
0xb0: {  	s13 =	simm.s32 $0x300;
	s14 =	rddreg [dreg:$0xc]  }
0xb1: {  	[tilespmem:s13], [sflag:$0x1] =	stream.linear.gather [hbm4b:s12+s2], $0x80, $0x38;
	[tilespmem:$0x19C00] =	vst v63  }
0xb2: {  	s15 =	simm.s32 $0x380;
	s16 =	rddreg [dreg:$0xd]  }
0xb3: {  	[tilespmem:s15], [sflag:$0x1] =	stream.linear.gather [hbm4b:s14+s2], $0x80, $0x38;
	[tilespmem:$0x19C00] =	vst v63  }
0xb4: {  	s17 =	rddreg [dreg:$0xe];
	s13 =	simm.s32 $0x400  }
0xb5: {  	[tilespmem:s13], [sflag:$0x1] =	stream.linear.gather [hbm4b:s16+s2], $0x80, $0x38;
	[tilespmem:$0x19C00] =	vst v63  }
0xb6: {  	s18 =	simm.s32 $0x480;
	s19 =	rddreg [dreg:$0xf]  }
0xb7: {  	[tilespmem:s18], [sflag:$0x1] =	stream.linear.gather [hbm4b:s17+s2], $0x80, $0x38;
	[tilespmem:$0x19C00] =	vst v63  }
0xb8: {  	s20 =	simm.s32 $0x500;
	s21 =	rddreg [dreg:$0x10]  }
0xb9: {  	[tilespmem:s20], [sflag:$0x1] =	stream.linear.gather [hbm4b:s19+s2], $0x80, $0x38;
	[tilespmem:$0x19C00] =	vst v63  }
0xba: {  	s22 =	simm.s32 $0x580;
	s23 =	rddreg [dreg:$0x11]  }
0xbb: {  	[tilespmem:s22], [sflag:$0x1] =	stream.linear.gather [hbm4b:s21+s2], $0x80, $0x38;
	[tilespmem:$0x19C00] =	vst v63  }
0xbc: {  	s24 =	simm.s32 $0x600;
	s25 =	rddreg [dreg:$0x12]  }
0xbd: {  	[tilespmem:s24], [sflag:$0x1] =	stream.linear.gather [hbm4b:s23+s2], $0x80, $0x38;
	[tilespmem:$0x19C00] =	vst v63  }
0xbe: {  	s28 =	simm.s32 $0x680;
	s10 =	rddreg [dreg:$0x13]  }
0xbf: {  	[tilespmem:s28], [sflag:$0x1] =	stream.linear.gather [hbm4b:s25+s2], $0x80, $0x38;
	[tilespmem:$0x19C00] =	vst v63  }
0xc0: {  	s11 =	simm.s32 $0x700;
	s12 =	rddreg [dreg:$0x14]  }
0xc1: {  	[tilespmem:s11], [sflag:$0x1] =	stream.linear.gather [hbm4b:s10+s2], $0x80, $0x38;
	[tilespmem:$0x19C00] =	vst v63  }
0xc2: {  	s14 =	simm.s32 $0x780;
	s15 =	rddreg [dreg:$0x15]  }
0xc3: {  	[tilespmem:s14], [sflag:$0x1] =	stream.linear.gather [hbm4b:s12+s2], $0x80, $0x38;
	[tilespmem:$0x19C00] =	vst v63  }
0xc4: {  	s16 =	simm.s32 $0x800;
	s17 =	rddreg [dreg:$0x16]  }
0xc5: {  	[tilespmem:s16], [sflag:$0x1] =	stream.linear.gather [hbm4b:s15+s2], $0x80, $0x38;
	[tilespmem:$0x19C00] =	vst v63  }
0xc6: {  	s18 =	simm.s32 $0x880;
	s19 =	rddreg [dreg:$0x17]  }
0xc7: {  	[tilespmem:s18], [sflag:$0x1] =	stream.linear.gather [hbm4b:s17+s2], $0x80, $0x38;
	[tilespmem:$0x19C00] =	vst v63  }
0xc8: {  	s20 =	simm.s32 $0x900;
	s21 =	rddreg [dreg:$0x18]  }
0xc9: {  	[tilespmem:s20], [sflag:$0x1] =	stream.linear.gather [hbm4b:s19+s2], $0x80, $0x38;
	[tilespmem:$0x19C00] =	vst v63  }
0xca: {  	s22 =	simm.s32 $0x980;
	s23 =	rddreg [dreg:$0x19]  }
0xcb: {  	[tilespmem:s22], [sflag:$0x1] =	stream.linear.gather [hbm4b:s21+s2], $0x80, $0x38;
	[tilespmem:$0x19C00] =	vst v63  }
0xcc: {  	s24 =	simm.s32 $0xA00;
	s25 =	rddreg [dreg:$0x1a]  }
0xcd: {  	[tilespmem:s24], [sflag:$0x1] =	stream.linear.gather [hbm4b:s23+s2], $0x80, $0x38;
	[tilespmem:$0x19C00] =	vst v63  }
0xce: {  	s28 =	simm.s32 $0xA80;
	s10 =	rddreg [dreg:$0x1b]  }
0xcf: {  	[tilespmem:s28], [sflag:$0x1] =	stream.linear.gather [hbm4b:s25+s2], $0x80, $0x38;
	[tilespmem:$0x19C00] =	vst v63  }
0xd0: {  	s11 =	simm.s32 $0xB00;
	s12 =	rddreg [dreg:$0x1c]  }
0xd1: {  	[tilespmem:s11], [sflag:$0x1] =	stream.linear.gather [hbm4b:s10+s2], $0x80, $0x38;
	[tilespmem:$0x19C00] =	vst v63  }
0xd2: {  	s14 =	simm.s32 $0xB80;
	s15 =	rddreg [dreg:$0x1d]  }
0xd3: {  	[tilespmem:s14], [sflag:$0x1] =	stream.linear.gather [hbm4b:s12+s2], $0x80, $0x38;
	[tilespmem:$0x19C00] =	vst v63  }
0xd4: {  	s16 =	simm.s32 $0xC00;
	s17 =	rddreg [dreg:$0x1e]  }
0xd5: {  	[tilespmem:s16], [sflag:$0x1] =	stream.linear.gather [hbm4b:s15+s2], $0x80, $0x38;
	[tilespmem:$0x19C00] =	vst v63  }
0xd6: {  	s18 =	simm.s32 $0xC80;
	s19 =	rddreg [dreg:$0x1f]  }
0xd7: {  	[tilespmem:s18], [sflag:$0x1] =	stream.linear.gather [hbm4b:s17+s2], $0x80, $0x38;
	[tilespmem:$0x19C00] =	vst v63  }
0xd8: {  	s20 =	simm.s32 $0xD00;
	s21 =	sld [smem:$0x7D8]  }
0xd9: {  	[tilespmem:s20], [sflag:$0x1] =	stream.linear.gather [hbm4b:s19+s2], $0x80, $0x38;
	[tilespmem:$0x19C00] =	vst v63  }
0xda: {  	s22 =	simm.s32 $0xD80;
	s23 =	sld [smem:$0x7D9]  }
0xdb: {  	[tilespmem:s22], [sflag:$0x1] =	stream.linear.gather [hbm4b:s21+s2], $0x80, $0x38;
	[tilespmem:$0x19C00] =	vst v63  }
0xdc: {  	s24 =	simm.s32 $0xE00;
	s25 =	sld [smem:$0x7DB]  }
0xdd: {  	[tilespmem:s24], [sflag:$0x1] =	stream.linear.gather [hbm4b:s23+s2], $0x80, $0x38;
	[tilespmem:$0x19C00] =	vst v63  }
0xde: {  	s28 =	simm.s32 $0xE80;
	s10 =	sld [smem:$0x7DC]  }
0xdf: {  	[tilespmem:s28], [sflag:$0x1] =	stream.linear.gather [hbm4b:s25+s2], $0x80, $0x38;
	[tilespmem:$0x19C00] =	vst v63  }
0xe0: {  	s11 =	simm.s32 $0xF00;
	s12 =	sld [smem:$0x7DE]  }
0xe1: {  	[tilespmem:s11], [sflag:$0x1] =	stream.linear.gather [hbm4b:s10+s2], $0x80, $0x38;
	[tilespmem:$0x19C00] =	vst v63  }
0xe2: {  	s14 =	simm.s32 $0xF80;
	s15 =	sld [smem:$0x7DF]  }
0xe3: {  	[tilespmem:s14], [sflag:$0x1] =	stream.linear.gather [hbm4b:s12+s2], $0x80, $0x38;
	[tilespmem:$0x19C00] =	vst v63  }
0xe4: {  	s16 =	simm.s32 $0x1000;
	s17 =	sld [smem:$0x7E1]  }
0xe5: {  	[tilespmem:s16], [sflag:$0x1] =	stream.linear.gather [hbm4b:s15+s2], $0x80, $0x38;
	[tilespmem:$0x19C00] =	vst v63  }
0xe6: {  	s18 =	simm.s32 $0x1080;
	s19 =	sld [smem:$0x7E2]  }
0xe7: {  	[tilespmem:s18], [sflag:$0x1] =	stream.linear.gather [hbm4b:s17+s2], $0x80, $0x38;
	[tilespmem:$0x19C00] =	vst v63  }
0xe8: {  	s20 =	simm.s32 $0x1100;
	s21 =	sld [smem:$0x7E4]  }
0xe9: {  	[tilespmem:s20], [sflag:$0x1] =	stream.linear.gather [hbm4b:s19+s2], $0x80, $0x38;
	[tilespmem:$0x19C00] =	vst v63  }
0xea: {  	s22 =	simm.s32 $0x1180;
	s23 =	sld [smem:$0x7E5]  }
0xeb: {  	[tilespmem:s22], [sflag:$0x1] =	stream.linear.gather [hbm4b:s21+s2], $0x80, $0x38;
	[tilespmem:$0x19C00] =	vst v63  }
0xec: {  	s24 =	simm.s32 $0x1200;
	s25 =	sld [smem:$0x7E7]  }
0xed: {  	[tilespmem:s24], [sflag:$0x1] =	stream.linear.gather [hbm4b:s23+s2], $0x80, $0x38;
	[tilespmem:$0x19C00] =	vst v63  }
0xee: {  	s28 =	simm.s32 $0x1280;
	s10 =	sld [smem:$0x7E8]  }
0xef: {  	[tilespmem:s28], [sflag:$0x1] =	stream.linear.gather [hbm4b:s25+s2], $0x80, $0x38;
	[tilespmem:$0x19C00] =	vst v63  }
0xf0: {  	s11 =	simm.s32 $0x1300;
	s12 =	sld [smem:$0x7EA]  }
0xf1: {  	[tilespmem:s11], [sflag:$0x1] =	stream.linear.gather [hbm4b:s10+s2], $0x80, $0x38;
	[tilespmem:$0x19C00] =	vst v63  }
0xf2: {  	s14 =	simm.s32 $0x1380;
	s15 =	sld [smem:$0x7EB]  }
0xf3: {  	[tilespmem:s14], [sflag:$0x1] =	stream.linear.gather [hbm4b:s12+s2], $0x80, $0x38;
	[tilespmem:$0x19C00] =	vst v63  }
0xf4: {  	s16 =	simm.s32 $0x1400;
	s17 =	sld [smem:$0x7ED]  }
0xf5: {  	[tilespmem:s16], [sflag:$0x1] =	stream.linear.gather [hbm4b:s15+s2], $0x80, $0x38;
	[tilespmem:$0x19C00] =	vst v63  }
0xf6: {  	s18 =	simm.s32 $0x1480;
	s19 =	sld [smem:$0x7EE]  }
0xf7: {  	[tilespmem:s18], [sflag:$0x1] =	stream.linear.gather [hbm4b:s17+s2], $0x80, $0x38;
	[tilespmem:$0x19C00] =	vst v63  }
0xf8: {  	s20 =	simm.s32 $0x1500;
	s21 =	sld [smem:$0x7F0]  }
0xf9: {  	[tilespmem:s20], [sflag:$0x1] =	stream.linear.gather [hbm4b:s19+s2], $0x80, $0x38;
	[tilespmem:$0x19C00] =	vst v63  }
0xfa: {  	s22 =	simm.s32 $0x1580;
	s23 =	sld [smem:$0x7F1]  }
0xfb: {  	[tilespmem:s22], [sflag:$0x1] =	stream.linear.gather [hbm4b:s21+s2], $0x80, $0x38;
	[tilespmem:$0x19C00] =	vst v63  }
0xfc: {  	s24 =	simm.s32 $0x1600;
	s25 =	sld [smem:$0x7F3]  }
0xfd: {  	[tilespmem:s24], [sflag:$0x1] =	stream.linear.gather [hbm4b:s23+s2], $0x80, $0x38;
	[tilespmem:$0x19C00] =	vst v63  }
0xfe: {  	p0 =	por $0x1, $0x1;
	s28 =	simm.s32 $0x1680;
	s10 =	sld [smem:$0x7F4]  }
0xff: {  	[tilespmem:s28], [sflag:$0x1] =	stream.linear.gather [hbm4b:s25+s2], $0x80, $0x38;
	[tilespmem:$0x19C00] =	vst v63  }
0x100: {  	s11 =	simm.s32 $0x1700;
	s12 =	sld [smem:$0x7F6];
	s19 =	smax.u32 s2, $0x3  }
0x101: {  	[tilespmem:s11], [sflag:$0x1] =	stream.linear.gather [hbm4b:s10+s2], $0x80, $0x38;
	[tilespmem:$0x19C00] =	vst v63  }
0x102: {  	p2 =	por p0, p0;
	s0 =	rddreg [dreg:$0x4];
	s10 =	sshll.u32 s19, $0x2  }
0x103: {  	s14 =	simm.s32 $0x1780;
	s15 =	sld [smem:$0x7F8];
	p0 =	sge.u32 @!p2 s10, s0  }
0x104: {  	[tilespmem:s14], [sflag:$0x1] =	stream.linear.gather [hbm4b:s12+s2], $0x80, $0x38;
	[tilespmem:$0x19C00] =	vst v63  }
0x105: {  	s16 =	simm.s32 $0x1800;
	s17 =	sld [smem:$0x7F9];
	p1 =	por p0, p2  }
0x106: {  	[tilespmem:s16], [sflag:$0x1] =	stream.linear.gather [hbm4b:s15+s2], $0x80, $0x38;
	[tilespmem:$0x19C00] =	vst v63  }
0x107: {  	s18 =	simm.s32 $0x1880;
	s20 =	sadd.s32 $0x20, s1;
	s0 =	simm.s32 @!p1 $0xB  }
0x108: {  	[tilespmem:s18], [sflag:$0x1] =	stream.linear.gather [hbm4b:s17+s2], $0x80, $0x38;
	[tilespmem:$0x19C00] =	vst v63  }
0x109: {  	s11 =	sadd.s32 $0xFFFFFFEC, s20;
	_ =	swait.ge @!p1 [sflag:s0], $0x4000  }
0x10a: {  	p0 =	sgt.u32 s11, $0xC6;
	[sflag:s0] =	ssyncset.done @!p1 $0x0  }
0x10b: {  	s11 =	simm.s32 @!p0 $0x1;
	[sflag:s0] =	ssyncadd.s32 @!p1 $0xFFFFC000  }
0x10c: {  	_ =	swait.ge @!p0 [sflag:s11], $0x80  }
0x10d: {  	s12 =	simm.s32 @!p0 $0x180;
	[sflag:s11] =	ssyncset.done @!p0 $0x0  }
0x10e: {  	s14 =	simm.s32 @!p0 $0x80;
	s0 =	simm.s32 @!p0 $0xDC00;
	[sflag:s11] =	ssyncadd.s32 @!p0 $0xFFFFFF80  }
0x10f: {  	[tilespmem:s0], [sflag:$0x5] =	stream.indirect.gather @!p0 [hbm4b:s4+s14], $0x80, s12, s14, $0xb8;
	[tilespmem:$0x19C00] =	vst v63  }
0x110: {  	s21 =	smax.u32 s2, $0x2;
	_ =	swait.ge [sflag:s7], $0x4000  }
0x111: {  	s11 =	sshll.u32 s21, $0x2;
	[sflag:s7] =	ssyncset.done $0x0;
	s12 =	rddreg [dreg:$0x5]  }
0x112: {  	s22 =	sadd.s32 s26, s29;
	[sflag:s7] =	ssyncadd.s32 $0xFFFFC000;
	p1 =	sge.u32 @!p2 s11, s12  }
0x113: {  	[hbm4b:s22+s2] =	stream.linear.scatter [tilespmem:s6], [sflag:$0x8], $0x4000, $0x38;
	[tilespmem:$0x19C00] =	vst v63  }
0x114: {  	p3 =	por p1, p2  }
0x115: {  	s11 =	simm.s32 @!p3 $0xC  }
0x116: {  	s23 =	sadd.s32 $0xFFFFFFF0, s20;
	_ =	swait.ge @!p3 [sflag:s11], $0x4000  }
0x117: {  	s24 =	sadd.s32 $0xFFFFFFE4, s20;
	p1 =	sgt.u32 s23, $0xC6;
	[sflag:s11] =	ssyncset.done @!p3 $0x0  }
0x118: {  	s25 =	smax.u32 s2, $0x1;
	s14 =	simm.s32 @!p1 $0x1;
	[sflag:s11] =	ssyncadd.s32 @!p3 $0xFFFFC000  }
0x119: {  	s12 =	simm.s32 @!p1 $0x200;
	s15 =	simm.s32 @!p1 $0x80;
	_ =	swait.ge @!p1 [sflag:s14], $0x80  }
0x11a: {  	s11 =	simm.s32 @!p1 $0x11C00;
	p3 =	sgt.u32 s24, $0xC6;
	[sflag:s14] =	ssyncset.done @!p1 $0x0  }
0x11b: {  	s16 =	sadd.s32 @!p3 s26, s29;
	[sflag:s14] =	ssyncadd.s32 @!p1 $0xFFFFFF80;
	s14 =	simm.s32 @!p3 $0x3  }
0x11c: {  	[tilespmem:s11], [sflag:$0x6] =	stream.indirect.gather @!p1 [hbm4b:s4+s15], $0x80, s12, s15, $0xb8;
	[tilespmem:$0x19C00] =	vst v63  }
0x11d: {  	s12 =	sadd.s32 @!p3 $0x10000, s16;
	s15 =	simm.s32 @!p3 $0x5C00;
	_ =	swait.ge @!p3 [sflag:s14], $0x4000  }
0x11e: {  	s16 =	sshll.u32 s25, $0x2;
	[sflag:s14] =	ssyncset.done @!p3 $0x0;
	s17 =	rddreg [dreg:$0x6]  }
0x11f: {  	[sflag:s14] =	ssyncadd.s32 @!p3 $0xFFFFC000;
	s14 =	simm.s32 @!p3 $0x0;
	p4 =	sge.u32 @!p2 s16, s17  }
0x120: {  	[hbm4b:s12+s14] =	stream.linear.scatter @!p3 [tilespmem:s15], [sflag:$0x9], $0x4000, $0x38;
	[tilespmem:$0x19C00] =	vst v63  }
0x121: {  	p4 =	por p4, p2  }
0x122: {  	s12 =	simm.s32 @!p4 $0xD  }
0x123: {  	s28 =	sadd.s32 $0xFFFFFFF4, s20;
	_ =	swait.ge @!p4 [sflag:s12], $0x4000  }
0x124: {  	p2 =	sgt.u32 s28, $0xC6;
	[sflag:s12] =	ssyncset.done @!p4 $0x0  }
0x125: {  	s14 =	simm.s32 @!p2 $0x1;
	[sflag:s12] =	ssyncadd.s32 @!p4 $0xFFFFC000  }
0x126: {  	s10 =	sadd.s32 $0xFFFFFFE8, s20;
	s15 =	simm.s32 @!p2 $0x15C00;
	_ =	swait.ge @!p2 [sflag:s14], $0x80  }
0x127: {  	p4 =	sgt.u32 s10, $0xC6;
	s10 =	simm.s32 @!p2 $0x280;
	[sflag:s14] =	ssyncset.done @!p2 $0x0  }
0x128: {  	s12 =	simm.s32 @!p2 $0x80;
	[sflag:s14] =	ssyncadd.s32 @!p2 $0xFFFFFF80;
	s14 =	simm.s32 @!p4 $0x4  }
0x129: {  	[tilespmem:s15], [sflag:$0x7] =	stream.indirect.gather @!p2 [hbm4b:s4+s12], $0x80, s10, s12, $0xb8;
	[tilespmem:$0x19C00] =	vst v63  }
0x12a: {  	_ =	swait.ge @!p4 [sflag:s14], $0x4000  }
0x12b: {  	s16 =	simm.s32 @!p4 $0x9C00;
	s10 =	sadd.s32 @!p4 s26, s29;
	[sflag:s14] =	ssyncset.done @!p4 $0x0  }
0x12c: {  	s12 =	simm.s32 @!p4 $0x0;
	s10 =	sadd.s32 @!p4 $0x20000, s10;
	[sflag:s14] =	ssyncadd.s32 @!p4 $0xFFFFC000  }
0x12d: {  	[hbm4b:s10+s12] =	stream.linear.scatter @!p4 [tilespmem:s16], [sflag:$0xA], $0x4000, $0x38;
	[tilespmem:$0x19C00] =	vst v63  }
0x12e: {  	_ =	swait.ge [sflag:s8], $0x4000  }
0x12f: {  	p5 =	sle.u32 s31, $0x18;
	[sflag:s8] =	ssyncset.done $0x0  }
0x130: {  	s10 =	simm.s32 @!p5 $0x1;
	[sflag:s8] =	ssyncadd.s32 $0xFFFFC000  }
0x131: {  	_ =	swait.ge @!p5 [sflag:s10], $0x80  }
0x132: {  	s14 =	simm.s32 @!p5 $0x300;
	s12 =	simm.s32 @!p5 $0x1C00;
	[sflag:s10] =	ssyncset.done @!p5 $0x0  }
0x133: {  	s16 =	simm.s32 @!p5 $0x80;
	[sflag:s10] =	ssyncadd.s32 @!p5 $0xFFFFFF80;
	s10 =	simm.s32 @!p0 $0x5  }
0x134: {  	[tilespmem:s12], [sflag:$0x2] =	stream.indirect.gather @!p5 [hbm4b:s4+s16], $0x80, s14, s16, $0xb8;
	[tilespmem:$0x19C00] =	vst v63  }
0x135: {  	_ =	swait.ge @!p0 [sflag:s10], $0x4000  }
0x136: {  	s12 =	sadd.s32 @!p0 s26, s29;
	s14 =	simm.s32 @!p0 $0x0;
	[sflag:s10] =	ssyncset.done @!p0 $0x0  }
0x137: {  	s12 =	sadd.s32 @!p0 $0x30000, s12;
	[sflag:s10] =	ssyncadd.s32 @!p0 $0xFFFFC000;
	s10 =	simm.s32 @!p3 $0x9  }
0x138: {  	[hbm4b:s12+s14] =	stream.linear.scatter @!p0 [tilespmem:s0], [sflag:$0xB], $0x4000, $0x38;
	[tilespmem:$0x19C00] =	vst v63  }
0x139: {  	_ =	swait.ge @!p3 [sflag:s10], $0x4000  }
0x13a: {  	p0 =	sle.u32 s31, $0x1C;
	[sflag:s10] =	ssyncset.done @!p3 $0x0  }
0x13b: {  	s0 =	simm.s32 @!p0 $0x1;
	[sflag:s10] =	ssyncadd.s32 @!p3 $0xFFFFC000  }
0x13c: {  	_ =	swait.ge @!p0 [sflag:s0], $0x80  }
0x13d: {  	s12 =	simm.s32 @!p0 $0x380;
	s14 =	simm.s32 @!p0 $0x80;
	[sflag:s0] =	ssyncset.done @!p0 $0x0  }
0x13e: {  	s10 =	simm.s32 @!p0 $0x5C00;
	[sflag:s0] =	ssyncadd.s32 @!p0 $0xFFFFFF80;
	s0 =	simm.s32 @!p1 $0x6  }
0x13f: {  	[tilespmem:s10], [sflag:$0x3] =	stream.indirect.gather @!p0 [hbm4b:s4+s14], $0x80, s12, s14, $0xb8;
	[tilespmem:$0x19C00] =	vst v63  }
0x140: {  	p6 =	por $0x0, $0x0;
	_ =	swait.ge @!p1 [sflag:s0], $0x4000  }
0x141: {  	s12 =	sadd.s32 @!p1 s26, s29;
	s14 =	simm.s32 @!p1 $0x0;
	[sflag:s0] =	ssyncset.done @!p1 $0x0  }
0x142: {  	s12 =	sadd.s32 @!p1 $0x40000, s12;
	[sflag:s0] =	ssyncadd.s32 @!p1 $0xFFFFC000;
	s0 =	simm.s32 @!p4 $0xA  }
0x143: {  	[hbm4b:s12+s14] =	stream.linear.scatter @!p1 [tilespmem:s11], [sflag:$0xC], $0x4000, $0x38;
	[tilespmem:$0x19C00] =	vst v63  }
0x144: {  	p3 =	por p6, p6;
	p0 =	sle.u32 s31, $0x20;
	_ =	swait.ge @!p4 [sflag:s0], $0x4000  }
0x145: {  	s10 =	simm.s32 $0x38;
	s16 =	simm.s32 @!p0 $0x9C00;
	[sflag:s0] =	ssyncset.done @!p4 $0x0  }
0x146: {  	s17 =	simm.s32 @!p0 $0x80;
	s12 =	simm.s32 @!p0 $0x1;
	[sflag:s0] =	ssyncadd.s32 @!p4 $0xFFFFC000  }
0x147: {  	s14 =	simm.s32 $0x50;
	s11 =	sadd.s32 @!p2 s26, s29;
	_ =	swait.ge @!p0 [sflag:s12], $0x80  }
0x148: {  	s18 =	sadd.s32 @!p2 $0x50000, s11;
	s11 =	simm.s32 $0x700;
	[sflag:s12] =	ssyncset.done @!p0 $0x0  }
0x149: {  	s0 =	simm.s32 @!p2 $0x7;
	[sflag:s12] =	ssyncadd.s32 @!p0 $0xFFFFFF80;
	s12 =	sadd.s32 $0x60000, s29  }
0x14a: {  	[tilespmem:s16], [sflag:$0x4] =	stream.indirect.gather @!p0 [hbm4b:s4+s17], $0x80, s13, s17, $0xb8;
	[tilespmem:$0x19C00] =	vst v63  }
0x14b: {  	s16 =	simm.s32 @!p2 $0x0;
	s13 =	simm.s32 $0x6;
	_ =	swait.ge @!p2 [sflag:s0], $0x4000  }
0x14c: {  	s19 =	smax.u32 s13, $0x3;
	s17 =	rddreg [dreg:$0x4];
	[sflag:s0] =	ssyncset.done @!p2 $0x0  }
.LBB2_2:
0x14d: {  	[sflag:s0] =	ssyncadd.s32 @!p2 $0xFFFFC000  }
0x14e: {  	[hbm4b:s18+s16] =	stream.linear.scatter @!p2 [tilespmem:s15], [sflag:$0xD], $0x4000, $0x38;
	[tilespmem:$0x19C00] =	vst v63  }
0x14f: {  	p0 =	seq.s32 s14, $0x20;
	s16 =	smov.u32 s14;
	s14 =	sadd.s32 $0x18, s14  }
0x150: {  	s19 =	sshll.u32 s19, $0x2;
	p2 =	sne.s32 s14, $0xF8  }
0x151: {  	p1 =	sge.u32 @!p3 s19, s17;
	s0 =	simm.s32 @!p2 $0x0  }
0x152: {  	p1 =	por p1, p3;
	s0 =	simm.s32 @p2 $0x1  }
0x153: {  	s24 =	sadd.s32 s10, s1;
	s17 =	simm.s32 @!p1 $0xB;
	[smem:$0x7CB] =	sst s0  }
0x154: {  	s25 =	sadd.s32 $0xFFFFFFEC, s24;
	_ =	swait.ge @!p1 [sflag:s17], $0x4000  }
0x155: {  	p4 =	sgt.u32 s25, $0xC6;
	[sflag:s17] =	ssyncset.done @!p1 $0x0  }
0x156: {  	s28 =	sadd.s32 $0xFFFFFFF0, s24;
	s21 =	simm.s32 @!p4 $0x1;
	[sflag:s17] =	ssyncadd.s32 @!p1 $0xFFFFC000  }
0x157: {  	s23 =	sadd.s32 $0xFFFFFFE4, s24;
	s15 =	sadd.s32 $0xFFFFFFF4, s24;
	_ =	swait.ge @!p4 [sflag:s21], $0x80  }
0x158: {  	s19 =	simm.s32 @!p4 $0xDC00;
	s22 =	sadd.s32 @!p4 $0xFFFFFD80, s11;
	[sflag:s21] =	ssyncset.done @!p4 $0x0  }
0x159: {  	s0 =	sadd.s32 $0xFFFFFFE8, s24;
	s24 =	simm.s32 @!p4 $0x80;
	[sflag:s21] =	ssyncadd.s32 @!p4 $0xFFFFFF80  }
0x15a: {  	[tilespmem:s19], [sflag:$0x5] =	stream.indirect.gather @!p4 [hbm4b:s4+s24], $0x80, s22, s24, $0xb8;
	[tilespmem:$0x19C00] =	vst v63  }
0x15b: {  	s24 =	smax.u32 s13, $0x2;
	_ =	swait.ge [sflag:s7], $0x4000  }
0x15c: {  	s21 =	sshll.u32 s24, $0x2;
	[sflag:s7] =	ssyncset.done $0x0;
	s22 =	rddreg [dreg:$0x5]  }
0x15d: {  	s25 =	sadd.s32 s26, s12;
	[sflag:s7] =	ssyncadd.s32 $0xFFFFC000;
	p1 =	sge.u32 @!p3 s21, s22  }
0x15e: {  	[hbm4b:s25+s2] =	stream.linear.scatter [tilespmem:s6], [sflag:$0x8], $0x4000, $0x38;
	[tilespmem:$0x19C00] =	vst v63  }
0x15f: {  	p1 =	por p1, p3  }
0x160: {  	s21 =	simm.s32 @!p1 $0xC  }
0x161: {  	_ =	swait.ge @!p1 [sflag:s21], $0x4000  }
0x162: {  	p5 =	sgt.u32 s28, $0xC6;
	[sflag:s21] =	ssyncset.done @!p1 $0x0  }
0x163: {  	p6 =	sgt.u32 s23, $0xC6;
	s18 =	simm.s32 @!p5 $0x1;
	[sflag:s21] =	ssyncadd.s32 @!p1 $0xFFFFC000  }
0x164: {  	s23 =	sadd.s32 @!p5 $0xFFFFFE00, s11;
	s24 =	simm.s32 @!p5 $0x80;
	_ =	swait.ge @!p5 [sflag:s18], $0x80  }
0x165: {  	s22 =	sadd.s32 @!p5 s26, s12;
	s25 =	sadd.s32 @!p6 s26, s12;
	[sflag:s18] =	ssyncset.done @!p5 $0x0  }
0x166: {  	s21 =	sadd.s32 @!p5 $0x40000, s22;
	s22 =	simm.s32 @!p5 $0x11C00;
	[sflag:s18] =	ssyncadd.s32 @!p5 $0xFFFFFF80  }
0x167: {  	[tilespmem:s22], [sflag:$0x6] =	stream.indirect.gather @!p5 [hbm4b:s4+s24], $0x80, s23, s24, $0xb8;
	[tilespmem:$0x19C00] =	vst v63  }
0x168: {  	s18 =	simm.s32 @!p6 $0x3;
	s23 =	sadd.s32 @!p6 $0x10000, s25  }
0x169: {  	s24 =	simm.s32 @!p6 $0x5C00;
	s25 =	smax.u32 s13, $0x1;
	_ =	swait.ge @!p6 [sflag:s18], $0x4000  }
0x16a: {  	s25 =	sshll.u32 s25, $0x2;
	[sflag:s18] =	ssyncset.done @!p6 $0x0;
	s28 =	rddreg [dreg:$0x6]  }
0x16b: {  	[sflag:s18] =	ssyncadd.s32 @!p6 $0xFFFFC000;
	s18 =	simm.s32 @!p6 $0x0;
	p1 =	sge.u32 @!p3 s25, s28  }
0x16c: {  	[hbm4b:s23+s18] =	stream.linear.scatter @!p6 [tilespmem:s24], [sflag:$0x9], $0x4000, $0x38;
	[tilespmem:$0x19C00] =	vst v63  }
0x16d: {  	p1 =	por p1, p3  }
0x16e: {  	s18 =	simm.s32 @!p1 $0xD  }
0x16f: {  	p2 =	sgt.u32 s15, $0xC6;
	_ =	swait.ge @!p1 [sflag:s18], $0x4000  }
0x170: {  	s15 =	sadd.s32 @!p2 s26, s12;
	[sflag:s18] =	ssyncset.done @!p1 $0x0  }
0x171: {  	p3 =	por p0, p0;
	s23 =	simm.s32 @!p2 $0x1;
	[sflag:s18] =	ssyncadd.s32 @!p1 $0xFFFFC000  }
0x172: {  	p0 =	sgt.u32 s0, $0xC6;
	s0 =	sadd.s32 @!p2 $0xFFFFFE80, s11;
	_ =	swait.ge @!p2 [sflag:s23], $0x80  }
0x173: {  	s24 =	simm.s32 @!p2 $0x80;
	s18 =	sadd.s32 @!p2 $0x50000, s15;
	[sflag:s23] =	ssyncset.done @!p2 $0x0  }
0x174: {  	s15 =	simm.s32 @!p2 $0x15C00;
	[sflag:s23] =	ssyncadd.s32 @!p2 $0xFFFFFF80;
	s23 =	simm.s32 @!p0 $0x4  }
0x175: {  	[tilespmem:s15], [sflag:$0x7] =	stream.indirect.gather @!p2 [hbm4b:s4+s24], $0x80, s0, s24, $0xb8;
	[tilespmem:$0x19C00] =	vst v63  }
0x176: {  	s25 =	sadd.s32 @!p0 s26, s12;
	_ =	swait.ge @!p0 [sflag:s23], $0x4000  }
0x177: {  	s0 =	sadd.s32 @!p0 $0x20000, s25;
	[sflag:s23] =	ssyncset.done @!p0 $0x0  }
0x178: {  	s24 =	simm.s32 @!p0 $0x0;
	s25 =	simm.s32 @!p0 $0x9C00;
	[sflag:s23] =	ssyncadd.s32 @!p0 $0xFFFFC000  }
0x179: {  	[hbm4b:s0+s24] =	stream.linear.scatter @!p0 [tilespmem:s25], [sflag:$0xA], $0x4000, $0x38;
	[tilespmem:$0x19C00] =	vst v63  }
0x17a: {  	s28 =	sadd.s32 $0xFFFFFFF8, s10;
	_ =	swait.ge [sflag:s8], $0x4000  }
0x17b: {  	p1 =	sge.u32 s28, s31;
	[sflag:s8] =	ssyncset.done $0x0  }
0x17c: {  	s0 =	simm.s32 @!p1 $0x1;
	[sflag:s8] =	ssyncadd.s32 $0xFFFFC000  }
0x17d: {  	_ =	swait.ge @!p1 [sflag:s0], $0x80  }
0x17e: {  	s23 =	simm.s32 @!p1 $0x1C00;
	s24 =	sadd.s32 @!p1 $0xFFFFFF00, s11;
	[sflag:s0] =	ssyncset.done @!p1 $0x0  }
0x17f: {  	s25 =	simm.s32 @!p1 $0x80;
	[sflag:s0] =	ssyncadd.s32 @!p1 $0xFFFFFF80;
	s0 =	simm.s32 @!p4 $0x5  }
0x180: {  	[tilespmem:s23], [sflag:$0x2] =	stream.indirect.gather @!p1 [hbm4b:s4+s25], $0x80, s24, s25, $0xb8;
	[tilespmem:$0x19C00] =	vst v63  }
0x181: {  	s17 =	sadd.s32 @!p4 s26, s12;
	_ =	swait.ge @!p4 [sflag:s0], $0x4000  }
0x182: {  	s20 =	sadd.s32 @!p4 $0x30000, s17;
	[sflag:s0] =	ssyncset.done @!p4 $0x0  }
0x183: {  	s23 =	simm.s32 @!p4 $0x0;
	[sflag:s0] =	ssyncadd.s32 @!p4 $0xFFFFC000;
	s0 =	simm.s32 @!p6 $0x9  }
0x184: {  	[hbm4b:s20+s23] =	stream.linear.scatter @!p4 [tilespmem:s19], [sflag:$0xB], $0x4000, $0x38;
	[tilespmem:$0x19C00] =	vst v63  }
0x185: {  	s25 =	sadd.s32 $0xFFFFFFFC, s10;
	_ =	swait.ge @!p6 [sflag:s0], $0x4000  }
0x186: {  	p1 =	sge.u32 s25, s31;
	[sflag:s0] =	ssyncset.done @!p6 $0x0  }
0x187: {  	s19 =	simm.s32 @!p1 $0x1;
	[sflag:s0] =	ssyncadd.s32 @!p6 $0xFFFFC000  }
0x188: {  	_ =	swait.ge @!p1 [sflag:s19], $0x80  }
0x189: {  	s20 =	sadd.s32 @!p1 $0xFFFFFF80, s11;
	s23 =	simm.s32 @!p1 $0x80;
	[sflag:s19] =	ssyncset.done @!p1 $0x0  }
0x18a: {  	s0 =	simm.s32 @!p1 $0x5C00;
	[sflag:s19] =	ssyncadd.s32 @!p1 $0xFFFFFF80;
	s19 =	simm.s32 @!p5 $0x6  }
0x18b: {  	[tilespmem:s0], [sflag:$0x3] =	stream.indirect.gather @!p1 [hbm4b:s4+s23], $0x80, s20, s23, $0xb8;
	[tilespmem:$0x19C00] =	vst v63  }
0x18c: {  	_ =	swait.ge @!p5 [sflag:s19], $0x4000  }
0x18d: {  	[sflag:s19] =	ssyncset.done @!p5 $0x0  }
0x18e: {  	s0 =	simm.s32 @!p5 $0x0;
	[sflag:s19] =	ssyncadd.s32 @!p5 $0xFFFFC000;
	s19 =	simm.s32 @!p0 $0xA  }
0x18f: {  	[hbm4b:s21+s0] =	stream.linear.scatter @!p5 [tilespmem:s22], [sflag:$0xC], $0x4000, $0x38;
	[tilespmem:$0x19C00] =	vst v63  }
0x190: {  	_ =	swait.ge @!p0 [sflag:s19], $0x4000  }
0x191: {  	p4 =	sge.u32 s10, s31;
	[sflag:s19] =	ssyncset.done @!p0 $0x0  }
0x192: {  	s0 =	simm.s32 @!p4 $0x1;
	[sflag:s19] =	ssyncadd.s32 @!p0 $0xFFFFC000  }
0x193: {  	s17 =	smov.u32 s11;
	_ =	swait.ge @!p4 [sflag:s0], $0x80  }
0x194: {  	s10 =	smov.u32 s16;
	s16 =	simm.s32 @!p4 $0x9C00;
	[sflag:s0] =	ssyncset.done @!p4 $0x0  }
0x195: {  	s19 =	simm.s32 @!p4 $0x80;
	[sflag:s0] =	ssyncadd.s32 @!p4 $0xFFFFFF80;
	s0 =	simm.s32 @!p2 $0x7  }
0x196: {  	[tilespmem:s16], [sflag:$0x4] =	stream.indirect.gather @!p4 [hbm4b:s4+s19], $0x80, s17, s19, $0xb8;
	[tilespmem:$0x19C00] =	vst v63  }
0x197: {  	_ =	swait.ge @!p2 [sflag:s0], $0x4000  }
0x198: {  	s28 =	sld [smem:$0x7CB];
	_ =	sdelay $0x2  }
0x199: {  	p0 =	seq.s32 s28, $0x1  }
.Ltmp0:
0x19a: {  	_ = 	snop;
	(pc) =	sbr.rel @p0 .LBB2_2-.Ltmp0, $4  }
0x19b: {  	_ = 	snop  }
0x19c: {  	s13 =	sadd.s32 $0x6, s13  }
0x19d: {  	s12 =	sadd.s32 $0x60000, s12;
	s11 =	sadd.s32 $0x300, s11;
	s16 =	simm.s32 @!p2 $0x0  }
0x19e: {  	s19 =	smax.u32 s13, $0x3;
	s17 =	rddreg [dreg:$0x4];
	[sflag:s0] =	ssyncset.done @!p2 $0x0  }
0x19f: {  	s14 =	sshll.u32 s19, $0x2;
	[sflag:s0] =	ssyncadd.s32 @!p2 $0xFFFFC000  }
0x1a0: {  	[hbm4b:s18+s16] =	stream.linear.scatter @!p2 [tilespmem:s15], [sflag:$0xD], $0x4000, $0x38;
	[tilespmem:$0x19C00] =	vst v63  }
0x1a1: {  	p0 =	sge.u32 @!p3 s14, s17  }
0x1a2: {  	p1 =	por p0, p3  }
0x1a3: {  	s28 =	sadd.s32 s10, s1;
	s0 =	simm.s32 @!p1 $0xB  }
0x1a4: {  	s16 =	sadd.s32 $0xFFFFFFEC, s28;
	_ =	swait.ge @!p1 [sflag:s0], $0x4000  }
0x1a5: {  	p0 =	sgt.u32 s16, $0xC6;
	[sflag:s0] =	ssyncset.done @!p1 $0x0  }
0x1a6: {  	s16 =	simm.s32 @!p0 $0x1;
	[sflag:s0] =	ssyncadd.s32 @!p1 $0xFFFFC000  }
0x1a7: {  	_ =	swait.ge @!p0 [sflag:s16], $0x80  }
0x1a8: {  	s14 =	simm.s32 @!p0 $0xDC00;
	[sflag:s16] =	ssyncset.done @!p0 $0x0  }
0x1a9: {  	s17 =	simm.s32 @!p0 $0x80;
	s0 =	sadd.s32 @!p0 $0xFFFFFD80, s11;
	[sflag:s16] =	ssyncadd.s32 @!p0 $0xFFFFFF80  }
0x1aa: {  	[tilespmem:s14], [sflag:$0x5] =	stream.indirect.gather @!p0 [hbm4b:s4+s17], $0x80, s0, s17, $0xb8;
	[tilespmem:$0x19C00] =	vst v63  }
0x1ab: {  	s17 =	smax.u32 s13, $0x2;
	_ =	swait.ge [sflag:s7], $0x4000  }
0x1ac: {  	s0 =	sshll.u32 s17, $0x2;
	[sflag:s7] =	ssyncset.done $0x0;
	s16 =	rddreg [dreg:$0x5]  }
0x1ad: {  	s18 =	sadd.s32 s26, s12;
	[sflag:s7] =	ssyncadd.s32 $0xFFFFC000;
	p1 =	sge.u32 @!p3 s0, s16  }
0x1ae: {  	[hbm4b:s18+s2] =	stream.linear.scatter [tilespmem:s6], [sflag:$0x8], $0x4000, $0x38;
	[tilespmem:$0x19C00] =	vst v63  }
0x1af: {  	p1 =	por p1, p3  }
0x1b0: {  	s0 =	simm.s32 @!p1 $0xC  }
0x1b1: {  	s19 =	sadd.s32 $0xFFFFFFF0, s28;
	_ =	swait.ge @!p1 [sflag:s0], $0x4000  }
0x1b2: {  	s20 =	sadd.s32 $0xFFFFFFE4, s28;
	p2 =	sgt.u32 s19, $0xC6;
	[sflag:s0] =	ssyncset.done @!p1 $0x0  }
0x1b3: {  	p5 =	sgt.u32 s20, $0xC6;
	s17 =	simm.s32 @!p2 $0x1;
	[sflag:s0] =	ssyncadd.s32 @!p1 $0xFFFFC000  }
0x1b4: {  	s21 =	smax.u32 s13, $0x1;
	s19 =	sadd.s32 @!p5 s26, s12;
	_ =	swait.ge @!p2 [sflag:s17], $0x80  }
0x1b5: {  	s16 =	sadd.s32 @!p2 $0xFFFFFE00, s11;
	s18 =	simm.s32 @!p2 $0x80;
	[sflag:s17] =	ssyncset.done @!p2 $0x0  }
0x1b6: {  	s0 =	simm.s32 @!p2 $0x11C00;
	[sflag:s17] =	ssyncadd.s32 @!p2 $0xFFFFFF80;
	s17 =	simm.s32 @!p5 $0x3  }
0x1b7: {  	[tilespmem:s0], [sflag:$0x6] =	stream.indirect.gather @!p2 [hbm4b:s4+s18], $0x80, s16, s18, $0xb8;
	[tilespmem:$0x19C00] =	vst v63  }
0x1b8: {  	s13 =	sshll.u32 s21, $0x2;
	s16 =	sadd.s32 @!p5 $0x10000, s19;
	_ =	swait.ge @!p5 [sflag:s17], $0x4000  }
0x1b9: {  	s18 =	simm.s32 @!p5 $0x5C00;
	[sflag:s17] =	ssyncset.done @!p5 $0x0;
	s19 =	rddreg [dreg:$0x6]  }
0x1ba: {  	[sflag:s17] =	ssyncadd.s32 @!p5 $0xFFFFC000;
	s17 =	simm.s32 @!p5 $0x0;
	p1 =	sge.u32 @!p3 s13, s19  }
0x1bb: {  	[hbm4b:s16+s17] =	stream.linear.scatter @!p5 [tilespmem:s18], [sflag:$0x9], $0x4000, $0x38;
	[tilespmem:$0x19C00] =	vst v63  }
0x1bc: {  	p3 =	por p1, p3  }
0x1bd: {  	s13 =	simm.s32 @!p3 $0xD  }
0x1be: {  	s22 =	sadd.s32 $0xFFFFFFF4, s28;
	_ =	swait.ge @!p3 [sflag:s13], $0x4000  }
0x1bf: {  	p1 =	sgt.u32 s22, $0xC6;
	[sflag:s13] =	ssyncset.done @!p3 $0x0  }
0x1c0: {  	s15 =	sadd.s32 $0xFFFFFFE8, s28;
	s16 =	simm.s32 @!p1 $0x1;
	[sflag:s13] =	ssyncadd.s32 @!p3 $0xFFFFC000  }
0x1c1: {  	p4 =	sgt.u32 s15, $0xC6;
	_ =	swait.ge @!p1 [sflag:s16], $0x80  }
0x1c2: {  	s15 =	sadd.s32 @!p1 $0xFFFFFE80, s11;
	s17 =	simm.s32 @!p1 $0x80;
	[sflag:s16] =	ssyncset.done @!p1 $0x0  }
0x1c3: {  	s13 =	simm.s32 @!p1 $0x15C00;
	[sflag:s16] =	ssyncadd.s32 @!p1 $0xFFFFFF80;
	s16 =	simm.s32 @!p4 $0x4  }
0x1c4: {  	[tilespmem:s13], [sflag:$0x7] =	stream.indirect.gather @!p1 [hbm4b:s4+s17], $0x80, s15, s17, $0xb8;
	[tilespmem:$0x19C00] =	vst v63  }
0x1c5: {  	_ =	swait.ge @!p4 [sflag:s16], $0x4000  }
0x1c6: {  	s18 =	simm.s32 @!p4 $0x9C00;
	s15 =	sadd.s32 @!p4 s26, s12;
	[sflag:s16] =	ssyncset.done @!p4 $0x0  }
0x1c7: {  	s17 =	simm.s32 @!p4 $0x0;
	s15 =	sadd.s32 @!p4 $0x20000, s15;
	[sflag:s16] =	ssyncadd.s32 @!p4 $0xFFFFC000  }
0x1c8: {  	[hbm4b:s15+s17] =	stream.linear.scatter @!p4 [tilespmem:s18], [sflag:$0xA], $0x4000, $0x38;
	[tilespmem:$0x19C00] =	vst v63  }
0x1c9: {  	s23 =	sadd.s32 $0xFFFFFFF8, s10;
	_ =	swait.ge [sflag:s8], $0x4000  }
0x1ca: {  	p3 =	sge.u32 s23, s31;
	[sflag:s8] =	ssyncset.done $0x0  }
0x1cb: {  	s15 =	simm.s32 @!p3 $0x1;
	[sflag:s8] =	ssyncadd.s32 $0xFFFFC000  }
0x1cc: {  	_ =	swait.ge @!p3 [sflag:s15], $0x80  }
0x1cd: {  	s16 =	simm.s32 @!p3 $0x1C00;
	s17 =	sadd.s32 @!p3 $0xFFFFFF00, s11;
	[sflag:s15] =	ssyncset.done @!p3 $0x0  }
0x1ce: {  	s18 =	simm.s32 @!p3 $0x80;
	[sflag:s15] =	ssyncadd.s32 @!p3 $0xFFFFFF80;
	s15 =	simm.s32 @!p0 $0x5  }
0x1cf: {  	[tilespmem:s16], [sflag:$0x2] =	stream.indirect.gather @!p3 [hbm4b:s4+s18], $0x80, s17, s18, $0xb8;
	[tilespmem:$0x19C00] =	vst v63  }
0x1d0: {  	_ =	swait.ge @!p0 [sflag:s15], $0x4000  }
0x1d1: {  	s16 =	sadd.s32 @!p0 s26, s12;
	s17 =	simm.s32 @!p0 $0x0;
	[sflag:s15] =	ssyncset.done @!p0 $0x0  }
0x1d2: {  	s16 =	sadd.s32 @!p0 $0x30000, s16;
	[sflag:s15] =	ssyncadd.s32 @!p0 $0xFFFFC000;
	s15 =	simm.s32 @!p5 $0x9  }
0x1d3: {  	[hbm4b:s16+s17] =	stream.linear.scatter @!p0 [tilespmem:s14], [sflag:$0xB], $0x4000, $0x38;
	[tilespmem:$0x19C00] =	vst v63  }
0x1d4: {  	s24 =	sadd.s32 $0xFFFFFFFC, s10;
	_ =	swait.ge @!p5 [sflag:s15], $0x4000  }
0x1d5: {  	p0 =	sge.u32 s24, s31;
	[sflag:s15] =	ssyncset.done @!p5 $0x0  }
0x1d6: {  	s14 =	simm.s32 @!p0 $0x1;
	[sflag:s15] =	ssyncadd.s32 @!p5 $0xFFFFC000  }
0x1d7: {  	_ =	swait.ge @!p0 [sflag:s14], $0x80  }
0x1d8: {  	s16 =	sadd.s32 @!p0 $0xFFFFFF80, s11;
	s17 =	simm.s32 @!p0 $0x80;
	[sflag:s14] =	ssyncset.done @!p0 $0x0  }
0x1d9: {  	s15 =	simm.s32 @!p0 $0x5C00;
	[sflag:s14] =	ssyncadd.s32 @!p0 $0xFFFFFF80;
	s14 =	simm.s32 @!p2 $0x6  }
0x1da: {  	[tilespmem:s15], [sflag:$0x3] =	stream.indirect.gather @!p0 [hbm4b:s4+s17], $0x80, s16, s17, $0xb8;
	[tilespmem:$0x19C00] =	vst v63  }
0x1db: {  	_ =	swait.ge @!p2 [sflag:s14], $0x4000  }
0x1dc: {  	s15 =	sadd.s32 @!p2 s26, s12;
	s16 =	simm.s32 @!p2 $0x0;
	[sflag:s14] =	ssyncset.done @!p2 $0x0  }
0x1dd: {  	s15 =	sadd.s32 @!p2 $0x40000, s15;
	[sflag:s14] =	ssyncadd.s32 @!p2 $0xFFFFC000;
	s14 =	simm.s32 @!p4 $0xA  }
0x1de: {  	[hbm4b:s15+s16] =	stream.linear.scatter @!p2 [tilespmem:s0], [sflag:$0xC], $0x4000, $0x38;
	[tilespmem:$0x19C00] =	vst v63  }
0x1df: {  	_ =	swait.ge @!p4 [sflag:s14], $0x4000  }
0x1e0: {  	p0 =	sge.u32 s10, s31;
	[sflag:s14] =	ssyncset.done @!p4 $0x0  }
0x1e1: {  	s0 =	simm.s32 @!p0 $0x1;
	[sflag:s14] =	ssyncadd.s32 @!p4 $0xFFFFC000  }
0x1e2: {  	_ =	swait.ge @!p0 [sflag:s0], $0x80  }
0x1e3: {  	s10 =	simm.s32 @!p0 $0x9C00;
	[sflag:s0] =	ssyncset.done @!p0 $0x0  }
0x1e4: {  	s14 =	simm.s32 @!p0 $0x80;
	[sflag:s0] =	ssyncadd.s32 @!p0 $0xFFFFFF80;
	s0 =	simm.s32 @!p1 $0x7  }
0x1e5: {  	[tilespmem:s10], [sflag:$0x4] =	stream.indirect.gather @!p0 [hbm4b:s4+s14], $0x80, s11, s14, $0xb8;
	[tilespmem:$0x19C00] =	vst v63  }
0x1e6: {  	_ =	swait.ge @!p1 [sflag:s0], $0x4000  }
0x1e7: {  	s10 =	sadd.s32 @!p1 s26, s12;
	[sflag:s0] =	ssyncset.done @!p1 $0x0;
	s25 =	sld [smem:$0x7FC]  }
0x1e8: {  	s11 =	simm.s32 @!p1 $0x0;
	s10 =	sadd.s32 @!p1 $0x50000, s10;
	[sflag:s0] =	ssyncadd.s32 @!p1 $0xFFFFC000  }
0x1e9: {  	[hbm4b:s10+s11] =	stream.linear.scatter @!p1 [tilespmem:s13], [sflag:$0xD], $0x4000, $0x38;
	[tilespmem:$0x19C00] =	vst v63  }
0x1ea: {  	p1 =	seq.s32 s25, $0x1  }
0x1eb: {  	s0 =	simm.s32 @!p1 $0x1  }
0x1ec: {  	_ =	swait.ge @!p1 [sflag:s0], $0x80  }
0x1ed: {  	s28 =	sld [smem:$0x7FB];
	_ =	sdelay $0x1  }
0x1ee: {  	s9 =	sadd.s32 $0x1, s9  }
0x1ef: {  	p0 =	sne.s32 s9, s28  }
.Ltmp1:
0x1f0: {  	_ = 	snop;
	(pc) =	sbr.rel @p0 .LBB2_1-.Ltmp1, $3  }
0x1f1: {  	_ =	sdelay $0x1  }
0x1f2: {  	[sflag:s0] =	ssyncset.done @!p1 $0x0  }
0x1f3: {  	[sflag:s0] =	ssyncadd.s32 @!p1 $0xFFFFFF80  }
0x1f4: {  	_ =	sfence.sel $0x180000  }
0x1f5: {  	[bflag:$0x0] =	sbarrier.arrive $0xFFFF  }
0x1f6: {  	_ =	strace $0x90000047  }
0x1f7: {  	s0 =	stileid.u32;
	[bflag:$0x2] =	sbarrier.arrive $0xFFFF  }
0x1f8: {  	p0 =	sne.s32 s0, $0x0;
	s0 =	rddreg [dreg:$0x3]  }
0x1f9: {  	s0 =	sadd.s32 @!p0 $0x100000, s0  }
0x1fa: {  	[sflag:s0] =	ssyncadd.tile.s32 @!p0 $0x1;
	_ =	shalt  }
.Lfunc_end2:
_tile_overlayer_lowered:
.L_overlay_start_2:
0x1fb: {  	(tag) =	ssettag $0x2  }
0x1fc: {  	s0 =	rddreg [dreg:$0x0];
	s2 =	stileid.u32  }
0x1fd: {  	s1 =	rddreg [dreg:$0x1];
	p0 =	sne.s32 s2, $0x0  }
0x1fe: {  	s3 =	rddreg [dreg:$0x2];
	[bflag:$0x3] =	sbarrier.arrive $0xFFFF;
	s2 =	simm.s32 @!p0 $0x1C0E  }
0x1ff: {  	[timem:s3], [sflag:s2] =	dma.local @!p0 [hbm:s0], s1  }
0x200: {  	s0 =	simm.s32 @!p0 $0xE  }
0x201: {  	_ =	swait.ge @!p0 [sflag:s0], s1  }
0x202: {  	s1 =	ssub.s32 @!p0 $0x0, s1;
	[sflag:s0] =	ssyncset.done @!p0 $0x0  }
0x203: {  	[sflag:s0] =	ssyncadd.s32 @!p0 s1  }
0x204: {  	[bflag:$0x3] =	sbarrier.arrive $0xFFFF  }
0x205: {  	_ =	shalt  }

</sc_bundles>
